<compile_context>
chip_gen: v7x
topology: tpu7x:2x2x1
jax: 0.10.2.dev20260603
libtpu: 0.0.44.dev20260713+nightly
codegen_flags: <defaults>
</compile_context>

<pallas_src>
import functools

import jax
import jax.numpy as jnp
from jax import lax
from jax.experimental import pallas as pl
from jax.experimental.pallas import tpu as pltpu
from jax.experimental.pallas import tpu_sc as plsc

B = 16384
MAX_F = 32
NUM_F = 768
FT_OUT = 256

NC, NS, L = 2, 16, 16
NW = NC * NS
R = 64
SEGS = (8192, 8192)
TB = 2048


def _make_sc_body(nb):
    rows_per_w = nb // NW
    ch = rows_per_w // R

    def _sc_body(stm_hbm, nstm_hbm, val_hbm, out_hbm,
                 stm_v, nstm_v, val_v, s_a, s_b, sem_a, sem_b, sem_in):
        wid = lax.axis_index("s") * NC + lax.axis_index("c")
        base_row = wid * rows_per_w

        zero16 = jnp.zeros((L,), jnp.float32)
        ones16 = jnp.ones((L,), jnp.int32)
        rowv0 = jnp.zeros((L,), jnp.int32)

        @plsc.parallel_loop(0, R, unroll=2)
        def _zinit(r):
            for j in range(NUM_F // L):
                s_a[r, pl.ds(j * L, L)] = zero16
                s_b[r, pl.ds(j * L, L)] = zero16

        def _scatter_set(idx_v, s_v):
            @plsc.parallel_loop(0, R, unroll=4, carry=rowv0)
            def _row(r, rowv):
                for j in range(MAX_F // L):
                    iv = idx_v[r, pl.ds(j * L, L)]
                    vv = val_v[r, pl.ds(j * L, L)]
                    plsc.addupdate_scatter(s_v, [rowv, iv], vv)
                return rowv + ones16

        def _zero_set(idx_v, s_v):
            @plsc.parallel_loop(0, R, unroll=4, carry=rowv0)
            def _zrow(r, rowv):
                for j in range(MAX_F // L):
                    iv = idx_v[r, pl.ds(j * L, L)]
                    plsc.store_scatter(s_v, [rowv, iv], zero16)
                return rowv + ones16

        def _stage(brow0):
            ca = pltpu.make_async_copy(stm_hbm.at[pl.ds(brow0, R), :], stm_v, sem_in)
            cb = pltpu.make_async_copy(nstm_hbm.at[pl.ds(brow0, R), :], nstm_v, sem_in)
            cc = pltpu.make_async_copy(val_hbm.at[pl.ds(brow0, R), :], val_v, sem_in)
            ca.start()
            cb.start()
            cc.start()
            ca.wait()
            cb.wait()
            cc.wait()

        def _chunk(ci, c):
            brow0 = pl.multiple_of(base_row + ci * R, R)
            @pl.when(ci > 0)
            def _():
                pltpu.make_async_copy(s_a, out_hbm.at[pl.ds(brow0 - R, R), :], sem_a).wait()
                _zero_set(stm_v, s_a)
                pltpu.make_async_copy(s_b, out_hbm.at[pl.ds(nb + brow0 - R, R), :], sem_b).wait()
                _zero_set(nstm_v, s_b)
            _stage(brow0)
            _scatter_set(stm_v, s_a)
            pltpu.async_copy(s_a, out_hbm.at[pl.ds(brow0, R), :], sem_a)
            _scatter_set(nstm_v, s_b)
            pltpu.async_copy(s_b, out_hbm.at[pl.ds(nb + brow0, R), :], sem_b)
            return c
        lax.fori_loop(0, ch, _chunk, 0)

        last = pl.multiple_of(base_row + (ch - 1) * R, R)
        pltpu.make_async_copy(s_a, out_hbm.at[pl.ds(last, R), :], sem_a).wait()
        pltpu.make_async_copy(s_b, out_hbm.at[pl.ds(nb + last, R), :], sem_b).wait()

    return _sc_body


@functools.cache
def _sc_scatter(nb):
    return pl.kernel(
        _make_sc_body(nb),
        mesh=plsc.VectorSubcoreMesh(core_axis_name="c", subcore_axis_name="s"),
        compiler_params=pltpu.CompilerParams(needs_layout_passes=False),
        out_type=jax.ShapeDtypeStruct((2 * nb, NUM_F), jnp.float32),
        scratch_types=[
            pltpu.VMEM((R, MAX_F), jnp.int32),
            pltpu.VMEM((R, MAX_F), jnp.int32),
            pltpu.VMEM((R, MAX_F), jnp.float32),
            pltpu.VMEM((R, NUM_F), jnp.float32),
            pltpu.VMEM((R, NUM_F), jnp.float32),
            pltpu.SemaphoreType.DMA,
            pltpu.SemaphoreType.DMA,
            pltpu.SemaphoreType.DMA,
        ],
    )


def _tc_body(s1_ref, s2_ref, w_ref, b_ref, ow_ref, ob_ref, o_ref):
    w = w_ref[...].astype(jnp.bfloat16)
    h1 = jnp.dot(s1_ref[...].astype(jnp.bfloat16), w,
                 preferred_element_type=jnp.float32) + b_ref[...]
    h2 = jnp.dot(s2_ref[...].astype(jnp.bfloat16), w,
                 preferred_element_type=jnp.float32) + b_ref[...]
    h1 = jnp.clip(h1, 0.0, 1.0)
    h2 = jnp.clip(h2, 0.0, 1.0)
    ow = ow_ref[...]
    acc = (jnp.sum(h1 * ow[:, :FT_OUT], axis=1, keepdims=True)
           + jnp.sum(h2 * ow[:, FT_OUT:], axis=1, keepdims=True))
    o_ref[...] = jax.nn.sigmoid(acc + ob_ref[...])


def _tc_head(s, nb, ft_weight, ft_bias, out_weight, out_bias):
    tb = min(TB, nb)
    grid = nb // tb
    return pl.pallas_call(
        _tc_body,
        grid=(grid,),
        in_specs=[
            pl.BlockSpec((tb, NUM_F), lambda i: (i, 0)),
            pl.BlockSpec((tb, NUM_F), lambda i: (nb // tb + i, 0)),
            pl.BlockSpec((NUM_F, FT_OUT), lambda i: (0, 0)),
            pl.BlockSpec((1, FT_OUT), lambda i: (0, 0)),
            pl.BlockSpec((1, 2 * FT_OUT), lambda i: (0, 0)),
            pl.BlockSpec((1, 1), lambda i: (0, 0)),
        ],
        out_specs=pl.BlockSpec((tb, 1), lambda i: (i, 0)),
        out_shape=jax.ShapeDtypeStruct((nb, 1), jnp.float32),
    )(s, s, ft_weight, ft_bias.reshape(1, FT_OUT),
      out_weight.reshape(1, 2 * FT_OUT), out_bias.reshape(1, 1))


def kernel(values, stm_indices, nstm_indices, ft_weight, ft_bias, out_weight, out_bias):
    values = values.reshape(B, MAX_F).astype(jnp.float32)
    stm = stm_indices.reshape(B, MAX_F).astype(jnp.int32)
    nstm = nstm_indices.reshape(B, MAX_F).astype(jnp.int32)

    outs = []
    lo = 0
    for nb in SEGS:
        s = _sc_scatter(nb)(stm[lo:lo + nb], nstm[lo:lo + nb], values[lo:lo + nb])
        outs.append(_tc_head(s, nb, ft_weight, ft_bias, out_weight, out_bias))
        lo += nb
    return jnp.concatenate(outs, axis=0) if len(SEGS) > 1 else outs[0]

# --- scband reference (transcript-rebuilt; emitter-appended) ---
"""Pipeline reference for scband-nn-board768-cuda-36498632081979 (READ-ONLY COPY).

The authoritative reference and input builder live on the scoring server;
editing this copy changes nothing except your own understanding.
"""

import jax, jax.numpy as jnp
import numpy as np

B = 16384
MAX_FEATURES = 32
NUM_FEATURES = 768
FT_OUT = 256

def setup_inputs(seed: int = 0) -> dict:
    key = jax.random.key(seed)
    k1, k2, k3, k4, k5, k6, k7 = jax.random.split(key, 7)
    values = jax.random.uniform(k1, (B, MAX_FEATURES), dtype=jnp.float32)
    stm_indices = jax.random.randint(k2, (B, MAX_FEATURES), 0, NUM_FEATURES, dtype=jnp.int32)
    nstm_indices = jax.random.randint(k3, (B, MAX_FEATURES), 0, NUM_FEATURES, dtype=jnp.int32)
    # DoubleFeatureTransformerSlice parameters: shared embedding table + bias
    ft_weight = jax.random.normal(k4, (NUM_FEATURES, FT_OUT), dtype=jnp.float32) * 0.05
    ft_bias = jax.random.normal(k5, (FT_OUT,), dtype=jnp.float32) * 0.05
    # Output linear layer: Linear(ft_out*2, 1)
    out_weight = jax.random.normal(k6, (1, FT_OUT * 2), dtype=jnp.float32) * 0.05
    out_bias = jax.random.normal(k7, (1,), dtype=jnp.float32) * 0.05
    return {"values": values, "stm_indices": stm_indices, "nstm_indices": nstm_indices,
            "ft_weight": ft_weight, "ft_bias": ft_bias,
            "out_weight": out_weight, "out_bias": out_bias}

def _feature_transform(indices, values, ft_weight, ft_bias):
    # weighted embedding-bag: sum_f values[b,f] * ft_weight[indices[b,f]] + bias
    gathered = jnp.take(ft_weight, indices, axis=0)  # [B, MAX_FEATURES, FT_OUT]
    return jnp.einsum('bf,bfd->bd', values, gathered) + ft_bias

def reference(values, stm_indices, nstm_indices, ft_weight, ft_bias, out_weight, out_bias):
    values = values.reshape(-1, MAX_FEATURES)
    stm_indices = stm_indices.reshape(-1, MAX_FEATURES).astype(jnp.int32)
    nstm_indices = nstm_indices.reshape(-1, MAX_FEATURES).astype(jnp.int32)
    stm_ft = _feature_transform(stm_indices, values, ft_weight, ft_bias)
    nstm_ft = _feature_transform(nstm_indices, values, ft_weight, ft_bias)
    hidden = jnp.clip(jnp.concatenate([stm_ft, nstm_ft], axis=1), 0.0, 1.0)
    return jax.nn.sigmoid(hidden @ out_weight.T + out_bias)

if __name__ == "__main__":
    import jax
    _d = setup_inputs()
    print(jax.jit(kernel)(*tuple(_d.values())))

</pallas_src>

<mosaic_0001>
#map = affine_map<(d0, d1) -> (0, 0)>
module attributes {stable_mosaic.version = 14 : i64} {
  func.func @_sc_body(%arg0: i32, %arg1: i32, %arg2: memref<8192x32xi32, #tpu.memory_space<hbm>>, %arg3: memref<8192x32xi32, #tpu.memory_space<hbm>>, %arg4: memref<8192x32xf32, #tpu.memory_space<hbm>>, %arg5: memref<16384x768xf32, #tpu.memory_space<hbm>>, %arg6: memref<64x32xi32, #tpu.memory_space<vmem>>, %arg7: memref<64x32xi32, #tpu.memory_space<vmem>>, %arg8: memref<64x32xf32, #tpu.memory_space<vmem>>, %arg9: memref<64x768xf32, #tpu.memory_space<vmem>>, %arg10: memref<64x768xf32, #tpu.memory_space<vmem>>, %arg11: memref<!tpu.dma_semaphore, #tpu.memory_space<semaphore_mem>>, %arg12: memref<!tpu.dma_semaphore, #tpu.memory_space<semaphore_mem>>, %arg13: memref<!tpu.dma_semaphore, #tpu.memory_space<semaphore_mem>>) attributes {dimension_semantics = [#tpu.dimension_semantics<core_parallel>, #tpu.dimension_semantics<subcore_parallel>], iteration_bounds = array<i64: 2, 16>, scalar_prefetch = 0 : i64, scratch_operands = 8 : i64, tpu.core_type = #tpu.core_type<sc_vector_subcore>, window_params = [{transform_indices = #map}, {transform_indices = #map}, {transform_indices = #map}, {transform_indices = #map}]} {
    %mul3A = arith.constant 2 : i32
    %mul3A_0 = arith.muli %arg1, %mul3A : i32
    %add3A = arith.addi %mul3A_0, %arg0 : i32
    %mul3A_1 = arith.constant 256 : i32
    %mul3A_2 = arith.muli %add3A, %mul3A_1 : i32
    %broadcast_in_dim3A = arith.constant 0.000000e+00 : f32
    %broadcast_in_dim3A_3 = vector.broadcast %broadcast_in_dim3A : f32 to vector<16xf32>
    %broadcast_in_dim3A_4 = arith.constant 1 : i32
    %broadcast_in_dim3A_5 = vector.broadcast %broadcast_in_dim3A_4 : i32 to vector<16xi32>
    %broadcast_in_dim3A_6 = arith.constant 0 : i32
    %broadcast_in_dim3A_7 = vector.broadcast %broadcast_in_dim3A_6 : i32 to vector<16xi32>
    %parallel_loop3A = arith.constant 0 : i32
    %parallel_loop3A_8 = arith.constant 64 : i32
    %parallel_loop3A_9 = arith.constant 1 : i32
    scf.for %parallel_loop3A_26 = %parallel_loop3A to %parallel_loop3A_8 step %parallel_loop3A_9  : i32 {
      %parallel_loop3A_27 = arith.index_cast %parallel_loop3A_26 : i32 to index
      %parallel_loop3A_28 = arith.constant 0 : index
      %parallel_loop3A_29 = tpu.vector_load %arg9[%parallel_loop3A_27, %parallel_loop3A_28] {strides = array<i32>} : memref<64x768xf32, #tpu.memory_space<vmem>>, vector<16xf32>,
      tpu.vector_store %arg9[%parallel_loop3A_27, %parallel_loop3A_28], %broadcast_in_dim3A_3 {strides = array<i32>} : memref<64x768xf32, #tpu.memory_space<vmem>>, vector<16xf32>,
      %parallel_loop3A_30 = arith.index_cast %parallel_loop3A_26 : i32 to index
      %parallel_loop3A_31 = arith.constant 0 : index
      %parallel_loop3A_32 = tpu.vector_load %arg10[%parallel_loop3A_30, %parallel_loop3A_31] {strides = array<i32>} : memref<64x768xf32, #tpu.memory_space<vmem>>, vector<16xf32>,
      tpu.vector_store %arg10[%parallel_loop3A_30, %parallel_loop3A_31], %broadcast_in_dim3A_3 {strides = array<i32>} : memref<64x768xf32, #tpu.memory_space<vmem>>, vector<16xf32>,
      %parallel_loop3A_33 = arith.index_cast %parallel_loop3A_26 : i32 to index
      %parallel_loop3A_34 = arith.constant 16 : index
      %parallel_loop3A_35 = tpu.vector_load %arg9[%parallel_loop3A_33, %parallel_loop3A_34] {strides = array<i32>} : memref<64x768xf32, #tpu.memory_space<vmem>>, vector<16xf32>,
      tpu.vector_store %arg9[%parallel_loop3A_33, %parallel_loop3A_34], %broadcast_in_dim3A_3 {strides = array<i32>} : memref<64x768xf32, #tpu.memory_space<vmem>>, vector<16xf32>,
      %parallel_loop3A_36 = arith.index_cast %parallel_loop3A_26 : i32 to index
      %parallel_loop3A_37 = arith.constant 16 : index
      %parallel_loop3A_38 = tpu.vector_load %arg10[%parallel_loop3A_36, %parallel_loop3A_37] {strides = array<i32>} : memref<64x768xf32, #tpu.memory_space<vmem>>, vector<16xf32>,
      tpu.vector_store %arg10[%parallel_loop3A_36, %parallel_loop3A_37], %broadcast_in_dim3A_3 {strides = array<i32>} : memref<64x768xf32, #tpu.memory_space<vmem>>, vector<16xf32>,
      %parallel_loop3A_39 = arith.index_cast %parallel_loop3A_26 : i32 to index
      %parallel_loop3A_40 = arith.constant 32 : index
      %parallel_loop3A_41 = tpu.vector_load %arg9[%parallel_loop3A_39, %parallel_loop3A_40] {strides = array<i32>} : memref<64x768xf32, #tpu.memory_space<vmem>>, vector<16xf32>,
      tpu.vector_store %arg9[%parallel_loop3A_39, %parallel_loop3A_40], %broadcast_in_dim3A_3 {strides = array<i32>} : memref<64x768xf32, #tpu.memory_space<vmem>>, vector<16xf32>,
      %parallel_loop3A_42 = arith.index_cast %parallel_loop3A_26 : i32 to index
      %parallel_loop3A_43 = arith.constant 32 : index
      %parallel_loop3A_44 = tpu.vector_load %arg10[%parallel_loop3A_42, %parallel_loop3A_43] {strides = array<i32>} : memref<64x768xf32, #tpu.memory_space<vmem>>, vector<16xf32>,
      tpu.vector_store %arg10[%parallel_loop3A_42, %parallel_loop3A_43], %broadcast_in_dim3A_3 {strides = array<i32>} : memref<64x768xf32, #tpu.memory_space<vmem>>, vector<16xf32>,
      %parallel_loop3A_45 = arith.index_cast %parallel_loop3A_26 : i32 to index
      %parallel_loop3A_46 = arith.constant 48 : index
      %parallel_loop3A_47 = tpu.vector_load %arg9[%parallel_loop3A_45, %parallel_loop3A_46] {strides = array<i32>} : memref<64x768xf32, #tpu.memory_space<vmem>>, vector<16xf32>,
      tpu.vector_store %arg9[%parallel_loop3A_45, %parallel_loop3A_46], %broadcast_in_dim3A_3 {strides = array<i32>} : memref<64x768xf32, #tpu.memory_space<vmem>>, vector<16xf32>,
      %parallel_loop3A_48 = arith.index_cast %parallel_loop3A_26 : i32 to index
      %parallel_loop3A_49 = arith.constant 48 : index
      %parallel_loop3A_50 = tpu.vector_load %arg10[%parallel_loop3A_48, %parallel_loop3A_49] {strides = array<i32>} : memref<64x768xf32, #tpu.memory_space<vmem>>, vector<16xf32>,
      tpu.vector_store %arg10[%parallel_loop3A_48, %parallel_loop3A_49], %broadcast_in_dim3A_3 {strides = array<i32>} : memref<64x768xf32, #tpu.memory_space<vmem>>, vector<16xf32>,
      %parallel_loop3A_51 = arith.index_cast %parallel_loop3A_26 : i32 to index
      %parallel_loop3A_52 = arith.constant 64 : index
      %parallel_loop3A_53 = tpu.vector_load %arg9[%parallel_loop3A_51, %parallel_loop3A_52] {strides = array<i32>} : memref<64x768xf32, #tpu.memory_space<vmem>>, vector<16xf32>,
      tpu.vector_store %arg9[%parallel_loop3A_51, %parallel_loop3A_52], %broadcast_in_dim3A_3 {strides = array<i32>} : memref<64x768xf32, #tpu.memory_space<vmem>>, vector<16xf32>,
      %parallel_loop3A_54 = arith.index_cast %parallel_loop3A_26 : i32 to index
      %parallel_loop3A_55 = arith.constant 64 : index
      %parallel_loop3A_56 = tpu.vector_load %arg10[%parallel_loop3A_54, %parallel_loop3A_55] {strides = array<i32>} : memref<64x768xf32, #tpu.memory_space<vmem>>, vector<16xf32>,
      tpu.vector_store %arg10[%parallel_loop3A_54, %parallel_loop3A_55], %broadcast_in_dim3A_3 {strides = array<i32>} : memref<64x768xf32, #tpu.memory_space<vmem>>, vector<16xf32>,
      %parallel_loop3A_57 = arith.index_cast %parallel_loop3A_26 : i32 to index
      %parallel_loop3A_58 = arith.constant 80 : index
      %parallel_loop3A_59 = tpu.vector_load %arg9[%parallel_loop3A_57, %parallel_loop3A_58] {strides = array<i32>} : memref<64x768xf32, #tpu.memory_space<vmem>>, vector<16xf32>,
      tpu.vector_store %arg9[%parallel_loop3A_57, %parallel_loop3A_58], %broadcast_in_dim3A_3 {strides = array<i32>} : memref<64x768xf32, #tpu.memory_space<vmem>>, vector<16xf32>,
      %parallel_loop3A_60 = arith.index_cast %parallel_loop3A_26 : i32 to index
      %parallel_loop3A_61 = arith.constant 80 : index
      %parallel_loop3A_62 = tpu.vector_load %arg10[%parallel_loop3A_60, %parallel_loop3A_61] {strides = array<i32>} : memref<64x768xf32, #tpu.memory_space<vmem>>, vector<16xf32>,
      tpu.vector_store %arg10[%parallel_loop3A_60, %parallel_loop3A_61], %broadcast_in_dim3A_3 {strides = array<i32>} : memref<64x768xf32, #tpu.memory_space<vmem>>, vector<16xf32>,
      %parallel_loop3A_63 = arith.index_cast %parallel_loop3A_26 : i32 to index
      %parallel_loop3A_64 = arith.constant 96 : index
      %parallel_loop3A_65 = tpu.vector_load %arg9[%parallel_loop3A_63, %parallel_loop3A_64] {strides = array<i32>} : memref<64x768xf32, #tpu.memory_space<vmem>>, vector<16xf32>,
      tpu.vector_store %arg9[%parallel_loop3A_63, %parallel_loop3A_64], %broadcast_in_dim3A_3 {strides = array<i32>} : memref<64x768xf32, #tpu.memory_space<vmem>>, vector<16xf32>,
      %parallel_loop3A_66 = arith.index_cast %parallel_loop3A_26 : i32 to index
      %parallel_loop3A_67 = arith.constant 96 : index
      %parallel_loop3A_68 = tpu.vector_load %arg10[%parallel_loop3A_66, %parallel_loop3A_67] {strides = array<i32>} : memref<64x768xf32, #tpu.memory_space<vmem>>, vector<16xf32>,
      tpu.vector_store %arg10[%parallel_loop3A_66, %parallel_loop3A_67], %broadcast_in_dim3A_3 {strides = array<i32>} : memref<64x768xf32, #tpu.memory_space<vmem>>, vector<16xf32>,
      %parallel_loop3A_69 = arith.index_cast %parallel_loop3A_26 : i32 to index
      %parallel_loop3A_70 = arith.constant 112 : index
      %parallel_loop3A_71 = tpu.vector_load %arg9[%parallel_loop3A_69, %parallel_loop3A_70] {strides = array<i32>} : memref<64x768xf32, #tpu.memory_space<vmem>>, vector<16xf32>,
      tpu.vector_store %arg9[%parallel_loop3A_69, %parallel_loop3A_70], %broadcast_in_dim3A_3 {strides = array<i32>} : memref<64x768xf32, #tpu.memory_space<vmem>>, vector<16xf32>,
      %parallel_loop3A_72 = arith.index_cast %parallel_loop3A_26 : i32 to index
      %parallel_loop3A_73 = arith.constant 112 : index
      %parallel_loop3A_74 = tpu.vector_load %arg10[%parallel_loop3A_72, %parallel_loop3A_73] {strides = array<i32>} : memref<64x768xf32, #tpu.memory_space<vmem>>, vector<16xf32>,
      tpu.vector_store %arg10[%parallel_loop3A_72, %parallel_loop3A_73], %broadcast_in_dim3A_3 {strides = array<i32>} : memref<64x768xf32, #tpu.memory_space<vmem>>, vector<16xf32>,
      %parallel_loop3A_75 = arith.index_cast %parallel_loop3A_26 : i32 to index
      %parallel_loop3A_76 = arith.constant 128 : index
      %parallel_loop3A_77 = tpu.vector_load %arg9[%parallel_loop3A_75, %parallel_loop3A_76] {strides = array<i32>} : memref<64x768xf32, #tpu.memory_space<vmem>>, vector<16xf32>,
      tpu.vector_store %arg9[%parallel_loop3A_75, %parallel_loop3A_76], %broadcast_in_dim3A_3 {strides = array<i32>} : memref<64x768xf32, #tpu.memory_space<vmem>>, vector<16xf32>,
      %parallel_loop3A_78 = arith.index_cast %parallel_loop3A_26 : i32 to index
      %parallel_loop3A_79 = arith.constant 128 : index
      %parallel_loop3A_80 = tpu.vector_load %arg10[%parallel_loop3A_78, %parallel_loop3A_79] {strides = array<i32>} : memref<64x768xf32, #tpu.memory_space<vmem>>, vector<16xf32>,
      tpu.vector_store %arg10[%parallel_loop3A_78, %parallel_loop3A_79], %broadcast_in_dim3A_3 {strides = array<i32>} : memref<64x768xf32, #tpu.memory_space<vmem>>, vector<16xf32>,
      %parallel_loop3A_81 = arith.index_cast %parallel_loop3A_26 : i32 to index
      %parallel_loop3A_82 = arith.constant 144 : index
      %parallel_loop3A_83 = tpu.vector_load %arg9[%parallel_loop3A_81, %parallel_loop3A_82] {strides = array<i32>} : memref<64x768xf32, #tpu.memory_space<vmem>>, vector<16xf32>,
      tpu.vector_store %arg9[%parallel_loop3A_81, %parallel_loop3A_82], %broadcast_in_dim3A_3 {strides = array<i32>} : memref<64x768xf32, #tpu.memory_space<vmem>>, vector<16xf32>,
      %parallel_loop3A_84 = arith.index_cast %parallel_loop3A_26 : i32 to index
      %parallel_loop3A_85 = arith.constant 144 : index
      %parallel_loop3A_86 = tpu.vector_load %arg10[%parallel_loop3A_84, %parallel_loop3A_85] {strides = array<i32>} : memref<64x768xf32, #tpu.memory_space<vmem>>, vector<16xf32>,
      tpu.vector_store %arg10[%parallel_loop3A_84, %parallel_loop3A_85], %broadcast_in_dim3A_3 {strides = array<i32>} : memref<64x768xf32, #tpu.memory_space<vmem>>, vector<16xf32>,
      %parallel_loop3A_87 = arith.index_cast %parallel_loop3A_26 : i32 to index
      %parallel_loop3A_88 = arith.constant 160 : index
      %parallel_loop3A_89 = tpu.vector_load %arg9[%parallel_loop3A_87, %parallel_loop3A_88] {strides = array<i32>} : memref<64x768xf32, #tpu.memory_space<vmem>>, vector<16xf32>,
      tpu.vector_store %arg9[%parallel_loop3A_87, %parallel_loop3A_88], %broadcast_in_dim3A_3 {strides = array<i32>} : memref<64x768xf32, #tpu.memory_space<vmem>>, vector<16xf32>,
      %parallel_loop3A_90 = arith.index_cast %parallel_loop3A_26 : i32 to index
      %parallel_loop3A_91 = arith.constant 160 : index
      %parallel_loop3A_92 = tpu.vector_load %arg10[%parallel_loop3A_90, %parallel_loop3A_91] {strides = array<i32>} : memref<64x768xf32, #tpu.memory_space<vmem>>, vector<16xf32>,
      tpu.vector_store %arg10[%parallel_loop3A_90, %parallel_loop3A_91], %broadcast_in_dim3A_3 {strides = array<i32>} : memref<64x768xf32, #tpu.memory_space<vmem>>, vector<16xf32>,
      %parallel_loop3A_93 = arith.index_cast %parallel_loop3A_26 : i32 to index
      %parallel_loop3A_94 = arith.constant 176 : index
      %parallel_loop3A_95 = tpu.vector_load %arg9[%parallel_loop3A_93, %parallel_loop3A_94] {strides = array<i32>} : memref<64x768xf32, #tpu.memory_space<vmem>>, vector<16xf32>,
      tpu.vector_store %arg9[%parallel_loop3A_93, %parallel_loop3A_94], %broadcast_in_dim3A_3 {strides = array<i32>} : memref<64x768xf32, #tpu.memory_space<vmem>>, vector<16xf32>,
      %parallel_loop3A_96 = arith.index_cast %parallel_loop3A_26 : i32 to index
      %parallel_loop3A_97 = arith.constant 176 : index
      %parallel_loop3A_98 = tpu.vector_load %arg10[%parallel_loop3A_96, %parallel_loop3A_97] {strides = array<i32>} : memref<64x768xf32, #tpu.memory_space<vmem>>, vector<16xf32>,
      tpu.vector_store %arg10[%parallel_loop3A_96, %parallel_loop3A_97], %broadcast_in_dim3A_3 {strides = array<i32>} : memref<64x768xf32, #tpu.memory_space<vmem>>, vector<16xf32>,
      %parallel_loop3A_99 = arith.index_cast %parallel_loop3A_26 : i32 to index
      %parallel_loop3A_100 = arith.constant 192 : index
      %parallel_loop3A_101 = tpu.vector_load %arg9[%parallel_loop3A_99, %parallel_loop3A_100] {strides = array<i32>} : memref<64x768xf32, #tpu.memory_space<vmem>>, vector<16xf32>,
      tpu.vector_store %arg9[%parallel_loop3A_99, %parallel_loop3A_100], %broadcast_in_dim3A_3 {strides = array<i32>} : memref<64x768xf32, #tpu.memory_space<vmem>>, vector<16xf32>,
      %parallel_loop3A_102 = arith.index_cast %parallel_loop3A_26 : i32 to index
      %parallel_loop3A_103 = arith.constant 192 : index
      %parallel_loop3A_104 = tpu.vector_load %arg10[%parallel_loop3A_102, %parallel_loop3A_103] {strides = array<i32>} : memref<64x768xf32, #tpu.memory_space<vmem>>, vector<16xf32>,
      tpu.vector_store %arg10[%parallel_loop3A_102, %parallel_loop3A_103], %broadcast_in_dim3A_3 {strides = array<i32>} : memref<64x768xf32, #tpu.memory_space<vmem>>, vector<16xf32>,
      %parallel_loop3A_105 = arith.index_cast %parallel_loop3A_26 : i32 to index
      %parallel_loop3A_106 = arith.constant 208 : index
      %parallel_loop3A_107 = tpu.vector_load %arg9[%parallel_loop3A_105, %parallel_loop3A_106] {strides = array<i32>} : memref<64x768xf32, #tpu.memory_space<vmem>>, vector<16xf32>,
      tpu.vector_store %arg9[%parallel_loop3A_105, %parallel_loop3A_106], %broadcast_in_dim3A_3 {strides = array<i32>} : memref<64x768xf32, #tpu.memory_space<vmem>>, vector<16xf32>,
      %parallel_loop3A_108 = arith.index_cast %parallel_loop3A_26 : i32 to index
      %parallel_loop3A_109 = arith.constant 208 : index
      %parallel_loop3A_110 = tpu.vector_load %arg10[%parallel_loop3A_108, %parallel_loop3A_109] {strides = array<i32>} : memref<64x768xf32, #tpu.memory_space<vmem>>, vector<16xf32>,
      tpu.vector_store %arg10[%parallel_loop3A_108, %parallel_loop3A_109], %broadcast_in_dim3A_3 {strides = array<i32>} : memref<64x768xf32, #tpu.memory_space<vmem>>, vector<16xf32>,
      %parallel_loop3A_111 = arith.index_cast %parallel_loop3A_26 : i32 to index
      %parallel_loop3A_112 = arith.constant 224 : index
      %parallel_loop3A_113 = tpu.vector_load %arg9[%parallel_loop3A_111, %parallel_loop3A_112] {strides = array<i32>} : memref<64x768xf32, #tpu.memory_space<vmem>>, vector<16xf32>,
      tpu.vector_store %arg9[%parallel_loop3A_111, %parallel_loop3A_112], %broadcast_in_dim3A_3 {strides = array<i32>} : memref<64x768xf32, #tpu.memory_space<vmem>>, vector<16xf32>,
      %parallel_loop3A_114 = arith.index_cast %parallel_loop3A_26 : i32 to index
      %parallel_loop3A_115 = arith.constant 224 : index
      %parallel_loop3A_116 = tpu.vector_load %arg10[%parallel_loop3A_114, %parallel_loop3A_115] {strides = array<i32>} : memref<64x768xf32, #tpu.memory_space<vmem>>, vector<16xf32>,
      tpu.vector_store %arg10[%parallel_loop3A_114, %parallel_loop3A_115], %broadcast_in_dim3A_3 {strides = array<i32>} : memref<64x768xf32, #tpu.memory_space<vmem>>, vector<16xf32>,
      %parallel_loop3A_117 = arith.index_cast %parallel_loop3A_26 : i32 to index
      %parallel_loop3A_118 = arith.constant 240 : index
      %parallel_loop3A_119 = tpu.vector_load %arg9[%parallel_loop3A_117, %parallel_loop3A_118] {strides = array<i32>} : memref<64x768xf32, #tpu.memory_space<vmem>>, vector<16xf32>,
      tpu.vector_store %arg9[%parallel_loop3A_117, %parallel_loop3A_118], %broadcast_in_dim3A_3 {strides = array<i32>} : memref<64x768xf32, #tpu.memory_space<vmem>>, vector<16xf32>,
      %parallel_loop3A_120 = arith.index_cast %parallel_loop3A_26 : i32 to index
      %parallel_loop3A_121 = arith.constant 240 : index
      %parallel_loop3A_122 = tpu.vector_load %arg10[%parallel_loop3A_120, %parallel_loop3A_121] {strides = array<i32>} : memref<64x768xf32, #tpu.memory_space<vmem>>, vector<16xf32>,
      tpu.vector_store %arg10[%parallel_loop3A_120, %parallel_loop3A_121], %broadcast_in_dim3A_3 {strides = array<i32>} : memref<64x768xf32, #tpu.memory_space<vmem>>, vector<16xf32>,
      %parallel_loop3A_123 = arith.index_cast %parallel_loop3A_26 : i32 to index
      %parallel_loop3A_124 = arith.constant 256 : index
      %parallel_loop3A_125 = tpu.vector_load %arg9[%parallel_loop3A_123, %parallel_loop3A_124] {strides = array<i32>} : memref<64x768xf32, #tpu.memory_space<vmem>>, vector<16xf32>,
      tpu.vector_store %arg9[%parallel_loop3A_123, %parallel_loop3A_124], %broadcast_in_dim3A_3 {strides = array<i32>} : memref<64x768xf32, #tpu.memory_space<vmem>>, vector<16xf32>,
      %parallel_loop3A_126 = arith.index_cast %parallel_loop3A_26 : i32 to index
      %parallel_loop3A_127 = arith.constant 256 : index
      %parallel_loop3A_128 = tpu.vector_load %arg10[%parallel_loop3A_126, %parallel_loop3A_127] {strides = array<i32>} : memref<64x768xf32, #tpu.memory_space<vmem>>, vector<16xf32>,
      tpu.vector_store %arg10[%parallel_loop3A_126, %parallel_loop3A_127], %broadcast_in_dim3A_3 {strides = array<i32>} : memref<64x768xf32, #tpu.memory_space<vmem>>, vector<16xf32>,
      %parallel_loop3A_129 = arith.index_cast %parallel_loop3A_26 : i32 to index
      %parallel_loop3A_130 = arith.constant 272 : index
      %parallel_loop3A_131 = tpu.vector_load %arg9[%parallel_loop3A_129, %parallel_loop3A_130] {strides = array<i32>} : memref<64x768xf32, #tpu.memory_space<vmem>>, vector<16xf32>,
      tpu.vector_store %arg9[%parallel_loop3A_129, %parallel_loop3A_130], %broadcast_in_dim3A_3 {strides = array<i32>} : memref<64x768xf32, #tpu.memory_space<vmem>>, vector<16xf32>,
      %parallel_loop3A_132 = arith.index_cast %parallel_loop3A_26 : i32 to index
      %parallel_loop3A_133 = arith.constant 272 : index
      %parallel_loop3A_134 = tpu.vector_load %arg10[%parallel_loop3A_132, %parallel_loop3A_133] {strides = array<i32>} : memref<64x768xf32, #tpu.memory_space<vmem>>, vector<16xf32>,
      tpu.vector_store %arg10[%parallel_loop3A_132, %parallel_loop3A_133], %broadcast_in_dim3A_3 {strides = array<i32>} : memref<64x768xf32, #tpu.memory_space<vmem>>, vector<16xf32>,
      %parallel_loop3A_135 = arith.index_cast %parallel_loop3A_26 : i32 to index
      %parallel_loop3A_136 = arith.constant 288 : index
      %parallel_loop3A_137 = tpu.vector_load %arg9[%parallel_loop3A_135, %parallel_loop3A_136] {strides = array<i32>} : memref<64x768xf32, #tpu.memory_space<vmem>>, vector<16xf32>,
      tpu.vector_store %arg9[%parallel_loop3A_135, %parallel_loop3A_136], %broadcast_in_dim3A_3 {strides = array<i32>} : memref<64x768xf32, #tpu.memory_space<vmem>>, vector<16xf32>,
      %parallel_loop3A_138 = arith.index_cast %parallel_loop3A_26 : i32 to index
      %parallel_loop3A_139 = arith.constant 288 : index
      %parallel_loop3A_140 = tpu.vector_load %arg10[%parallel_loop3A_138, %parallel_loop3A_139] {strides = array<i32>} : memref<64x768xf32, #tpu.memory_space<vmem>>, vector<16xf32>,
      tpu.vector_store %arg10[%parallel_loop3A_138, %parallel_loop3A_139], %broadcast_in_dim3A_3 {strides = array<i32>} : memref<64x768xf32, #tpu.memory_space<vmem>>, vector<16xf32>,
      %parallel_loop3A_141 = arith.index_cast %parallel_loop3A_26 : i32 to index
      %parallel_loop3A_142 = arith.constant 304 : index
      %parallel_loop3A_143 = tpu.vector_load %arg9[%parallel_loop3A_141, %parallel_loop3A_142] {strides = array<i32>} : memref<64x768xf32, #tpu.memory_space<vmem>>, vector<16xf32>,
      tpu.vector_store %arg9[%parallel_loop3A_141, %parallel_loop3A_142], %broadcast_in_dim3A_3 {strides = array<i32>} : memref<64x768xf32, #tpu.memory_space<vmem>>, vector<16xf32>,
      %parallel_loop3A_144 = arith.index_cast %parallel_loop3A_26 : i32 to index
      %parallel_loop3A_145 = arith.constant 304 : index
      %parallel_loop3A_146 = tpu.vector_load %arg10[%parallel_loop3A_144, %parallel_loop3A_145] {strides = array<i32>} : memref<64x768xf32, #tpu.memory_space<vmem>>, vector<16xf32>,
      tpu.vector_store %arg10[%parallel_loop3A_144, %parallel_loop3A_145], %broadcast_in_dim3A_3 {strides = array<i32>} : memref<64x768xf32, #tpu.memory_space<vmem>>, vector<16xf32>,
      %parallel_loop3A_147 = arith.index_cast %parallel_loop3A_26 : i32 to index
      %parallel_loop3A_148 = arith.constant 320 : index
      %parallel_loop3A_149 = tpu.vector_load %arg9[%parallel_loop3A_147, %parallel_loop3A_148] {strides = array<i32>} : memref<64x768xf32, #tpu.memory_space<vmem>>, vector<16xf32>,
      tpu.vector_store %arg9[%parallel_loop3A_147, %parallel_loop3A_148], %broadcast_in_dim3A_3 {strides = array<i32>} : memref<64x768xf32, #tpu.memory_space<vmem>>, vector<16xf32>,
      %parallel_loop3A_150 = arith.index_cast %parallel_loop3A_26 : i32 to index
      %parallel_loop3A_151 = arith.constant 320 : index
      %parallel_loop3A_152 = tpu.vector_load %arg10[%parallel_loop3A_150, %parallel_loop3A_151] {strides = array<i32>} : memref<64x768xf32, #tpu.memory_space<vmem>>, vector<16xf32>,
      tpu.vector_store %arg10[%parallel_loop3A_150, %parallel_loop3A_151], %broadcast_in_dim3A_3 {strides = array<i32>} : memref<64x768xf32, #tpu.memory_space<vmem>>, vector<16xf32>,
      %parallel_loop3A_153 = arith.index_cast %parallel_loop3A_26 : i32 to index
      %parallel_loop3A_154 = arith.constant 336 : index
      %parallel_loop3A_155 = tpu.vector_load %arg9[%parallel_loop3A_153, %parallel_loop3A_154] {strides = array<i32>} : memref<64x768xf32, #tpu.memory_space<vmem>>, vector<16xf32>,
      tpu.vector_store %arg9[%parallel_loop3A_153, %parallel_loop3A_154], %broadcast_in_dim3A_3 {strides = array<i32>} : memref<64x768xf32, #tpu.memory_space<vmem>>, vector<16xf32>,
      %parallel_loop3A_156 = arith.index_cast %parallel_loop3A_26 : i32 to index
      %parallel_loop3A_157 = arith.constant 336 : index
      %parallel_loop3A_158 = tpu.vector_load %arg10[%parallel_loop3A_156, %parallel_loop3A_157] {strides = array<i32>} : memref<64x768xf32, #tpu.memory_space<vmem>>, vector<16xf32>,
      tpu.vector_store %arg10[%parallel_loop3A_156, %parallel_loop3A_157], %broadcast_in_dim3A_3 {strides = array<i32>} : memref<64x768xf32, #tpu.memory_space<vmem>>, vector<16xf32>,
      %parallel_loop3A_159 = arith.index_cast %parallel_loop3A_26 : i32 to index
      %parallel_loop3A_160 = arith.constant 352 : index
      %parallel_loop3A_161 = tpu.vector_load %arg9[%parallel_loop3A_159, %parallel_loop3A_160] {strides = array<i32>} : memref<64x768xf32, #tpu.memory_space<vmem>>, vector<16xf32>,
      tpu.vector_store %arg9[%parallel_loop3A_159, %parallel_loop3A_160], %broadcast_in_dim3A_3 {strides = array<i32>} : memref<64x768xf32, #tpu.memory_space<vmem>>, vector<16xf32>,
      %parallel_loop3A_162 = arith.index_cast %parallel_loop3A_26 : i32 to index
      %parallel_loop3A_163 = arith.constant 352 : index
      %parallel_loop3A_164 = tpu.vector_load %arg10[%parallel_loop3A_162, %parallel_loop3A_163] {strides = array<i32>} : memref<64x768xf32, #tpu.memory_space<vmem>>, vector<16xf32>,
      tpu.vector_store %arg10[%parallel_loop3A_162, %parallel_loop3A_163], %broadcast_in_dim3A_3 {strides = array<i32>} : memref<64x768xf32, #tpu.memory_space<vmem>>, vector<16xf32>,
      %parallel_loop3A_165 = arith.index_cast %parallel_loop3A_26 : i32 to index
      %parallel_loop3A_166 = arith.constant 368 : index
      %parallel_loop3A_167 = tpu.vector_load %arg9[%parallel_loop3A_165, %parallel_loop3A_166] {strides = array<i32>} : memref<64x768xf32, #tpu.memory_space<vmem>>, vector<16xf32>,
      tpu.vector_store %arg9[%parallel_loop3A_165, %parallel_loop3A_166], %broadcast_in_dim3A_3 {strides = array<i32>} : memref<64x768xf32, #tpu.memory_space<vmem>>, vector<16xf32>,
      %parallel_loop3A_168 = arith.index_cast %parallel_loop3A_26 : i32 to index
      %parallel_loop3A_169 = arith.constant 368 : index
      %parallel_loop3A_170 = tpu.vector_load %arg10[%parallel_loop3A_168, %parallel_loop3A_169] {strides = array<i32>} : memref<64x768xf32, #tpu.memory_space<vmem>>, vector<16xf32>,
      tpu.vector_store %arg10[%parallel_loop3A_168, %parallel_loop3A_169], %broadcast_in_dim3A_3 {strides = array<i32>} : memref<64x768xf32, #tpu.memory_space<vmem>>, vector<16xf32>,
      %parallel_loop3A_171 = arith.index_cast %parallel_loop3A_26 : i32 to index
      %parallel_loop3A_172 = arith.constant 384 : index
      %parallel_loop3A_173 = tpu.vector_load %arg9[%parallel_loop3A_171, %parallel_loop3A_172] {strides = array<i32>} : memref<64x768xf32, #tpu.memory_space<vmem>>, vector<16xf32>,
      tpu.vector_store %arg9[%parallel_loop3A_171, %parallel_loop3A_172], %broadcast_in_dim3A_3 {strides = array<i32>} : memref<64x768xf32, #tpu.memory_space<vmem>>, vector<16xf32>,
      %parallel_loop3A_174 = arith.index_cast %parallel_loop3A_26 : i32 to index
      %parallel_loop3A_175 = arith.constant 384 : index
      %parallel_loop3A_176 = tpu.vector_load %arg10[%parallel_loop3A_174, %parallel_loop3A_175] {strides = array<i32>} : memref<64x768xf32, #tpu.memory_space<vmem>>, vector<16xf32>,
      tpu.vector_store %arg10[%parallel_loop3A_174, %parallel_loop3A_175], %broadcast_in_dim3A_3 {strides = array<i32>} : memref<64x768xf32, #tpu.memory_space<vmem>>, vector<16xf32>,
      %parallel_loop3A_177 = arith.index_cast %parallel_loop3A_26 : i32 to index
      %parallel_loop3A_178 = arith.constant 400 : index
      %parallel_loop3A_179 = tpu.vector_load %arg9[%parallel_loop3A_177, %parallel_loop3A_178] {strides = array<i32>} : memref<64x768xf32, #tpu.memory_space<vmem>>, vector<16xf32>,
      tpu.vector_store %arg9[%parallel_loop3A_177, %parallel_loop3A_178], %broadcast_in_dim3A_3 {strides = array<i32>} : memref<64x768xf32, #tpu.memory_space<vmem>>, vector<16xf32>,
      %parallel_loop3A_180 = arith.index_cast %parallel_loop3A_26 : i32 to index
      %parallel_loop3A_181 = arith.constant 400 : index
      %parallel_loop3A_182 = tpu.vector_load %arg10[%parallel_loop3A_180, %parallel_loop3A_181] {strides = array<i32>} : memref<64x768xf32, #tpu.memory_space<vmem>>, vector<16xf32>,
      tpu.vector_store %arg10[%parallel_loop3A_180, %parallel_loop3A_181], %broadcast_in_dim3A_3 {strides = array<i32>} : memref<64x768xf32, #tpu.memory_space<vmem>>, vector<16xf32>,
      %parallel_loop3A_183 = arith.index_cast %parallel_loop3A_26 : i32 to index
      %parallel_loop3A_184 = arith.constant 416 : index
      %parallel_loop3A_185 = tpu.vector_load %arg9[%parallel_loop3A_183, %parallel_loop3A_184] {strides = array<i32>} : memref<64x768xf32, #tpu.memory_space<vmem>>, vector<16xf32>,
      tpu.vector_store %arg9[%parallel_loop3A_183, %parallel_loop3A_184], %broadcast_in_dim3A_3 {strides = array<i32>} : memref<64x768xf32, #tpu.memory_space<vmem>>, vector<16xf32>,
      %parallel_loop3A_186 = arith.index_cast %parallel_loop3A_26 : i32 to index
      %parallel_loop3A_187 = arith.constant 416 : index
      %parallel_loop3A_188 = tpu.vector_load %arg10[%parallel_loop3A_186, %parallel_loop3A_187] {strides = array<i32>} : memref<64x768xf32, #tpu.memory_space<vmem>>, vector<16xf32>,
      tpu.vector_store %arg10[%parallel_loop3A_186, %parallel_loop3A_187], %broadcast_in_dim3A_3 {strides = array<i32>} : memref<64x768xf32, #tpu.memory_space<vmem>>, vector<16xf32>,
      %parallel_loop3A_189 = arith.index_cast %parallel_loop3A_26 : i32 to index
      %parallel_loop3A_190 = arith.constant 432 : index
      %parallel_loop3A_191 = tpu.vector_load %arg9[%parallel_loop3A_189, %parallel_loop3A_190] {strides = array<i32>} : memref<64x768xf32, #tpu.memory_space<vmem>>, vector<16xf32>,
      tpu.vector_store %arg9[%parallel_loop3A_189, %parallel_loop3A_190], %broadcast_in_dim3A_3 {strides = array<i32>} : memref<64x768xf32, #tpu.memory_space<vmem>>, vector<16xf32>,
      %parallel_loop3A_192 = arith.index_cast %parallel_loop3A_26 : i32 to index
      %parallel_loop3A_193 = arith.constant 432 : index
      %parallel_loop3A_194 = tpu.vector_load %arg10[%parallel_loop3A_192, %parallel_loop3A_193] {strides = array<i32>} : memref<64x768xf32, #tpu.memory_space<vmem>>, vector<16xf32>,
      tpu.vector_store %arg10[%parallel_loop3A_192, %parallel_loop3A_193], %broadcast_in_dim3A_3 {strides = array<i32>} : memref<64x768xf32, #tpu.memory_space<vmem>>, vector<16xf32>,
      %parallel_loop3A_195 = arith.index_cast %parallel_loop3A_26 : i32 to index
      %parallel_loop3A_196 = arith.constant 448 : index
      %parallel_loop3A_197 = tpu.vector_load %arg9[%parallel_loop3A_195, %parallel_loop3A_196] {strides = array<i32>} : memref<64x768xf32, #tpu.memory_space<vmem>>, vector<16xf32>,
      tpu.vector_store %arg9[%parallel_loop3A_195, %parallel_loop3A_196], %broadcast_in_dim3A_3 {strides = array<i32>} : memref<64x768xf32, #tpu.memory_space<vmem>>, vector<16xf32>,
      %parallel_loop3A_198 = arith.index_cast %parallel_loop3A_26 : i32 to index
      %parallel_loop3A_199 = arith.constant 448 : index
      %parallel_loop3A_200 = tpu.vector_load %arg10[%parallel_loop3A_198, %parallel_loop3A_199] {strides = array<i32>} : memref<64x768xf32, #tpu.memory_space<vmem>>, vector<16xf32>,
      tpu.vector_store %arg10[%parallel_loop3A_198, %parallel_loop3A_199], %broadcast_in_dim3A_3 {strides = array<i32>} : memref<64x768xf32, #tpu.memory_space<vmem>>, vector<16xf32>,
      %parallel_loop3A_201 = arith.index_cast %parallel_loop3A_26 : i32 to index
      %parallel_loop3A_202 = arith.constant 464 : index
      %parallel_loop3A_203 = tpu.vector_load %arg9[%parallel_loop3A_201, %parallel_loop3A_202] {strides = array<i32>} : memref<64x768xf32, #tpu.memory_space<vmem>>, vector<16xf32>,
      tpu.vector_store %arg9[%parallel_loop3A_201, %parallel_loop3A_202], %broadcast_in_dim3A_3 {strides = array<i32>} : memref<64x768xf32, #tpu.memory_space<vmem>>, vector<16xf32>,
      %parallel_loop3A_204 = arith.index_cast %parallel_loop3A_26 : i32 to index
      %parallel_loop3A_205 = arith.constant 464 : index
      %parallel_loop3A_206 = tpu.vector_load %arg10[%parallel_loop3A_204, %parallel_loop3A_205] {strides = array<i32>} : memref<64x768xf32, #tpu.memory_space<vmem>>, vector<16xf32>,
      tpu.vector_store %arg10[%parallel_loop3A_204, %parallel_loop3A_205], %broadcast_in_dim3A_3 {strides = array<i32>} : memref<64x768xf32, #tpu.memory_space<vmem>>, vector<16xf32>,
      %parallel_loop3A_207 = arith.index_cast %parallel_loop3A_26 : i32 to index
      %parallel_loop3A_208 = arith.constant 480 : index
      %parallel_loop3A_209 = tpu.vector_load %arg9[%parallel_loop3A_207, %parallel_loop3A_208] {strides = array<i32>} : memref<64x768xf32, #tpu.memory_space<vmem>>, vector<16xf32>,
      tpu.vector_store %arg9[%parallel_loop3A_207, %parallel_loop3A_208], %broadcast_in_dim3A_3 {strides = array<i32>} : memref<64x768xf32, #tpu.memory_space<vmem>>, vector<16xf32>,
      %parallel_loop3A_210 = arith.index_cast %parallel_loop3A_26 : i32 to index
      %parallel_loop3A_211 = arith.constant 480 : index
      %parallel_loop3A_212 = tpu.vector_load %arg10[%parallel_loop3A_210, %parallel_loop3A_211] {strides = array<i32>} : memref<64x768xf32, #tpu.memory_space<vmem>>, vector<16xf32>,
      tpu.vector_store %arg10[%parallel_loop3A_210, %parallel_loop3A_211], %broadcast_in_dim3A_3 {strides = array<i32>} : memref<64x768xf32, #tpu.memory_space<vmem>>, vector<16xf32>,
      %parallel_loop3A_213 = arith.index_cast %parallel_loop3A_26 : i32 to index
      %parallel_loop3A_214 = arith.constant 496 : index
      %parallel_loop3A_215 = tpu.vector_load %arg9[%parallel_loop3A_213, %parallel_loop3A_214] {strides = array<i32>} : memref<64x768xf32, #tpu.memory_space<vmem>>, vector<16xf32>,
      tpu.vector_store %arg9[%parallel_loop3A_213, %parallel_loop3A_214], %broadcast_in_dim3A_3 {strides = array<i32>} : memref<64x768xf32, #tpu.memory_space<vmem>>, vector<16xf32>,
      %parallel_loop3A_216 = arith.index_cast %parallel_loop3A_26 : i32 to index
      %parallel_loop3A_217 = arith.constant 496 : index
      %parallel_loop3A_218 = tpu.vector_load %arg10[%parallel_loop3A_216, %parallel_loop3A_217] {strides = array<i32>} : memref<64x768xf32, #tpu.memory_space<vmem>>, vector<16xf32>,
      tpu.vector_store %arg10[%parallel_loop3A_216, %parallel_loop3A_217], %broadcast_in_dim3A_3 {strides = array<i32>} : memref<64x768xf32, #tpu.memory_space<vmem>>, vector<16xf32>,
      %parallel_loop3A_219 = arith.index_cast %parallel_loop3A_26 : i32 to index
      %parallel_loop3A_220 = arith.constant 512 : index
      %parallel_loop3A_221 = tpu.vector_load %arg9[%parallel_loop3A_219, %parallel_loop3A_220] {strides = array<i32>} : memref<64x768xf32, #tpu.memory_space<vmem>>, vector<16xf32>,
      tpu.vector_store %arg9[%parallel_loop3A_219, %parallel_loop3A_220], %broadcast_in_dim3A_3 {strides = array<i32>} : memref<64x768xf32, #tpu.memory_space<vmem>>, vector<16xf32>,
      %parallel_loop3A_222 = arith.index_cast %parallel_loop3A_26 : i32 to index
      %parallel_loop3A_223 = arith.constant 512 : index
      %parallel_loop3A_224 = tpu.vector_load %arg10[%parallel_loop3A_222, %parallel_loop3A_223] {strides = array<i32>} : memref<64x768xf32, #tpu.memory_space<vmem>>, vector<16xf32>,
      tpu.vector_store %arg10[%parallel_loop3A_222, %parallel_loop3A_223], %broadcast_in_dim3A_3 {strides = array<i32>} : memref<64x768xf32, #tpu.memory_space<vmem>>, vector<16xf32>,
      %parallel_loop3A_225 = arith.index_cast %parallel_loop3A_26 : i32 to index
      %parallel_loop3A_226 = arith.constant 528 : index
      %parallel_loop3A_227 = tpu.vector_load %arg9[%parallel_loop3A_225, %parallel_loop3A_226] {strides = array<i32>} : memref<64x768xf32, #tpu.memory_space<vmem>>, vector<16xf32>,
      tpu.vector_store %arg9[%parallel_loop3A_225, %parallel_loop3A_226], %broadcast_in_dim3A_3 {strides = array<i32>} : memref<64x768xf32, #tpu.memory_space<vmem>>, vector<16xf32>,
      %parallel_loop3A_228 = arith.index_cast %parallel_loop3A_26 : i32 to index
      %parallel_loop3A_229 = arith.constant 528 : index
      %parallel_loop3A_230 = tpu.vector_load %arg10[%parallel_loop3A_228, %parallel_loop3A_229] {strides = array<i32>} : memref<64x768xf32, #tpu.memory_space<vmem>>, vector<16xf32>,
      tpu.vector_store %arg10[%parallel_loop3A_228, %parallel_loop3A_229], %broadcast_in_dim3A_3 {strides = array<i32>} : memref<64x768xf32, #tpu.memory_space<vmem>>, vector<16xf32>,
      %parallel_loop3A_231 = arith.index_cast %parallel_loop3A_26 : i32 to index
      %parallel_loop3A_232 = arith.constant 544 : index
      %parallel_loop3A_233 = tpu.vector_load %arg9[%parallel_loop3A_231, %parallel_loop3A_232] {strides = array<i32>} : memref<64x768xf32, #tpu.memory_space<vmem>>, vector<16xf32>,
      tpu.vector_store %arg9[%parallel_loop3A_231, %parallel_loop3A_232], %broadcast_in_dim3A_3 {strides = array<i32>} : memref<64x768xf32, #tpu.memory_space<vmem>>, vector<16xf32>,
      %parallel_loop3A_234 = arith.index_cast %parallel_loop3A_26 : i32 to index
      %parallel_loop3A_235 = arith.constant 544 : index
      %parallel_loop3A_236 = tpu.vector_load %arg10[%parallel_loop3A_234, %parallel_loop3A_235] {strides = array<i32>} : memref<64x768xf32, #tpu.memory_space<vmem>>, vector<16xf32>,
      tpu.vector_store %arg10[%parallel_loop3A_234, %parallel_loop3A_235], %broadcast_in_dim3A_3 {strides = array<i32>} : memref<64x768xf32, #tpu.memory_space<vmem>>, vector<16xf32>,
      %parallel_loop3A_237 = arith.index_cast %parallel_loop3A_26 : i32 to index
      %parallel_loop3A_238 = arith.constant 560 : index
      %parallel_loop3A_239 = tpu.vector_load %arg9[%parallel_loop3A_237, %parallel_loop3A_238] {strides = array<i32>} : memref<64x768xf32, #tpu.memory_space<vmem>>, vector<16xf32>,
      tpu.vector_store %arg9[%parallel_loop3A_237, %parallel_loop3A_238], %broadcast_in_dim3A_3 {strides = array<i32>} : memref<64x768xf32, #tpu.memory_space<vmem>>, vector<16xf32>,
      %parallel_loop3A_240 = arith.index_cast %parallel_loop3A_26 : i32 to index
      %parallel_loop3A_241 = arith.constant 560 : index
      %parallel_loop3A_242 = tpu.vector_load %arg10[%parallel_loop3A_240, %parallel_loop3A_241] {strides = array<i32>} : memref<64x768xf32, #tpu.memory_space<vmem>>, vector<16xf32>,
      tpu.vector_store %arg10[%parallel_loop3A_240, %parallel_loop3A_241], %broadcast_in_dim3A_3 {strides = array<i32>} : memref<64x768xf32, #tpu.memory_space<vmem>>, vector<16xf32>,
      %parallel_loop3A_243 = arith.index_cast %parallel_loop3A_26 : i32 to index
      %parallel_loop3A_244 = arith.constant 576 : index
      %parallel_loop3A_245 = tpu.vector_load %arg9[%parallel_loop3A_243, %parallel_loop3A_244] {strides = array<i32>} : memref<64x768xf32, #tpu.memory_space<vmem>>, vector<16xf32>,
      tpu.vector_store %arg9[%parallel_loop3A_243, %parallel_loop3A_244], %broadcast_in_dim3A_3 {strides = array<i32>} : memref<64x768xf32, #tpu.memory_space<vmem>>, vector<16xf32>,
      %parallel_loop3A_246 = arith.index_cast %parallel_loop3A_26 : i32 to index
      %parallel_loop3A_247 = arith.constant 576 : index
      %parallel_loop3A_248 = tpu.vector_load %arg10[%parallel_loop3A_246, %parallel_loop3A_247] {strides = array<i32>} : memref<64x768xf32, #tpu.memory_space<vmem>>, vector<16xf32>,
      tpu.vector_store %arg10[%parallel_loop3A_246, %parallel_loop3A_247], %broadcast_in_dim3A_3 {strides = array<i32>} : memref<64x768xf32, #tpu.memory_space<vmem>>, vector<16xf32>,
      %parallel_loop3A_249 = arith.index_cast %parallel_loop3A_26 : i32 to index
      %parallel_loop3A_250 = arith.constant 592 : index
      %parallel_loop3A_251 = tpu.vector_load %arg9[%parallel_loop3A_249, %parallel_loop3A_250] {strides = array<i32>} : memref<64x768xf32, #tpu.memory_space<vmem>>, vector<16xf32>,
      tpu.vector_store %arg9[%parallel_loop3A_249, %parallel_loop3A_250], %broadcast_in_dim3A_3 {strides = array<i32>} : memref<64x768xf32, #tpu.memory_space<vmem>>, vector<16xf32>,
      %parallel_loop3A_252 = arith.index_cast %parallel_loop3A_26 : i32 to index
      %parallel_loop3A_253 = arith.constant 592 : index
      %parallel_loop3A_254 = tpu.vector_load %arg10[%parallel_loop3A_252, %parallel_loop3A_253] {strides = array<i32>} : memref<64x768xf32, #tpu.memory_space<vmem>>, vector<16xf32>,
      tpu.vector_store %arg10[%parallel_loop3A_252, %parallel_loop3A_253], %broadcast_in_dim3A_3 {strides = array<i32>} : memref<64x768xf32, #tpu.memory_space<vmem>>, vector<16xf32>,
      %parallel_loop3A_255 = arith.index_cast %parallel_loop3A_26 : i32 to index
      %parallel_loop3A_256 = arith.constant 608 : index
      %parallel_loop3A_257 = tpu.vector_load %arg9[%parallel_loop3A_255, %parallel_loop3A_256] {strides = array<i32>} : memref<64x768xf32, #tpu.memory_space<vmem>>, vector<16xf32>,
      tpu.vector_store %arg9[%parallel_loop3A_255, %parallel_loop3A_256], %broadcast_in_dim3A_3 {strides = array<i32>} : memref<64x768xf32, #tpu.memory_space<vmem>>, vector<16xf32>,
      %parallel_loop3A_258 = arith.index_cast %parallel_loop3A_26 : i32 to index
      %parallel_loop3A_259 = arith.constant 608 : index
      %parallel_loop3A_260 = tpu.vector_load %arg10[%parallel_loop3A_258, %parallel_loop3A_259] {strides = array<i32>} : memref<64x768xf32, #tpu.memory_space<vmem>>, vector<16xf32>,
      tpu.vector_store %arg10[%parallel_loop3A_258, %parallel_loop3A_259], %broadcast_in_dim3A_3 {strides = array<i32>} : memref<64x768xf32, #tpu.memory_space<vmem>>, vector<16xf32>,
      %parallel_loop3A_261 = arith.index_cast %parallel_loop3A_26 : i32 to index
      %parallel_loop3A_262 = arith.constant 624 : index
      %parallel_loop3A_263 = tpu.vector_load %arg9[%parallel_loop3A_261, %parallel_loop3A_262] {strides = array<i32>} : memref<64x768xf32, #tpu.memory_space<vmem>>, vector<16xf32>,
      tpu.vector_store %arg9[%parallel_loop3A_261, %parallel_loop3A_262], %broadcast_in_dim3A_3 {strides = array<i32>} : memref<64x768xf32, #tpu.memory_space<vmem>>, vector<16xf32>,
      %parallel_loop3A_264 = arith.index_cast %parallel_loop3A_26 : i32 to index
      %parallel_loop3A_265 = arith.constant 624 : index
      %parallel_loop3A_266 = tpu.vector_load %arg10[%parallel_loop3A_264, %parallel_loop3A_265] {strides = array<i32>} : memref<64x768xf32, #tpu.memory_space<vmem>>, vector<16xf32>,
      tpu.vector_store %arg10[%parallel_loop3A_264, %parallel_loop3A_265], %broadcast_in_dim3A_3 {strides = array<i32>} : memref<64x768xf32, #tpu.memory_space<vmem>>, vector<16xf32>,
      %parallel_loop3A_267 = arith.index_cast %parallel_loop3A_26 : i32 to index
      %parallel_loop3A_268 = arith.constant 640 : index
      %parallel_loop3A_269 = tpu.vector_load %arg9[%parallel_loop3A_267, %parallel_loop3A_268] {strides = array<i32>} : memref<64x768xf32, #tpu.memory_space<vmem>>, vector<16xf32>,
      tpu.vector_store %arg9[%parallel_loop3A_267, %parallel_loop3A_268], %broadcast_in_dim3A_3 {strides = array<i32>} : memref<64x768xf32, #tpu.memory_space<vmem>>, vector<16xf32>,
      %parallel_loop3A_270 = arith.index_cast %parallel_loop3A_26 : i32 to index
      %parallel_loop3A_271 = arith.constant 640 : index
      %parallel_loop3A_272 = tpu.vector_load %arg10[%parallel_loop3A_270, %parallel_loop3A_271] {strides = array<i32>} : memref<64x768xf32, #tpu.memory_space<vmem>>, vector<16xf32>,
      tpu.vector_store %arg10[%parallel_loop3A_270, %parallel_loop3A_271], %broadcast_in_dim3A_3 {strides = array<i32>} : memref<64x768xf32, #tpu.memory_space<vmem>>, vector<16xf32>,
      %parallel_loop3A_273 = arith.index_cast %parallel_loop3A_26 : i32 to index
      %parallel_loop3A_274 = arith.constant 656 : index
      %parallel_loop3A_275 = tpu.vector_load %arg9[%parallel_loop3A_273, %parallel_loop3A_274] {strides = array<i32>} : memref<64x768xf32, #tpu.memory_space<vmem>>, vector<16xf32>,
      tpu.vector_store %arg9[%parallel_loop3A_273, %parallel_loop3A_274], %broadcast_in_dim3A_3 {strides = array<i32>} : memref<64x768xf32, #tpu.memory_space<vmem>>, vector<16xf32>,
      %parallel_loop3A_276 = arith.index_cast %parallel_loop3A_26 : i32 to index
      %parallel_loop3A_277 = arith.constant 656 : index
      %parallel_loop3A_278 = tpu.vector_load %arg10[%parallel_loop3A_276, %parallel_loop3A_277] {strides = array<i32>} : memref<64x768xf32, #tpu.memory_space<vmem>>, vector<16xf32>,
      tpu.vector_store %arg10[%parallel_loop3A_276, %parallel_loop3A_277], %broadcast_in_dim3A_3 {strides = array<i32>} : memref<64x768xf32, #tpu.memory_space<vmem>>, vector<16xf32>,
      %parallel_loop3A_279 = arith.index_cast %parallel_loop3A_26 : i32 to index
      %parallel_loop3A_280 = arith.constant 672 : index
      %parallel_loop3A_281 = tpu.vector_load %arg9[%parallel_loop3A_279, %parallel_loop3A_280] {strides = array<i32>} : memref<64x768xf32, #tpu.memory_space<vmem>>, vector<16xf32>,
      tpu.vector_store %arg9[%parallel_loop3A_279, %parallel_loop3A_280], %broadcast_in_dim3A_3 {strides = array<i32>} : memref<64x768xf32, #tpu.memory_space<vmem>>, vector<16xf32>,
      %parallel_loop3A_282 = arith.index_cast %parallel_loop3A_26 : i32 to index
      %parallel_loop3A_283 = arith.constant 672 : index
      %parallel_loop3A_284 = tpu.vector_load %arg10[%parallel_loop3A_282, %parallel_loop3A_283] {strides = array<i32>} : memref<64x768xf32, #tpu.memory_space<vmem>>, vector<16xf32>,
      tpu.vector_store %arg10[%parallel_loop3A_282, %parallel_loop3A_283], %broadcast_in_dim3A_3 {strides = array<i32>} : memref<64x768xf32, #tpu.memory_space<vmem>>, vector<16xf32>,
      %parallel_loop3A_285 = arith.index_cast %parallel_loop3A_26 : i32 to index
      %parallel_loop3A_286 = arith.constant 688 : index
      %parallel_loop3A_287 = tpu.vector_load %arg9[%parallel_loop3A_285, %parallel_loop3A_286] {strides = array<i32>} : memref<64x768xf32, #tpu.memory_space<vmem>>, vector<16xf32>,
      tpu.vector_store %arg9[%parallel_loop3A_285, %parallel_loop3A_286], %broadcast_in_dim3A_3 {strides = array<i32>} : memref<64x768xf32, #tpu.memory_space<vmem>>, vector<16xf32>,
      %parallel_loop3A_288 = arith.index_cast %parallel_loop3A_26 : i32 to index
      %parallel_loop3A_289 = arith.constant 688 : index
      %parallel_loop3A_290 = tpu.vector_load %arg10[%parallel_loop3A_288, %parallel_loop3A_289] {strides = array<i32>} : memref<64x768xf32, #tpu.memory_space<vmem>>, vector<16xf32>,
      tpu.vector_store %arg10[%parallel_loop3A_288, %parallel_loop3A_289], %broadcast_in_dim3A_3 {strides = array<i32>} : memref<64x768xf32, #tpu.memory_space<vmem>>, vector<16xf32>,
      %parallel_loop3A_291 = arith.index_cast %parallel_loop3A_26 : i32 to index
      %parallel_loop3A_292 = arith.constant 704 : index
      %parallel_loop3A_293 = tpu.vector_load %arg9[%parallel_loop3A_291, %parallel_loop3A_292] {strides = array<i32>} : memref<64x768xf32, #tpu.memory_space<vmem>>, vector<16xf32>,
      tpu.vector_store %arg9[%parallel_loop3A_291, %parallel_loop3A_292], %broadcast_in_dim3A_3 {strides = array<i32>} : memref<64x768xf32, #tpu.memory_space<vmem>>, vector<16xf32>,
      %parallel_loop3A_294 = arith.index_cast %parallel_loop3A_26 : i32 to index
      %parallel_loop3A_295 = arith.constant 704 : index
      %parallel_loop3A_296 = tpu.vector_load %arg10[%parallel_loop3A_294, %parallel_loop3A_295] {strides = array<i32>} : memref<64x768xf32, #tpu.memory_space<vmem>>, vector<16xf32>,
      tpu.vector_store %arg10[%parallel_loop3A_294, %parallel_loop3A_295], %broadcast_in_dim3A_3 {strides = array<i32>} : memref<64x768xf32, #tpu.memory_space<vmem>>, vector<16xf32>,
      %parallel_loop3A_297 = arith.index_cast %parallel_loop3A_26 : i32 to index
      %parallel_loop3A_298 = arith.constant 720 : index
      %parallel_loop3A_299 = tpu.vector_load %arg9[%parallel_loop3A_297, %parallel_loop3A_298] {strides = array<i32>} : memref<64x768xf32, #tpu.memory_space<vmem>>, vector<16xf32>,
      tpu.vector_store %arg9[%parallel_loop3A_297, %parallel_loop3A_298], %broadcast_in_dim3A_3 {strides = array<i32>} : memref<64x768xf32, #tpu.memory_space<vmem>>, vector<16xf32>,
      %parallel_loop3A_300 = arith.index_cast %parallel_loop3A_26 : i32 to index
      %parallel_loop3A_301 = arith.constant 720 : index
      %parallel_loop3A_302 = tpu.vector_load %arg10[%parallel_loop3A_300, %parallel_loop3A_301] {strides = array<i32>} : memref<64x768xf32, #tpu.memory_space<vmem>>, vector<16xf32>,
      tpu.vector_store %arg10[%parallel_loop3A_300, %parallel_loop3A_301], %broadcast_in_dim3A_3 {strides = array<i32>} : memref<64x768xf32, #tpu.memory_space<vmem>>, vector<16xf32>,
      %parallel_loop3A_303 = arith.index_cast %parallel_loop3A_26 : i32 to index
      %parallel_loop3A_304 = arith.constant 736 : index
      %parallel_loop3A_305 = tpu.vector_load %arg9[%parallel_loop3A_303, %parallel_loop3A_304] {strides = array<i32>} : memref<64x768xf32, #tpu.memory_space<vmem>>, vector<16xf32>,
      tpu.vector_store %arg9[%parallel_loop3A_303, %parallel_loop3A_304], %broadcast_in_dim3A_3 {strides = array<i32>} : memref<64x768xf32, #tpu.memory_space<vmem>>, vector<16xf32>,
      %parallel_loop3A_306 = arith.index_cast %parallel_loop3A_26 : i32 to index
      %parallel_loop3A_307 = arith.constant 736 : index
      %parallel_loop3A_308 = tpu.vector_load %arg10[%parallel_loop3A_306, %parallel_loop3A_307] {strides = array<i32>} : memref<64x768xf32, #tpu.memory_space<vmem>>, vector<16xf32>,
      tpu.vector_store %arg10[%parallel_loop3A_306, %parallel_loop3A_307], %broadcast_in_dim3A_3 {strides = array<i32>} : memref<64x768xf32, #tpu.memory_space<vmem>>, vector<16xf32>,
      %parallel_loop3A_309 = arith.index_cast %parallel_loop3A_26 : i32 to index
      %parallel_loop3A_310 = arith.constant 752 : index
      %parallel_loop3A_311 = tpu.vector_load %arg9[%parallel_loop3A_309, %parallel_loop3A_310] {strides = array<i32>} : memref<64x768xf32, #tpu.memory_space<vmem>>, vector<16xf32>,
      tpu.vector_store %arg9[%parallel_loop3A_309, %parallel_loop3A_310], %broadcast_in_dim3A_3 {strides = array<i32>} : memref<64x768xf32, #tpu.memory_space<vmem>>, vector<16xf32>,
      %parallel_loop3A_312 = arith.index_cast %parallel_loop3A_26 : i32 to index
      %parallel_loop3A_313 = arith.constant 752 : index
      %parallel_loop3A_314 = tpu.vector_load %arg10[%parallel_loop3A_312, %parallel_loop3A_313] {strides = array<i32>} : memref<64x768xf32, #tpu.memory_space<vmem>>, vector<16xf32>,
      tpu.vector_store %arg10[%parallel_loop3A_312, %parallel_loop3A_313], %broadcast_in_dim3A_3 {strides = array<i32>} : memref<64x768xf32, #tpu.memory_space<vmem>>, vector<16xf32>,
    } {sc.loop_unroll_factor = 2 : i64, sc.parallel_access}
    %scan3A = arith.constant 0 : i32
    %scan3A_10 = arith.constant 0 : i32
    %scan3A_11 = arith.constant 4 : i32
    %scan3A_12 = arith.addi %scan3A_10, %scan3A_11 : i32
    %scan3A_13 = arith.constant 1 : i32
    scf.for %scan3A_26 = %scan3A_10 to %scan3A_12 step %scan3A_13  : i32 {
      %mul3A_27 = arith.constant 64 : i32
      %mul3A_28 = arith.muli %scan3A_26, %mul3A_27 : i32
      %add3A_29 = arith.addi %mul3A_2, %mul3A_28 : i32
      %multiple_of3A_30 = tpu.assume_multiple %add3A_29, 64 : i32
      %gt3A = arith.constant 0 : i32
      %gt3A_31 = arith.cmpi sgt, %scan3A_26, %gt3A : i32
      %convert_element_type3A = arith.extui %gt3A_31 : i1 to i32
      %cond3A = arith.constant 0 : i32
      %cond3A_32 = arith.cmpi ne, %convert_element_type3A, %cond3A : i32
      scf.if %cond3A_32 {
        %sub3A = arith.constant 64 : i32
        %sub3A_74 = arith.subi %multiple_of3A_30, %sub3A : i32
        %dma_wait3A_75 = arith.constant 0 : i32
        %dma_wait3A_76 = tpu.memref_slice %arg5[%sub3A_74, %dma_wait3A_75] : memref<16384x768xf32, #tpu.memory_space<hbm>> -> memref<64x768xf32, #tpu.memory_space<hbm>>
        %dma_wait3A_77 = arith.constant 0 : i32
        %dma_wait3A_78 = tpu.memref_slice %arg5[%sub3A_74, %dma_wait3A_77] : memref<16384x768xf32, #tpu.memory_space<hbm>> -> memref<64x768xf32, #tpu.memory_space<hbm>>
        tpu.wait_dma2 semaphore(%arg11 : memref<!tpu.dma_semaphore, #tpu.memory_space<semaphore_mem>>) src(%arg9 : memref<64x768xf32, #tpu.memory_space<vmem>>) dst(%dma_wait3A_78 : memref<64x768xf32, #tpu.memory_space<hbm>>)
        %parallel_loop3A_79 = arith.constant 0 : i32
        %parallel_loop3A_80 = arith.constant 64 : i32
        %parallel_loop3A_81 = arith.constant 1 : i32
        %parallel_loop3A_82 = scf.for %parallel_loop3A_95 = %parallel_loop3A_79 to %parallel_loop3A_80 step %parallel_loop3A_81 iter_args(%parallel_loop3A_96 = %broadcast_in_dim3A_7) -> (vector<16xi32>)  : i32 {
          %parallel_loop3A_97 = arith.index_cast %parallel_loop3A_95 : i32 to index
          %parallel_loop3A_98 = arith.constant 0 : index
          %parallel_loop3A_99 = tpu.vector_load %arg6[%parallel_loop3A_97, %parallel_loop3A_98] {strides = array<i32>} : memref<64x32xi32, #tpu.memory_space<vmem>>, vector<16xi32>,
          tpu.vector_store_idx %arg9[%parallel_loop3A_96, %parallel_loop3A_99], %broadcast_in_dim3A_3 : memref<64x768xf32, #tpu.memory_space<vmem>>[vector<16xi32>, vector<16xi32>], vector<16xf32>,
          %parallel_loop3A_100 = arith.index_cast %parallel_loop3A_95 : i32 to index
          %parallel_loop3A_101 = arith.constant 16 : index
          %parallel_loop3A_102 = tpu.vector_load %arg6[%parallel_loop3A_100, %parallel_loop3A_101] {strides = array<i32>} : memref<64x32xi32, #tpu.memory_space<vmem>>, vector<16xi32>,
          tpu.vector_store_idx %arg9[%parallel_loop3A_96, %parallel_loop3A_102], %broadcast_in_dim3A_3 : memref<64x768xf32, #tpu.memory_space<vmem>>[vector<16xi32>, vector<16xi32>], vector<16xf32>,
          %parallel_loop3A_103 = arith.addi %parallel_loop3A_96, %broadcast_in_dim3A_5 : vector<16xi32>
          scf.yield %parallel_loop3A_103 : vector<16xi32>
        } {sc.loop_unroll_factor = 4 : i64, sc.parallel_access}
        %add3A_83 = arith.constant 8192 : i32
        %add3A_84 = arith.addi %add3A_83, %multiple_of3A_30 : i32
        %sub3A_85 = arith.constant 64 : i32
        %sub3A_86 = arith.subi %add3A_84, %sub3A_85 : i32
        %dma_wait3A_87 = arith.constant 0 : i32
        %dma_wait3A_88 = tpu.memref_slice %arg5[%sub3A_86, %dma_wait3A_87] : memref<16384x768xf32, #tpu.memory_space<hbm>> -> memref<64x768xf32, #tpu.memory_space<hbm>>
        %dma_wait3A_89 = arith.constant 0 : i32
        %dma_wait3A_90 = tpu.memref_slice %arg5[%sub3A_86, %dma_wait3A_89] : memref<16384x768xf32, #tpu.memory_space<hbm>> -> memref<64x768xf32, #tpu.memory_space<hbm>>
        tpu.wait_dma2 semaphore(%arg12 : memref<!tpu.dma_semaphore, #tpu.memory_space<semaphore_mem>>) src(%arg10 : memref<64x768xf32, #tpu.memory_space<vmem>>) dst(%dma_wait3A_90 : memref<64x768xf32, #tpu.memory_space<hbm>>)
        %parallel_loop3A_91 = arith.constant 0 : i32
        %parallel_loop3A_92 = arith.constant 64 : i32
        %parallel_loop3A_93 = arith.constant 1 : i32
        %parallel_loop3A_94 = scf.for %parallel_loop3A_95 = %parallel_loop3A_91 to %parallel_loop3A_92 step %parallel_loop3A_93 iter_args(%parallel_loop3A_96 = %broadcast_in_dim3A_7) -> (vector<16xi32>)  : i32 {
          %parallel_loop3A_97 = arith.index_cast %parallel_loop3A_95 : i32 to index
          %parallel_loop3A_98 = arith.constant 0 : index
          %parallel_loop3A_99 = tpu.vector_load %arg7[%parallel_loop3A_97, %parallel_loop3A_98] {strides = array<i32>} : memref<64x32xi32, #tpu.memory_space<vmem>>, vector<16xi32>,
          tpu.vector_store_idx %arg10[%parallel_loop3A_96, %parallel_loop3A_99], %broadcast_in_dim3A_3 : memref<64x768xf32, #tpu.memory_space<vmem>>[vector<16xi32>, vector<16xi32>], vector<16xf32>,
          %parallel_loop3A_100 = arith.index_cast %parallel_loop3A_95 : i32 to index
          %parallel_loop3A_101 = arith.constant 16 : index
          %parallel_loop3A_102 = tpu.vector_load %arg7[%parallel_loop3A_100, %parallel_loop3A_101] {strides = array<i32>} : memref<64x32xi32, #tpu.memory_space<vmem>>, vector<16xi32>,
          tpu.vector_store_idx %arg10[%parallel_loop3A_96, %parallel_loop3A_102], %broadcast_in_dim3A_3 : memref<64x768xf32, #tpu.memory_space<vmem>>[vector<16xi32>, vector<16xi32>], vector<16xf32>,
          %parallel_loop3A_103 = arith.addi %parallel_loop3A_96, %broadcast_in_dim3A_5 : vector<16xi32>
          scf.yield %parallel_loop3A_103 : vector<16xi32>
        } {sc.loop_unroll_factor = 4 : i64, sc.parallel_access}
      } else {
      }
      %dma_start3A = arith.constant 0 : i32
      %dma_start3A_33 = tpu.memref_slice %arg2[%multiple_of3A_30, %dma_start3A] : memref<8192x32xi32, #tpu.memory_space<hbm>> -> memref<64x32xi32, #tpu.memory_space<hbm>>
      %dma_start3A_34 = arith.constant 0 : i32
      %dma_start3A_35 = tpu.memref_slice %arg2[%multiple_of3A_30, %dma_start3A_34] : memref<8192x32xi32, #tpu.memory_space<hbm>> -> memref<64x32xi32, #tpu.memory_space<hbm>>
      tpu.enqueue_dma source(%dma_start3A_35 : memref<64x32xi32, #tpu.memory_space<hbm>>) target(%arg6 : memref<64x32xi32, #tpu.memory_space<vmem>>) target_semaphore(%arg13 : memref<!tpu.dma_semaphore, #tpu.memory_space<semaphore_mem>>)
      %dma_start3A_36 = arith.constant 0 : i32
      %dma_start3A_37 = tpu.memref_slice %arg3[%multiple_of3A_30, %dma_start3A_36] : memref<8192x32xi32, #tpu.memory_space<hbm>> -> memref<64x32xi32, #tpu.memory_space<hbm>>
      %dma_start3A_38 = arith.constant 0 : i32
      %dma_start3A_39 = tpu.memref_slice %arg3[%multiple_of3A_30, %dma_start3A_38] : memref<8192x32xi32, #tpu.memory_space<hbm>> -> memref<64x32xi32, #tpu.memory_space<hbm>>
      tpu.enqueue_dma source(%dma_start3A_39 : memref<64x32xi32, #tpu.memory_space<hbm>>) target(%arg7 : memref<64x32xi32, #tpu.memory_space<vmem>>) target_semaphore(%arg13 : memref<!tpu.dma_semaphore, #tpu.memory_space<semaphore_mem>>)
      %dma_start3A_40 = arith.constant 0 : i32
      %dma_start3A_41 = tpu.memref_slice %arg4[%multiple_of3A_30, %dma_start3A_40] : memref<8192x32xf32, #tpu.memory_space<hbm>> -> memref<64x32xf32, #tpu.memory_space<hbm>>
      %dma_start3A_42 = arith.constant 0 : i32
      %dma_start3A_43 = tpu.memref_slice %arg4[%multiple_of3A_30, %dma_start3A_42] : memref<8192x32xf32, #tpu.memory_space<hbm>> -> memref<64x32xf32, #tpu.memory_space<hbm>>
      tpu.enqueue_dma source(%dma_start3A_43 : memref<64x32xf32, #tpu.memory_space<hbm>>) target(%arg8 : memref<64x32xf32, #tpu.memory_space<vmem>>) target_semaphore(%arg13 : memref<!tpu.dma_semaphore, #tpu.memory_space<semaphore_mem>>)
      %dma_wait3A_44 = arith.constant 0 : i32
      %dma_wait3A_45 = tpu.memref_slice %arg2[%multiple_of3A_30, %dma_wait3A_44] : memref<8192x32xi32, #tpu.memory_space<hbm>> -> memref<64x32xi32, #tpu.memory_space<hbm>>
      %dma_wait3A_46 = arith.constant 0 : i32
      %dma_wait3A_47 = tpu.memref_slice %arg2[%multiple_of3A_30, %dma_wait3A_46] : memref<8192x32xi32, #tpu.memory_space<hbm>> -> memref<64x32xi32, #tpu.memory_space<hbm>>
      tpu.wait_dma2 semaphore(%arg13 : memref<!tpu.dma_semaphore, #tpu.memory_space<semaphore_mem>>) src(%dma_wait3A_47 : memref<64x32xi32, #tpu.memory_space<hbm>>) dst(%arg6 : memref<64x32xi32, #tpu.memory_space<vmem>>)
      %dma_wait3A_48 = arith.constant 0 : i32
      %dma_wait3A_49 = tpu.memref_slice %arg3[%multiple_of3A_30, %dma_wait3A_48] : memref<8192x32xi32, #tpu.memory_space<hbm>> -> memref<64x32xi32, #tpu.memory_space<hbm>>
      %dma_wait3A_50 = arith.constant 0 : i32
      %dma_wait3A_51 = tpu.memref_slice %arg3[%multiple_of3A_30, %dma_wait3A_50] : memref<8192x32xi32, #tpu.memory_space<hbm>> -> memref<64x32xi32, #tpu.memory_space<hbm>>
      tpu.wait_dma2 semaphore(%arg13 : memref<!tpu.dma_semaphore, #tpu.memory_space<semaphore_mem>>) src(%dma_wait3A_51 : memref<64x32xi32, #tpu.memory_space<hbm>>) dst(%arg7 : memref<64x32xi32, #tpu.memory_space<vmem>>)
      %dma_wait3A_52 = arith.constant 0 : i32
      %dma_wait3A_53 = tpu.memref_slice %arg4[%multiple_of3A_30, %dma_wait3A_52] : memref<8192x32xf32, #tpu.memory_space<hbm>> -> memref<64x32xf32, #tpu.memory_space<hbm>>
      %dma_wait3A_54 = arith.constant 0 : i32
      %dma_wait3A_55 = tpu.memref_slice %arg4[%multiple_of3A_30, %dma_wait3A_54] : memref<8192x32xf32, #tpu.memory_space<hbm>> -> memref<64x32xf32, #tpu.memory_space<hbm>>
      tpu.wait_dma2 semaphore(%arg13 : memref<!tpu.dma_semaphore, #tpu.memory_space<semaphore_mem>>) src(%dma_wait3A_55 : memref<64x32xf32, #tpu.memory_space<hbm>>) dst(%arg8 : memref<64x32xf32, #tpu.memory_space<vmem>>)
      %parallel_loop3A_56 = arith.constant 0 : i32
      %parallel_loop3A_57 = arith.constant 64 : i32
      %parallel_loop3A_58 = arith.constant 1 : i32
      %parallel_loop3A_59 = scf.for %parallel_loop3A_74 = %parallel_loop3A_56 to %parallel_loop3A_57 step %parallel_loop3A_58 iter_args(%parallel_loop3A_75 = %broadcast_in_dim3A_7) -> (vector<16xi32>)  : i32 {
        %parallel_loop3A_76 = arith.index_cast %parallel_loop3A_74 : i32 to index
        %parallel_loop3A_77 = arith.constant 0 : index
        %parallel_loop3A_78 = tpu.vector_load %arg6[%parallel_loop3A_76, %parallel_loop3A_77] {strides = array<i32>} : memref<64x32xi32, #tpu.memory_space<vmem>>, vector<16xi32>,
        %parallel_loop3A_79 = arith.index_cast %parallel_loop3A_74 : i32 to index
        %parallel_loop3A_80 = arith.constant 0 : index
        %parallel_loop3A_81 = tpu.vector_load %arg8[%parallel_loop3A_79, %parallel_loop3A_80] {strides = array<i32>} : memref<64x32xf32, #tpu.memory_space<vmem>>, vector<16xf32>,
        tpu.vector_store_idx %arg9[%parallel_loop3A_75, %parallel_loop3A_78], %parallel_loop3A_81 {add = true} : memref<64x768xf32, #tpu.memory_space<vmem>>[vector<16xi32>, vector<16xi32>], vector<16xf32>,
        %parallel_loop3A_82 = arith.index_cast %parallel_loop3A_74 : i32 to index
        %parallel_loop3A_83 = arith.constant 16 : index
        %parallel_loop3A_84 = tpu.vector_load %arg6[%parallel_loop3A_82, %parallel_loop3A_83] {strides = array<i32>} : memref<64x32xi32, #tpu.memory_space<vmem>>, vector<16xi32>,
        %parallel_loop3A_85 = arith.index_cast %parallel_loop3A_74 : i32 to index
        %parallel_loop3A_86 = arith.constant 16 : index
        %parallel_loop3A_87 = tpu.vector_load %arg8[%parallel_loop3A_85, %parallel_loop3A_86] {strides = array<i32>} : memref<64x32xf32, #tpu.memory_space<vmem>>, vector<16xf32>,
        tpu.vector_store_idx %arg9[%parallel_loop3A_75, %parallel_loop3A_84], %parallel_loop3A_87 {add = true} : memref<64x768xf32, #tpu.memory_space<vmem>>[vector<16xi32>, vector<16xi32>], vector<16xf32>,
        %parallel_loop3A_88 = arith.addi %parallel_loop3A_75, %broadcast_in_dim3A_5 : vector<16xi32>
        scf.yield %parallel_loop3A_88 : vector<16xi32>
      } {sc.loop_unroll_factor = 4 : i64, sc.parallel_access}
      %dma_start3A_60 = arith.constant 0 : i32
      %dma_start3A_61 = tpu.memref_slice %arg5[%multiple_of3A_30, %dma_start3A_60] : memref<16384x768xf32, #tpu.memory_space<hbm>> -> memref<64x768xf32, #tpu.memory_space<hbm>>
      %dma_start3A_62 = arith.constant 0 : i32
      %dma_start3A_63 = tpu.memref_slice %arg5[%multiple_of3A_30, %dma_start3A_62] : memref<16384x768xf32, #tpu.memory_space<hbm>> -> memref<64x768xf32, #tpu.memory_space<hbm>>
      tpu.enqueue_dma source(%arg9 : memref<64x768xf32, #tpu.memory_space<vmem>>) target(%dma_start3A_63 : memref<64x768xf32, #tpu.memory_space<hbm>>) target_semaphore(%arg11 : memref<!tpu.dma_semaphore, #tpu.memory_space<semaphore_mem>>)
      %parallel_loop3A_64 = arith.constant 0 : i32
      %parallel_loop3A_65 = arith.constant 64 : i32
      %parallel_loop3A_66 = arith.constant 1 : i32
      %parallel_loop3A_67 = scf.for %parallel_loop3A_74 = %parallel_loop3A_64 to %parallel_loop3A_65 step %parallel_loop3A_66 iter_args(%parallel_loop3A_75 = %broadcast_in_dim3A_7) -> (vector<16xi32>)  : i32 {
        %parallel_loop3A_76 = arith.index_cast %parallel_loop3A_74 : i32 to index
        %parallel_loop3A_77 = arith.constant 0 : index
        %parallel_loop3A_78 = tpu.vector_load %arg7[%parallel_loop3A_76, %parallel_loop3A_77] {strides = array<i32>} : memref<64x32xi32, #tpu.memory_space<vmem>>, vector<16xi32>,
        %parallel_loop3A_79 = arith.index_cast %parallel_loop3A_74 : i32 to index
        %parallel_loop3A_80 = arith.constant 0 : index
        %parallel_loop3A_81 = tpu.vector_load %arg8[%parallel_loop3A_79, %parallel_loop3A_80] {strides = array<i32>} : memref<64x32xf32, #tpu.memory_space<vmem>>, vector<16xf32>,
        tpu.vector_store_idx %arg10[%parallel_loop3A_75, %parallel_loop3A_78], %parallel_loop3A_81 {add = true} : memref<64x768xf32, #tpu.memory_space<vmem>>[vector<16xi32>, vector<16xi32>], vector<16xf32>,
        %parallel_loop3A_82 = arith.index_cast %parallel_loop3A_74 : i32 to index
        %parallel_loop3A_83 = arith.constant 16 : index
        %parallel_loop3A_84 = tpu.vector_load %arg7[%parallel_loop3A_82, %parallel_loop3A_83] {strides = array<i32>} : memref<64x32xi32, #tpu.memory_space<vmem>>, vector<16xi32>,
        %parallel_loop3A_85 = arith.index_cast %parallel_loop3A_74 : i32 to index
        %parallel_loop3A_86 = arith.constant 16 : index
        %parallel_loop3A_87 = tpu.vector_load %arg8[%parallel_loop3A_85, %parallel_loop3A_86] {strides = array<i32>} : memref<64x32xf32, #tpu.memory_space<vmem>>, vector<16xf32>,
        tpu.vector_store_idx %arg10[%parallel_loop3A_75, %parallel_loop3A_84], %parallel_loop3A_87 {add = true} : memref<64x768xf32, #tpu.memory_space<vmem>>[vector<16xi32>, vector<16xi32>], vector<16xf32>,
        %parallel_loop3A_88 = arith.addi %parallel_loop3A_75, %broadcast_in_dim3A_5 : vector<16xi32>
        scf.yield %parallel_loop3A_88 : vector<16xi32>
      } {sc.loop_unroll_factor = 4 : i64, sc.parallel_access}
      %add3A_68 = arith.constant 8192 : i32
      %add3A_69 = arith.addi %add3A_68, %multiple_of3A_30 : i32
      %dma_start3A_70 = arith.constant 0 : i32
      %dma_start3A_71 = tpu.memref_slice %arg5[%add3A_69, %dma_start3A_70] : memref<16384x768xf32, #tpu.memory_space<hbm>> -> memref<64x768xf32, #tpu.memory_space<hbm>>
      %dma_start3A_72 = arith.constant 0 : i32
      %dma_start3A_73 = tpu.memref_slice %arg5[%add3A_69, %dma_start3A_72] : memref<16384x768xf32, #tpu.memory_space<hbm>> -> memref<64x768xf32, #tpu.memory_space<hbm>>
      tpu.enqueue_dma source(%arg10 : memref<64x768xf32, #tpu.memory_space<vmem>>) target(%dma_start3A_73 : memref<64x768xf32, #tpu.memory_space<hbm>>) target_semaphore(%arg12 : memref<!tpu.dma_semaphore, #tpu.memory_space<semaphore_mem>>)
    }
    %scan3A_14 = arith.constant 4 : i32
    %add3A_15 = arith.constant 192 : i32
    %add3A_16 = arith.addi %mul3A_2, %add3A_15 : i32
    %multiple_of3A = tpu.assume_multiple %add3A_16, 64 : i32
    %dma_wait3A = arith.constant 0 : i32
    %dma_wait3A_17 = tpu.memref_slice %arg5[%multiple_of3A, %dma_wait3A] : memref<16384x768xf32, #tpu.memory_space<hbm>> -> memref<64x768xf32, #tpu.memory_space<hbm>>
    %dma_wait3A_18 = arith.constant 0 : i32
    %dma_wait3A_19 = tpu.memref_slice %arg5[%multiple_of3A, %dma_wait3A_18] : memref<16384x768xf32, #tpu.memory_space<hbm>> -> memref<64x768xf32, #tpu.memory_space<hbm>>
    tpu.wait_dma2 semaphore(%arg11 : memref<!tpu.dma_semaphore, #tpu.memory_space<semaphore_mem>>) src(%arg9 : memref<64x768xf32, #tpu.memory_space<vmem>>) dst(%dma_wait3A_19 : memref<64x768xf32, #tpu.memory_space<hbm>>)
    %add3A_20 = arith.constant 8192 : i32
    %add3A_21 = arith.addi %add3A_20, %multiple_of3A : i32
    %dma_wait3A_22 = arith.constant 0 : i32
    %dma_wait3A_23 = tpu.memref_slice %arg5[%add3A_21, %dma_wait3A_22] : memref<16384x768xf32, #tpu.memory_space<hbm>> -> memref<64x768xf32, #tpu.memory_space<hbm>>
    %dma_wait3A_24 = arith.constant 0 : i32
    %dma_wait3A_25 = tpu.memref_slice %arg5[%add3A_21, %dma_wait3A_24] : memref<16384x768xf32, #tpu.memory_space<hbm>> -> memref<64x768xf32, #tpu.memory_space<hbm>>
    tpu.wait_dma2 semaphore(%arg12 : memref<!tpu.dma_semaphore, #tpu.memory_space<semaphore_mem>>) src(%arg10 : memref<64x768xf32, #tpu.memory_space<vmem>>) dst(%dma_wait3A_25 : memref<64x768xf32, #tpu.memory_space<hbm>>)
    return
  }
}

#map = affine_map<(d0, d1) -> (0, 0)>
module attributes {stable_mosaic.version = 14 : i64} {
  func.func @_sc_body(%arg0: i32, %arg1: i32, %arg2: memref<8192x32xi32, #tpu.memory_space<hbm>>, %arg3: memref<8192x32xi32, #tpu.memory_space<hbm>>, %arg4: memref<8192x32xf32, #tpu.memory_space<hbm>>, %arg5: memref<16384x768xf32, #tpu.memory_space<hbm>>, %arg6: memref<64x32xi32, #tpu.memory_space<vmem>>, %arg7: memref<64x32xi32, #tpu.memory_space<vmem>>, %arg8: memref<64x32xf32, #tpu.memory_space<vmem>>, %arg9: memref<64x768xf32, #tpu.memory_space<vmem>>, %arg10: memref<64x768xf32, #tpu.memory_space<vmem>>, %arg11: memref<!tpu.dma_semaphore, #tpu.memory_space<semaphore_mem>>, %arg12: memref<!tpu.dma_semaphore, #tpu.memory_space<semaphore_mem>>, %arg13: memref<!tpu.dma_semaphore, #tpu.memory_space<semaphore_mem>>) attributes {dimension_semantics = [#tpu.dimension_semantics<core_parallel>, #tpu.dimension_semantics<subcore_parallel>], iteration_bounds = array<i64: 2, 16>, scalar_prefetch = 0 : i64, scratch_operands = 8 : i64, tpu.core_type = #tpu.core_type<sc_vector_subcore>, window_params = [{transform_indices = #map}, {transform_indices = #map}, {transform_indices = #map}, {transform_indices = #map}]} {
    %mul3A = arith.constant 2 : i32
    %mul3A_0 = arith.muli %arg1, %mul3A : i32
    %add3A = arith.addi %mul3A_0, %arg0 : i32
    %mul3A_1 = arith.constant 256 : i32
    %mul3A_2 = arith.muli %add3A, %mul3A_1 : i32
    %broadcast_in_dim3A = arith.constant 0.000000e+00 : f32
    %broadcast_in_dim3A_3 = vector.broadcast %broadcast_in_dim3A : f32 to vector<16xf32>
    %broadcast_in_dim3A_4 = arith.constant 1 : i32
    %broadcast_in_dim3A_5 = vector.broadcast %broadcast_in_dim3A_4 : i32 to vector<16xi32>
    %broadcast_in_dim3A_6 = arith.constant 0 : i32
    %broadcast_in_dim3A_7 = vector.broadcast %broadcast_in_dim3A_6 : i32 to vector<16xi32>
    %parallel_loop3A = arith.constant 0 : i32
    %parallel_loop3A_8 = arith.constant 64 : i32
    %parallel_loop3A_9 = arith.constant 1 : i32
    scf.for %parallel_loop3A_26 = %parallel_loop3A to %parallel_loop3A_8 step %parallel_loop3A_9  : i32 {
      %parallel_loop3A_27 = arith.index_cast %parallel_loop3A_26 : i32 to index
      %parallel_loop3A_28 = arith.constant 0 : index
      %parallel_loop3A_29 = tpu.vector_load %arg9[%parallel_loop3A_27, %parallel_loop3A_28] {strides = array<i32>} : memref<64x768xf32, #tpu.memory_space<vmem>>, vector<16xf32>,
      tpu.vector_store %arg9[%parallel_loop3A_27, %parallel_loop3A_28], %broadcast_in_dim3A_3 {strides = array<i32>} : memref<64x768xf32, #tpu.memory_space<vmem>>, vector<16xf32>,
      %parallel_loop3A_30 = arith.index_cast %parallel_loop3A_26 : i32 to index
      %parallel_loop3A_31 = arith.constant 0 : index
      %parallel_loop3A_32 = tpu.vector_load %arg10[%parallel_loop3A_30, %parallel_loop3A_31] {strides = array<i32>} : memref<64x768xf32, #tpu.memory_space<vmem>>, vector<16xf32>,
      tpu.vector_store %arg10[%parallel_loop3A_30, %parallel_loop3A_31], %broadcast_in_dim3A_3 {strides = array<i32>} : memref<64x768xf32, #tpu.memory_space<vmem>>, vector<16xf32>,
      %parallel_loop3A_33 = arith.index_cast %parallel_loop3A_26 : i32 to index
      %parallel_loop3A_34 = arith.constant 16 : index
      %parallel_loop3A_35 = tpu.vector_load %arg9[%parallel_loop3A_33, %parallel_loop3A_34] {strides = array<i32>} : memref<64x768xf32, #tpu.memory_space<vmem>>, vector<16xf32>,
      tpu.vector_store %arg9[%parallel_loop3A_33, %parallel_loop3A_34], %broadcast_in_dim3A_3 {strides = array<i32>} : memref<64x768xf32, #tpu.memory_space<vmem>>, vector<16xf32>,
      %parallel_loop3A_36 = arith.index_cast %parallel_loop3A_26 : i32 to index
      %parallel_loop3A_37 = arith.constant 16 : index
      %parallel_loop3A_38 = tpu.vector_load %arg10[%parallel_loop3A_36, %parallel_loop3A_37] {strides = array<i32>} : memref<64x768xf32, #tpu.memory_space<vmem>>, vector<16xf32>,
      tpu.vector_store %arg10[%parallel_loop3A_36, %parallel_loop3A_37], %broadcast_in_dim3A_3 {strides = array<i32>} : memref<64x768xf32, #tpu.memory_space<vmem>>, vector<16xf32>,
      %parallel_loop3A_39 = arith.index_cast %parallel_loop3A_26 : i32 to index
      %parallel_loop3A_40 = arith.constant 32 : index
      %parallel_loop3A_41 = tpu.vector_load %arg9[%parallel_loop3A_39, %parallel_loop3A_40] {strides = array<i32>} : memref<64x768xf32, #tpu.memory_space<vmem>>, vector<16xf32>,
      tpu.vector_store %arg9[%parallel_loop3A_39, %parallel_loop3A_40], %broadcast_in_dim3A_3 {strides = array<i32>} : memref<64x768xf32, #tpu.memory_space<vmem>>, vector<16xf32>,
      %parallel_loop3A_42 = arith.index_cast %parallel_loop3A_26 : i32 to index
      %parallel_loop3A_43 = arith.constant 32 : index
      %parallel_loop3A_44 = tpu.vector_load %arg10[%parallel_loop3A_42, %parallel_loop3A_43] {strides = array<i32>} : memref<64x768xf32, #tpu.memory_space<vmem>>, vector<16xf32>,
      tpu.vector_store %arg10[%parallel_loop3A_42, %parallel_loop3A_43], %broadcast_in_dim3A_3 {strides = array<i32>} : memref<64x768xf32, #tpu.memory_space<vmem>>, vector<16xf32>,
      %parallel_loop3A_45 = arith.index_cast %parallel_loop3A_26 : i32 to index
      %parallel_loop3A_46 = arith.constant 48 : index
      %parallel_loop3A_47 = tpu.vector_load %arg9[%parallel_loop3A_45, %parallel_loop3A_46] {strides = array<i32>} : memref<64x768xf32, #tpu.memory_space<vmem>>, vector<16xf32>,
      tpu.vector_store %arg9[%parallel_loop3A_45, %parallel_loop3A_46], %broadcast_in_dim3A_3 {strides = array<i32>} : memref<64x768xf32, #tpu.memory_space<vmem>>, vector<16xf32>,
      %parallel_loop3A_48 = arith.index_cast %parallel_loop3A_26 : i32 to index
      %parallel_loop3A_49 = arith.constant 48 : index
      %parallel_loop3A_50 = tpu.vector_load %arg10[%parallel_loop3A_48, %parallel_loop3A_49] {strides = array<i32>} : memref<64x768xf32, #tpu.memory_space<vmem>>, vector<16xf32>,
      tpu.vector_store %arg10[%parallel_loop3A_48, %parallel_loop3A_49], %broadcast_in_dim3A_3 {strides = array<i32>} : memref<64x768xf32, #tpu.memory_space<vmem>>, vector<16xf32>,
      %parallel_loop3A_51 = arith.index_cast %parallel_loop3A_26 : i32 to index
      %parallel_loop3A_52 = arith.constant 64 : index
      %parallel_loop3A_53 = tpu.vector_load %arg9[%parallel_loop3A_51, %parallel_loop3A_52] {strides = array<i32>} : memref<64x768xf32, #tpu.memory_space<vmem>>, vector<16xf32>,
      tpu.vector_store %arg9[%parallel_loop3A_51, %parallel_loop3A_52], %broadcast_in_dim3A_3 {strides = array<i32>} : memref<64x768xf32, #tpu.memory_space<vmem>>, vector<16xf32>,
      %parallel_loop3A_54 = arith.index_cast %parallel_loop3A_26 : i32 to index
      %parallel_loop3A_55 = arith.constant 64 : index
      %parallel_loop3A_56 = tpu.vector_load %arg10[%parallel_loop3A_54, %parallel_loop3A_55] {strides = array<i32>} : memref<64x768xf32, #tpu.memory_space<vmem>>, vector<16xf32>,
      tpu.vector_store %arg10[%parallel_loop3A_54, %parallel_loop3A_55], %broadcast_in_dim3A_3 {strides = array<i32>} : memref<64x768xf32, #tpu.memory_space<vmem>>, vector<16xf32>,
      %parallel_loop3A_57 = arith.index_cast %parallel_loop3A_26 : i32 to index
      %parallel_loop3A_58 = arith.constant 80 : index
      %parallel_loop3A_59 = tpu.vector_load %arg9[%parallel_loop3A_57, %parallel_loop3A_58] {strides = array<i32>} : memref<64x768xf32, #tpu.memory_space<vmem>>, vector<16xf32>,
      tpu.vector_store %arg9[%parallel_loop3A_57, %parallel_loop3A_58], %broadcast_in_dim3A_3 {strides = array<i32>} : memref<64x768xf32, #tpu.memory_space<vmem>>, vector<16xf32>,
      %parallel_loop3A_60 = arith.index_cast %parallel_loop3A_26 : i32 to index
      %parallel_loop3A_61 = arith.constant 80 : index
      %parallel_loop3A_62 = tpu.vector_load %arg10[%parallel_loop3A_60, %parallel_loop3A_61] {strides = array<i32>} : memref<64x768xf32, #tpu.memory_space<vmem>>, vector<16xf32>,
      tpu.vector_store %arg10[%parallel_loop3A_60, %parallel_loop3A_61], %broadcast_in_dim3A_3 {strides = array<i32>} : memref<64x768xf32, #tpu.memory_space<vmem>>, vector<16xf32>,
      %parallel_loop3A_63 = arith.index_cast %parallel_loop3A_26 : i32 to index
      %parallel_loop3A_64 = arith.constant 96 : index
      %parallel_loop3A_65 = tpu.vector_load %arg9[%parallel_loop3A_63, %parallel_loop3A_64] {strides = array<i32>} : memref<64x768xf32, #tpu.memory_space<vmem>>, vector<16xf32>,
      tpu.vector_store %arg9[%parallel_loop3A_63, %parallel_loop3A_64], %broadcast_in_dim3A_3 {strides = array<i32>} : memref<64x768xf32, #tpu.memory_space<vmem>>, vector<16xf32>,
      %parallel_loop3A_66 = arith.index_cast %parallel_loop3A_26 : i32 to index
      %parallel_loop3A_67 = arith.constant 96 : index
      %parallel_loop3A_68 = tpu.vector_load %arg10[%parallel_loop3A_66, %parallel_loop3A_67] {strides = array<i32>} : memref<64x768xf32, #tpu.memory_space<vmem>>, vector<16xf32>,
      tpu.vector_store %arg10[%parallel_loop3A_66, %parallel_loop3A_67], %broadcast_in_dim3A_3 {strides = array<i32>} : memref<64x768xf32, #tpu.memory_space<vmem>>, vector<16xf32>,
      %parallel_loop3A_69 = arith.index_cast %parallel_loop3A_26 : i32 to index
      %parallel_loop3A_70 = arith.constant 112 : index
      %parallel_loop3A_71 = tpu.vector_load %arg9[%parallel_loop3A_69, %parallel_loop3A_70] {strides = array<i32>} : memref<64x768xf32, #tpu.memory_space<vmem>>, vector<16xf32>,
      tpu.vector_store %arg9[%parallel_loop3A_69, %parallel_loop3A_70], %broadcast_in_dim3A_3 {strides = array<i32>} : memref<64x768xf32, #tpu.memory_space<vmem>>, vector<16xf32>,
      %parallel_loop3A_72 = arith.index_cast %parallel_loop3A_26 : i32 to index
      %parallel_loop3A_73 = arith.constant 112 : index
      %parallel_loop3A_74 = tpu.vector_load %arg10[%parallel_loop3A_72, %parallel_loop3A_73] {strides = array<i32>} : memref<64x768xf32, #tpu.memory_space<vmem>>, vector<16xf32>,
      tpu.vector_store %arg10[%parallel_loop3A_72, %parallel_loop3A_73], %broadcast_in_dim3A_3 {strides = array<i32>} : memref<64x768xf32, #tpu.memory_space<vmem>>, vector<16xf32>,
      %parallel_loop3A_75 = arith.index_cast %parallel_loop3A_26 : i32 to index
      %parallel_loop3A_76 = arith.constant 128 : index
      %parallel_loop3A_77 = tpu.vector_load %arg9[%parallel_loop3A_75, %parallel_loop3A_76] {strides = array<i32>} : memref<64x768xf32, #tpu.memory_space<vmem>>, vector<16xf32>,
      tpu.vector_store %arg9[%parallel_loop3A_75, %parallel_loop3A_76], %broadcast_in_dim3A_3 {strides = array<i32>} : memref<64x768xf32, #tpu.memory_space<vmem>>, vector<16xf32>,
      %parallel_loop3A_78 = arith.index_cast %parallel_loop3A_26 : i32 to index
      %parallel_loop3A_79 = arith.constant 128 : index
      %parallel_loop3A_80 = tpu.vector_load %arg10[%parallel_loop3A_78, %parallel_loop3A_79] {strides = array<i32>} : memref<64x768xf32, #tpu.memory_space<vmem>>, vector<16xf32>,
      tpu.vector_store %arg10[%parallel_loop3A_78, %parallel_loop3A_79], %broadcast_in_dim3A_3 {strides = array<i32>} : memref<64x768xf32, #tpu.memory_space<vmem>>, vector<16xf32>,
      %parallel_loop3A_81 = arith.index_cast %parallel_loop3A_26 : i32 to index
      %parallel_loop3A_82 = arith.constant 144 : index
      %parallel_loop3A_83 = tpu.vector_load %arg9[%parallel_loop3A_81, %parallel_loop3A_82] {strides = array<i32>} : memref<64x768xf32, #tpu.memory_space<vmem>>, vector<16xf32>,
      tpu.vector_store %arg9[%parallel_loop3A_81, %parallel_loop3A_82], %broadcast_in_dim3A_3 {strides = array<i32>} : memref<64x768xf32, #tpu.memory_space<vmem>>, vector<16xf32>,
      %parallel_loop3A_84 = arith.index_cast %parallel_loop3A_26 : i32 to index
      %parallel_loop3A_85 = arith.constant 144 : index
      %parallel_loop3A_86 = tpu.vector_load %arg10[%parallel_loop3A_84, %parallel_loop3A_85] {strides = array<i32>} : memref<64x768xf32, #tpu.memory_space<vmem>>, vector<16xf32>,
      tpu.vector_store %arg10[%parallel_loop3A_84, %parallel_loop3A_85], %broadcast_in_dim3A_3 {strides = array<i32>} : memref<64x768xf32, #tpu.memory_space<vmem>>, vector<16xf32>,
      %parallel_loop3A_87 = arith.index_cast %parallel_loop3A_26 : i32 to index
      %parallel_loop3A_88 = arith.constant 160 : index
      %parallel_loop3A_89 = tpu.vector_load %arg9[%parallel_loop3A_87, %parallel_loop3A_88] {strides = array<i32>} : memref<64x768xf32, #tpu.memory_space<vmem>>, vector<16xf32>,
      tpu.vector_store %arg9[%parallel_loop3A_87, %parallel_loop3A_88], %broadcast_in_dim3A_3 {strides = array<i32>} : memref<64x768xf32, #tpu.memory_space<vmem>>, vector<16xf32>,
      %parallel_loop3A_90 = arith.index_cast %parallel_loop3A_26 : i32 to index
      %parallel_loop3A_91 = arith.constant 160 : index
      %parallel_loop3A_92 = tpu.vector_load %arg10[%parallel_loop3A_90, %parallel_loop3A_91] {strides = array<i32>} : memref<64x768xf32, #tpu.memory_space<vmem>>, vector<16xf32>,
      tpu.vector_store %arg10[%parallel_loop3A_90, %parallel_loop3A_91], %broadcast_in_dim3A_3 {strides = array<i32>} : memref<64x768xf32, #tpu.memory_space<vmem>>, vector<16xf32>,
      %parallel_loop3A_93 = arith.index_cast %parallel_loop3A_26 : i32 to index
      %parallel_loop3A_94 = arith.constant 176 : index
      %parallel_loop3A_95 = tpu.vector_load %arg9[%parallel_loop3A_93, %parallel_loop3A_94] {strides = array<i32>} : memref<64x768xf32, #tpu.memory_space<vmem>>, vector<16xf32>,
      tpu.vector_store %arg9[%parallel_loop3A_93, %parallel_loop3A_94], %broadcast_in_dim3A_3 {strides = array<i32>} : memref<64x768xf32, #tpu.memory_space<vmem>>, vector<16xf32>,
      %parallel_loop3A_96 = arith.index_cast %parallel_loop3A_26 : i32 to index
      %parallel_loop3A_97 = arith.constant 176 : index
      %parallel_loop3A_98 = tpu.vector_load %arg10[%parallel_loop3A_96, %parallel_loop3A_97] {strides = array<i32>} : memref<64x768xf32, #tpu.memory_space<vmem>>, vector<16xf32>,
      tpu.vector_store %arg10[%parallel_loop3A_96, %parallel_loop3A_97], %broadcast_in_dim3A_3 {strides = array<i32>} : memref<64x768xf32, #tpu.memory_space<vmem>>, vector<16xf32>,
      %parallel_loop3A_99 = arith.index_cast %parallel_loop3A_26 : i32 to index
      %parallel_loop3A_100 = arith.constant 192 : index
      %parallel_loop3A_101 = tpu.vector_load %arg9[%parallel_loop3A_99, %parallel_loop3A_100] {strides = array<i32>} : memref<64x768xf32, #tpu.memory_space<vmem>>, vector<16xf32>,
      tpu.vector_store %arg9[%parallel_loop3A_99, %parallel_loop3A_100], %broadcast_in_dim3A_3 {strides = array<i32>} : memref<64x768xf32, #tpu.memory_space<vmem>>, vector<16xf32>,
      %parallel_loop3A_102 = arith.index_cast %parallel_loop3A_26 : i32 to index
      %parallel_loop3A_103 = arith.constant 192 : index
      %parallel_loop3A_104 = tpu.vector_load %arg10[%parallel_loop3A_102, %parallel_loop3A_103] {strides = array<i32>} : memref<64x768xf32, #tpu.memory_space<vmem>>, vector<16xf32>,
      tpu.vector_store %arg10[%parallel_loop3A_102, %parallel_loop3A_103], %broadcast_in_dim3A_3 {strides = array<i32>} : memref<64x768xf32, #tpu.memory_space<vmem>>, vector<16xf32>,
      %parallel_loop3A_105 = arith.index_cast %parallel_loop3A_26 : i32 to index
      %parallel_loop3A_106 = arith.constant 208 : index
      %parallel_loop3A_107 = tpu.vector_load %arg9[%parallel_loop3A_105, %parallel_loop3A_106] {strides = array<i32>} : memref<64x768xf32, #tpu.memory_space<vmem>>, vector<16xf32>,
      tpu.vector_store %arg9[%parallel_loop3A_105, %parallel_loop3A_106], %broadcast_in_dim3A_3 {strides = array<i32>} : memref<64x768xf32, #tpu.memory_space<vmem>>, vector<16xf32>,
      %parallel_loop3A_108 = arith.index_cast %parallel_loop3A_26 : i32 to index
      %parallel_loop3A_109 = arith.constant 208 : index
      %parallel_loop3A_110 = tpu.vector_load %arg10[%parallel_loop3A_108, %parallel_loop3A_109] {strides = array<i32>} : memref<64x768xf32, #tpu.memory_space<vmem>>, vector<16xf32>,
      tpu.vector_store %arg10[%parallel_loop3A_108, %parallel_loop3A_109], %broadcast_in_dim3A_3 {strides = array<i32>} : memref<64x768xf32, #tpu.memory_space<vmem>>, vector<16xf32>,
      %parallel_loop3A_111 = arith.index_cast %parallel_loop3A_26 : i32 to index
      %parallel_loop3A_112 = arith.constant 224 : index
      %parallel_loop3A_113 = tpu.vector_load %arg9[%parallel_loop3A_111, %parallel_loop3A_112] {strides = array<i32>} : memref<64x768xf32, #tpu.memory_space<vmem>>, vector<16xf32>,
      tpu.vector_store %arg9[%parallel_loop3A_111, %parallel_loop3A_112], %broadcast_in_dim3A_3 {strides = array<i32>} : memref<64x768xf32, #tpu.memory_space<vmem>>, vector<16xf32>,
      %parallel_loop3A_114 = arith.index_cast %parallel_loop3A_26 : i32 to index
      %parallel_loop3A_115 = arith.constant 224 : index
      %parallel_loop3A_116 = tpu.vector_load %arg10[%parallel_loop3A_114, %parallel_loop3A_115] {strides = array<i32>} : memref<64x768xf32, #tpu.memory_space<vmem>>, vector<16xf32>,
      tpu.vector_store %arg10[%parallel_loop3A_114, %parallel_loop3A_115], %broadcast_in_dim3A_3 {strides = array<i32>} : memref<64x768xf32, #tpu.memory_space<vmem>>, vector<16xf32>,
      %parallel_loop3A_117 = arith.index_cast %parallel_loop3A_26 : i32 to index
      %parallel_loop3A_118 = arith.constant 240 : index
      %parallel_loop3A_119 = tpu.vector_load %arg9[%parallel_loop3A_117, %parallel_loop3A_118] {strides = array<i32>} : memref<64x768xf32, #tpu.memory_space<vmem>>, vector<16xf32>,
      tpu.vector_store %arg9[%parallel_loop3A_117, %parallel_loop3A_118], %broadcast_in_dim3A_3 {strides = array<i32>} : memref<64x768xf32, #tpu.memory_space<vmem>>, vector<16xf32>,
      %parallel_loop3A_120 = arith.index_cast %parallel_loop3A_26 : i32 to index
      %parallel_loop3A_121 = arith.constant 240 : index
      %parallel_loop3A_122 = tpu.vector_load %arg10[%parallel_loop3A_120, %parallel_loop3A_121] {strides = array<i32>} : memref<64x768xf32, #tpu.memory_space<vmem>>, vector<16xf32>,
      tpu.vector_store %arg10[%parallel_loop3A_120, %parallel_loop3A_121], %broadcast_in_dim3A_3 {strides = array<i32>} : memref<64x768xf32, #tpu.memory_space<vmem>>, vector<16xf32>,
      %parallel_loop3A_123 = arith.index_cast %parallel_loop3A_26 : i32 to index
      %parallel_loop3A_124 = arith.constant 256 : index
      %parallel_loop3A_125 = tpu.vector_load %arg9[%parallel_loop3A_123, %parallel_loop3A_124] {strides = array<i32>} : memref<64x768xf32, #tpu.memory_space<vmem>>, vector<16xf32>,
      tpu.vector_store %arg9[%parallel_loop3A_123, %parallel_loop3A_124], %broadcast_in_dim3A_3 {strides = array<i32>} : memref<64x768xf32, #tpu.memory_space<vmem>>, vector<16xf32>,
      %parallel_loop3A_126 = arith.index_cast %parallel_loop3A_26 : i32 to index
      %parallel_loop3A_127 = arith.constant 256 : index
      %parallel_loop3A_128 = tpu.vector_load %arg10[%parallel_loop3A_126, %parallel_loop3A_127] {strides = array<i32>} : memref<64x768xf32, #tpu.memory_space<vmem>>, vector<16xf32>,
      tpu.vector_store %arg10[%parallel_loop3A_126, %parallel_loop3A_127], %broadcast_in_dim3A_3 {strides = array<i32>} : memref<64x768xf32, #tpu.memory_space<vmem>>, vector<16xf32>,
      %parallel_loop3A_129 = arith.index_cast %parallel_loop3A_26 : i32 to index
      %parallel_loop3A_130 = arith.constant 272 : index
      %parallel_loop3A_131 = tpu.vector_load %arg9[%parallel_loop3A_129, %parallel_loop3A_130] {strides = array<i32>} : memref<64x768xf32, #tpu.memory_space<vmem>>, vector<16xf32>,
      tpu.vector_store %arg9[%parallel_loop3A_129, %parallel_loop3A_130], %broadcast_in_dim3A_3 {strides = array<i32>} : memref<64x768xf32, #tpu.memory_space<vmem>>, vector<16xf32>,
      %parallel_loop3A_132 = arith.index_cast %parallel_loop3A_26 : i32 to index
      %parallel_loop3A_133 = arith.constant 272 : index
      %parallel_loop3A_134 = tpu.vector_load %arg10[%parallel_loop3A_132, %parallel_loop3A_133] {strides = array<i32>} : memref<64x768xf32, #tpu.memory_space<vmem>>, vector<16xf32>,
      tpu.vector_store %arg10[%parallel_loop3A_132, %parallel_loop3A_133], %broadcast_in_dim3A_3 {strides = array<i32>} : memref<64x768xf32, #tpu.memory_space<vmem>>, vector<16xf32>,
      %parallel_loop3A_135 = arith.index_cast %parallel_loop3A_26 : i32 to index
      %parallel_loop3A_136 = arith.constant 288 : index
      %parallel_loop3A_137 = tpu.vector_load %arg9[%parallel_loop3A_135, %parallel_loop3A_136] {strides = array<i32>} : memref<64x768xf32, #tpu.memory_space<vmem>>, vector<16xf32>,
      tpu.vector_store %arg9[%parallel_loop3A_135, %parallel_loop3A_136], %broadcast_in_dim3A_3 {strides = array<i32>} : memref<64x768xf32, #tpu.memory_space<vmem>>, vector<16xf32>,
      %parallel_loop3A_138 = arith.index_cast %parallel_loop3A_26 : i32 to index
      %parallel_loop3A_139 = arith.constant 288 : index
      %parallel_loop3A_140 = tpu.vector_load %arg10[%parallel_loop3A_138, %parallel_loop3A_139] {strides = array<i32>} : memref<64x768xf32, #tpu.memory_space<vmem>>, vector<16xf32>,
      tpu.vector_store %arg10[%parallel_loop3A_138, %parallel_loop3A_139], %broadcast_in_dim3A_3 {strides = array<i32>} : memref<64x768xf32, #tpu.memory_space<vmem>>, vector<16xf32>,
      %parallel_loop3A_141 = arith.index_cast %parallel_loop3A_26 : i32 to index
      %parallel_loop3A_142 = arith.constant 304 : index
      %parallel_loop3A_143 = tpu.vector_load %arg9[%parallel_loop3A_141, %parallel_loop3A_142] {strides = array<i32>} : memref<64x768xf32, #tpu.memory_space<vmem>>, vector<16xf32>,
      tpu.vector_store %arg9[%parallel_loop3A_141, %parallel_loop3A_142], %broadcast_in_dim3A_3 {strides = array<i32>} : memref<64x768xf32, #tpu.memory_space<vmem>>, vector<16xf32>,
      %parallel_loop3A_144 = arith.index_cast %parallel_loop3A_26 : i32 to index
      %parallel_loop3A_145 = arith.constant 304 : index
      %parallel_loop3A_146 = tpu.vector_load %arg10[%parallel_loop3A_144, %parallel_loop3A_145] {strides = array<i32>} : memref<64x768xf32, #tpu.memory_space<vmem>>, vector<16xf32>,
      tpu.vector_store %arg10[%parallel_loop3A_144, %parallel_loop3A_145], %broadcast_in_dim3A_3 {strides = array<i32>} : memref<64x768xf32, #tpu.memory_space<vmem>>, vector<16xf32>,
      %parallel_loop3A_147 = arith.index_cast %parallel_loop3A_26 : i32 to index
      %parallel_loop3A_148 = arith.constant 320 : index
      %parallel_loop3A_149 = tpu.vector_load %arg9[%parallel_loop3A_147, %parallel_loop3A_148] {strides = array<i32>} : memref<64x768xf32, #tpu.memory_space<vmem>>, vector<16xf32>,
      tpu.vector_store %arg9[%parallel_loop3A_147, %parallel_loop3A_148], %broadcast_in_dim3A_3 {strides = array<i32>} : memref<64x768xf32, #tpu.memory_space<vmem>>, vector<16xf32>,
      %parallel_loop3A_150 = arith.index_cast %parallel_loop3A_26 : i32 to index
      %parallel_loop3A_151 = arith.constant 320 : index
      %parallel_loop3A_152 = tpu.vector_load %arg10[%parallel_loop3A_150, %parallel_loop3A_151] {strides = array<i32>} : memref<64x768xf32, #tpu.memory_space<vmem>>, vector<16xf32>,
      tpu.vector_store %arg10[%parallel_loop3A_150, %parallel_loop3A_151], %broadcast_in_dim3A_3 {strides = array<i32>} : memref<64x768xf32, #tpu.memory_space<vmem>>, vector<16xf32>,
      %parallel_loop3A_153 = arith.index_cast %parallel_loop3A_26 : i32 to index
      %parallel_loop3A_154 = arith.constant 336 : index
      %parallel_loop3A_155 = tpu.vector_load %arg9[%parallel_loop3A_153, %parallel_loop3A_154] {strides = array<i32>} : memref<64x768xf32, #tpu.memory_space<vmem>>, vector<16xf32>,
      tpu.vector_store %arg9[%parallel_loop3A_153, %parallel_loop3A_154], %broadcast_in_dim3A_3 {strides = array<i32>} : memref<64x768xf32, #tpu.memory_space<vmem>>, vector<16xf32>,
      %parallel_loop3A_156 = arith.index_cast %parallel_loop3A_26 : i32 to index
      %parallel_loop3A_157 = arith.constant 336 : index
      %parallel_loop3A_158 = tpu.vector_load %arg10[%parallel_loop3A_156, %parallel_loop3A_157] {strides = array<i32>} : memref<64x768xf32, #tpu.memory_space<vmem>>, vector<16xf32>,
      tpu.vector_store %arg10[%parallel_loop3A_156, %parallel_loop3A_157], %broadcast_in_dim3A_3 {strides = array<i32>} : memref<64x768xf32, #tpu.memory_space<vmem>>, vector<16xf32>,
      %parallel_loop3A_159 = arith.index_cast %parallel_loop3A_26 : i32 to index
      %parallel_loop3A_160 = arith.constant 352 : index
      %parallel_loop3A_161 = tpu.vector_load %arg9[%parallel_loop3A_159, %parallel_loop3A_160] {strides = array<i32>} : memref<64x768xf32, #tpu.memory_space<vmem>>, vector<16xf32>,
      tpu.vector_store %arg9[%parallel_loop3A_159, %parallel_loop3A_160], %broadcast_in_dim3A_3 {strides = array<i32>} : memref<64x768xf32, #tpu.memory_space<vmem>>, vector<16xf32>,
      %parallel_loop3A_162 = arith.index_cast %parallel_loop3A_26 : i32 to index
      %parallel_loop3A_163 = arith.constant 352 : index
      %parallel_loop3A_164 = tpu.vector_load %arg10[%parallel_loop3A_162, %parallel_loop3A_163] {strides = array<i32>} : memref<64x768xf32, #tpu.memory_space<vmem>>, vector<16xf32>,
      tpu.vector_store %arg10[%parallel_loop3A_162, %parallel_loop3A_163], %broadcast_in_dim3A_3 {strides = array<i32>} : memref<64x768xf32, #tpu.memory_space<vmem>>, vector<16xf32>,
      %parallel_loop3A_165 = arith.index_cast %parallel_loop3A_26 : i32 to index
      %parallel_loop3A_166 = arith.constant 368 : index
      %parallel_loop3A_167 = tpu.vector_load %arg9[%parallel_loop3A_165, %parallel_loop3A_166] {strides = array<i32>} : memref<64x768xf32, #tpu.memory_space<vmem>>, vector<16xf32>,
      tpu.vector_store %arg9[%parallel_loop3A_165, %parallel_loop3A_166], %broadcast_in_dim3A_3 {strides = array<i32>} : memref<64x768xf32, #tpu.memory_space<vmem>>, vector<16xf32>,
      %parallel_loop3A_168 = arith.index_cast %parallel_loop3A_26 : i32 to index
      %parallel_loop3A_169 = arith.constant 368 : index
      %parallel_loop3A_170 = tpu.vector_load %arg10[%parallel_loop3A_168, %parallel_loop3A_169] {strides = array<i32>} : memref<64x768xf32, #tpu.memory_space<vmem>>, vector<16xf32>,
      tpu.vector_store %arg10[%parallel_loop3A_168, %parallel_loop3A_169], %broadcast_in_dim3A_3 {strides = array<i32>} : memref<64x768xf32, #tpu.memory_space<vmem>>, vector<16xf32>,
      %parallel_loop3A_171 = arith.index_cast %parallel_loop3A_26 : i32 to index
      %parallel_loop3A_172 = arith.constant 384 : index
      %parallel_loop3A_173 = tpu.vector_load %arg9[%parallel_loop3A_171, %parallel_loop3A_172] {strides = array<i32>} : memref<64x768xf32, #tpu.memory_space<vmem>>, vector<16xf32>,
      tpu.vector_store %arg9[%parallel_loop3A_171, %parallel_loop3A_172], %broadcast_in_dim3A_3 {strides = array<i32>} : memref<64x768xf32, #tpu.memory_space<vmem>>, vector<16xf32>,
      %parallel_loop3A_174 = arith.index_cast %parallel_loop3A_26 : i32 to index
      %parallel_loop3A_175 = arith.constant 384 : index
      %parallel_loop3A_176 = tpu.vector_load %arg10[%parallel_loop3A_174, %parallel_loop3A_175] {strides = array<i32>} : memref<64x768xf32, #tpu.memory_space<vmem>>, vector<16xf32>,
      tpu.vector_store %arg10[%parallel_loop3A_174, %parallel_loop3A_175], %broadcast_in_dim3A_3 {strides = array<i32>} : memref<64x768xf32, #tpu.memory_space<vmem>>, vector<16xf32>,
      %parallel_loop3A_177 = arith.index_cast %parallel_loop3A_26 : i32 to index
      %parallel_loop3A_178 = arith.constant 400 : index
      %parallel_loop3A_179 = tpu.vector_load %arg9[%parallel_loop3A_177, %parallel_loop3A_178] {strides = array<i32>} : memref<64x768xf32, #tpu.memory_space<vmem>>, vector<16xf32>,
      tpu.vector_store %arg9[%parallel_loop3A_177, %parallel_loop3A_178], %broadcast_in_dim3A_3 {strides = array<i32>} : memref<64x768xf32, #tpu.memory_space<vmem>>, vector<16xf32>,
      %parallel_loop3A_180 = arith.index_cast %parallel_loop3A_26 : i32 to index
      %parallel_loop3A_181 = arith.constant 400 : index
      %parallel_loop3A_182 = tpu.vector_load %arg10[%parallel_loop3A_180, %parallel_loop3A_181] {strides = array<i32>} : memref<64x768xf32, #tpu.memory_space<vmem>>, vector<16xf32>,
      tpu.vector_store %arg10[%parallel_loop3A_180, %parallel_loop3A_181], %broadcast_in_dim3A_3 {strides = array<i32>} : memref<64x768xf32, #tpu.memory_space<vmem>>, vector<16xf32>,
      %parallel_loop3A_183 = arith.index_cast %parallel_loop3A_26 : i32 to index
      %parallel_loop3A_184 = arith.constant 416 : index
      %parallel_loop3A_185 = tpu.vector_load %arg9[%parallel_loop3A_183, %parallel_loop3A_184] {strides = array<i32>} : memref<64x768xf32, #tpu.memory_space<vmem>>, vector<16xf32>,
      tpu.vector_store %arg9[%parallel_loop3A_183, %parallel_loop3A_184], %broadcast_in_dim3A_3 {strides = array<i32>} : memref<64x768xf32, #tpu.memory_space<vmem>>, vector<16xf32>,
      %parallel_loop3A_186 = arith.index_cast %parallel_loop3A_26 : i32 to index
      %parallel_loop3A_187 = arith.constant 416 : index
      %parallel_loop3A_188 = tpu.vector_load %arg10[%parallel_loop3A_186, %parallel_loop3A_187] {strides = array<i32>} : memref<64x768xf32, #tpu.memory_space<vmem>>, vector<16xf32>,
      tpu.vector_store %arg10[%parallel_loop3A_186, %parallel_loop3A_187], %broadcast_in_dim3A_3 {strides = array<i32>} : memref<64x768xf32, #tpu.memory_space<vmem>>, vector<16xf32>,
      %parallel_loop3A_189 = arith.index_cast %parallel_loop3A_26 : i32 to index
      %parallel_loop3A_190 = arith.constant 432 : index
      %parallel_loop3A_191 = tpu.vector_load %arg9[%parallel_loop3A_189, %parallel_loop3A_190] {strides = array<i32>} : memref<64x768xf32, #tpu.memory_space<vmem>>, vector<16xf32>,
      tpu.vector_store %arg9[%parallel_loop3A_189, %parallel_loop3A_190], %broadcast_in_dim3A_3 {strides = array<i32>} : memref<64x768xf32, #tpu.memory_space<vmem>>, vector<16xf32>,
      %parallel_loop3A_192 = arith.index_cast %parallel_loop3A_26 : i32 to index
      %parallel_loop3A_193 = arith.constant 432 : index
      %parallel_loop3A_194 = tpu.vector_load %arg10[%parallel_loop3A_192, %parallel_loop3A_193] {strides = array<i32>} : memref<64x768xf32, #tpu.memory_space<vmem>>, vector<16xf32>,
      tpu.vector_store %arg10[%parallel_loop3A_192, %parallel_loop3A_193], %broadcast_in_dim3A_3 {strides = array<i32>} : memref<64x768xf32, #tpu.memory_space<vmem>>, vector<16xf32>,
      %parallel_loop3A_195 = arith.index_cast %parallel_loop3A_26 : i32 to index
      %parallel_loop3A_196 = arith.constant 448 : index
      %parallel_loop3A_197 = tpu.vector_load %arg9[%parallel_loop3A_195, %parallel_loop3A_196] {strides = array<i32>} : memref<64x768xf32, #tpu.memory_space<vmem>>, vector<16xf32>,
      tpu.vector_store %arg9[%parallel_loop3A_195, %parallel_loop3A_196], %broadcast_in_dim3A_3 {strides = array<i32>} : memref<64x768xf32, #tpu.memory_space<vmem>>, vector<16xf32>,
      %parallel_loop3A_198 = arith.index_cast %parallel_loop3A_26 : i32 to index
      %parallel_loop3A_199 = arith.constant 448 : index
      %parallel_loop3A_200 = tpu.vector_load %arg10[%parallel_loop3A_198, %parallel_loop3A_199] {strides = array<i32>} : memref<64x768xf32, #tpu.memory_space<vmem>>, vector<16xf32>,
      tpu.vector_store %arg10[%parallel_loop3A_198, %parallel_loop3A_199], %broadcast_in_dim3A_3 {strides = array<i32>} : memref<64x768xf32, #tpu.memory_space<vmem>>, vector<16xf32>,
      %parallel_loop3A_201 = arith.index_cast %parallel_loop3A_26 : i32 to index
      %parallel_loop3A_202 = arith.constant 464 : index
      %parallel_loop3A_203 = tpu.vector_load %arg9[%parallel_loop3A_201, %parallel_loop3A_202] {strides = array<i32>} : memref<64x768xf32, #tpu.memory_space<vmem>>, vector<16xf32>,
      tpu.vector_store %arg9[%parallel_loop3A_201, %parallel_loop3A_202], %broadcast_in_dim3A_3 {strides = array<i32>} : memref<64x768xf32, #tpu.memory_space<vmem>>, vector<16xf32>,
      %parallel_loop3A_204 = arith.index_cast %parallel_loop3A_26 : i32 to index
      %parallel_loop3A_205 = arith.constant 464 : index
      %parallel_loop3A_206 = tpu.vector_load %arg10[%parallel_loop3A_204, %parallel_loop3A_205] {strides = array<i32>} : memref<64x768xf32, #tpu.memory_space<vmem>>, vector<16xf32>,
      tpu.vector_store %arg10[%parallel_loop3A_204, %parallel_loop3A_205], %broadcast_in_dim3A_3 {strides = array<i32>} : memref<64x768xf32, #tpu.memory_space<vmem>>, vector<16xf32>,
      %parallel_loop3A_207 = arith.index_cast %parallel_loop3A_26 : i32 to index
      %parallel_loop3A_208 = arith.constant 480 : index
      %parallel_loop3A_209 = tpu.vector_load %arg9[%parallel_loop3A_207, %parallel_loop3A_208] {strides = array<i32>} : memref<64x768xf32, #tpu.memory_space<vmem>>, vector<16xf32>,
      tpu.vector_store %arg9[%parallel_loop3A_207, %parallel_loop3A_208], %broadcast_in_dim3A_3 {strides = array<i32>} : memref<64x768xf32, #tpu.memory_space<vmem>>, vector<16xf32>,
      %parallel_loop3A_210 = arith.index_cast %parallel_loop3A_26 : i32 to index
      %parallel_loop3A_211 = arith.constant 480 : index
      %parallel_loop3A_212 = tpu.vector_load %arg10[%parallel_loop3A_210, %parallel_loop3A_211] {strides = array<i32>} : memref<64x768xf32, #tpu.memory_space<vmem>>, vector<16xf32>,
      tpu.vector_store %arg10[%parallel_loop3A_210, %parallel_loop3A_211], %broadcast_in_dim3A_3 {strides = array<i32>} : memref<64x768xf32, #tpu.memory_space<vmem>>, vector<16xf32>,
      %parallel_loop3A_213 = arith.index_cast %parallel_loop3A_26 : i32 to index
      %parallel_loop3A_214 = arith.constant 496 : index
      %parallel_loop3A_215 = tpu.vector_load %arg9[%parallel_loop3A_213, %parallel_loop3A_214] {strides = array<i32>} : memref<64x768xf32, #tpu.memory_space<vmem>>, vector<16xf32>,
      tpu.vector_store %arg9[%parallel_loop3A_213, %parallel_loop3A_214], %broadcast_in_dim3A_3 {strides = array<i32>} : memref<64x768xf32, #tpu.memory_space<vmem>>, vector<16xf32>,
      %parallel_loop3A_216 = arith.index_cast %parallel_loop3A_26 : i32 to index
      %parallel_loop3A_217 = arith.constant 496 : index
      %parallel_loop3A_218 = tpu.vector_load %arg10[%parallel_loop3A_216, %parallel_loop3A_217] {strides = array<i32>} : memref<64x768xf32, #tpu.memory_space<vmem>>, vector<16xf32>,
      tpu.vector_store %arg10[%parallel_loop3A_216, %parallel_loop3A_217], %broadcast_in_dim3A_3 {strides = array<i32>} : memref<64x768xf32, #tpu.memory_space<vmem>>, vector<16xf32>,
      %parallel_loop3A_219 = arith.index_cast %parallel_loop3A_26 : i32 to index
      %parallel_loop3A_220 = arith.constant 512 : index
      %parallel_loop3A_221 = tpu.vector_load %arg9[%parallel_loop3A_219, %parallel_loop3A_220] {strides = array<i32>} : memref<64x768xf32, #tpu.memory_space<vmem>>, vector<16xf32>,
      tpu.vector_store %arg9[%parallel_loop3A_219, %parallel_loop3A_220], %broadcast_in_dim3A_3 {strides = array<i32>} : memref<64x768xf32, #tpu.memory_space<vmem>>, vector<16xf32>,
      %parallel_loop3A_222 = arith.index_cast %parallel_loop3A_26 : i32 to index
      %parallel_loop3A_223 = arith.constant 512 : index
      %parallel_loop3A_224 = tpu.vector_load %arg10[%parallel_loop3A_222, %parallel_loop3A_223] {strides = array<i32>} : memref<64x768xf32, #tpu.memory_space<vmem>>, vector<16xf32>,
      tpu.vector_store %arg10[%parallel_loop3A_222, %parallel_loop3A_223], %broadcast_in_dim3A_3 {strides = array<i32>} : memref<64x768xf32, #tpu.memory_space<vmem>>, vector<16xf32>,
      %parallel_loop3A_225 = arith.index_cast %parallel_loop3A_26 : i32 to index
      %parallel_loop3A_226 = arith.constant 528 : index
      %parallel_loop3A_227 = tpu.vector_load %arg9[%parallel_loop3A_225, %parallel_loop3A_226] {strides = array<i32>} : memref<64x768xf32, #tpu.memory_space<vmem>>, vector<16xf32>,
      tpu.vector_store %arg9[%parallel_loop3A_225, %parallel_loop3A_226], %broadcast_in_dim3A_3 {strides = array<i32>} : memref<64x768xf32, #tpu.memory_space<vmem>>, vector<16xf32>,
      %parallel_loop3A_228 = arith.index_cast %parallel_loop3A_26 : i32 to index
      %parallel_loop3A_229 = arith.constant 528 : index
      %parallel_loop3A_230 = tpu.vector_load %arg10[%parallel_loop3A_228, %parallel_loop3A_229] {strides = array<i32>} : memref<64x768xf32, #tpu.memory_space<vmem>>, vector<16xf32>,
      tpu.vector_store %arg10[%parallel_loop3A_228, %parallel_loop3A_229], %broadcast_in_dim3A_3 {strides = array<i32>} : memref<64x768xf32, #tpu.memory_space<vmem>>, vector<16xf32>,
      %parallel_loop3A_231 = arith.index_cast %parallel_loop3A_26 : i32 to index
      %parallel_loop3A_232 = arith.constant 544 : index
      %parallel_loop3A_233 = tpu.vector_load %arg9[%parallel_loop3A_231, %parallel_loop3A_232] {strides = array<i32>} : memref<64x768xf32, #tpu.memory_space<vmem>>, vector<16xf32>,
      tpu.vector_store %arg9[%parallel_loop3A_231, %parallel_loop3A_232], %broadcast_in_dim3A_3 {strides = array<i32>} : memref<64x768xf32, #tpu.memory_space<vmem>>, vector<16xf32>,
      %parallel_loop3A_234 = arith.index_cast %parallel_loop3A_26 : i32 to index
      %parallel_loop3A_235 = arith.constant 544 : index
      %parallel_loop3A_236 = tpu.vector_load %arg10[%parallel_loop3A_234, %parallel_loop3A_235] {strides = array<i32>} : memref<64x768xf32, #tpu.memory_space<vmem>>, vector<16xf32>,
      tpu.vector_store %arg10[%parallel_loop3A_234, %parallel_loop3A_235], %broadcast_in_dim3A_3 {strides = array<i32>} : memref<64x768xf32, #tpu.memory_space<vmem>>, vector<16xf32>,
      %parallel_loop3A_237 = arith.index_cast %parallel_loop3A_26 : i32 to index
      %parallel_loop3A_238 = arith.constant 560 : index
      %parallel_loop3A_239 = tpu.vector_load %arg9[%parallel_loop3A_237, %parallel_loop3A_238] {strides = array<i32>} : memref<64x768xf32, #tpu.memory_space<vmem>>, vector<16xf32>,
      tpu.vector_store %arg9[%parallel_loop3A_237, %parallel_loop3A_238], %broadcast_in_dim3A_3 {strides = array<i32>} : memref<64x768xf32, #tpu.memory_space<vmem>>, vector<16xf32>,
      %parallel_loop3A_240 = arith.index_cast %parallel_loop3A_26 : i32 to index
      %parallel_loop3A_241 = arith.constant 560 : index
      %parallel_loop3A_242 = tpu.vector_load %arg10[%parallel_loop3A_240, %parallel_loop3A_241] {strides = array<i32>} : memref<64x768xf32, #tpu.memory_space<vmem>>, vector<16xf32>,
      tpu.vector_store %arg10[%parallel_loop3A_240, %parallel_loop3A_241], %broadcast_in_dim3A_3 {strides = array<i32>} : memref<64x768xf32, #tpu.memory_space<vmem>>, vector<16xf32>,
      %parallel_loop3A_243 = arith.index_cast %parallel_loop3A_26 : i32 to index
      %parallel_loop3A_244 = arith.constant 576 : index
      %parallel_loop3A_245 = tpu.vector_load %arg9[%parallel_loop3A_243, %parallel_loop3A_244] {strides = array<i32>} : memref<64x768xf32, #tpu.memory_space<vmem>>, vector<16xf32>,
      tpu.vector_store %arg9[%parallel_loop3A_243, %parallel_loop3A_244], %broadcast_in_dim3A_3 {strides = array<i32>} : memref<64x768xf32, #tpu.memory_space<vmem>>, vector<16xf32>,
      %parallel_loop3A_246 = arith.index_cast %parallel_loop3A_26 : i32 to index
      %parallel_loop3A_247 = arith.constant 576 : index
      %parallel_loop3A_248 = tpu.vector_load %arg10[%parallel_loop3A_246, %parallel_loop3A_247] {strides = array<i32>} : memref<64x768xf32, #tpu.memory_space<vmem>>, vector<16xf32>,
      tpu.vector_store %arg10[%parallel_loop3A_246, %parallel_loop3A_247], %broadcast_in_dim3A_3 {strides = array<i32>} : memref<64x768xf32, #tpu.memory_space<vmem>>, vector<16xf32>,
      %parallel_loop3A_249 = arith.index_cast %parallel_loop3A_26 : i32 to index
      %parallel_loop3A_250 = arith.constant 592 : index
      %parallel_loop3A_251 = tpu.vector_load %arg9[%parallel_loop3A_249, %parallel_loop3A_250] {strides = array<i32>} : memref<64x768xf32, #tpu.memory_space<vmem>>, vector<16xf32>,
      tpu.vector_store %arg9[%parallel_loop3A_249, %parallel_loop3A_250], %broadcast_in_dim3A_3 {strides = array<i32>} : memref<64x768xf32, #tpu.memory_space<vmem>>, vector<16xf32>,
      %parallel_loop3A_252 = arith.index_cast %parallel_loop3A_26 : i32 to index
      %parallel_loop3A_253 = arith.constant 592 : index
      %parallel_loop3A_254 = tpu.vector_load %arg10[%parallel_loop3A_252, %parallel_loop3A_253] {strides = array<i32>} : memref<64x768xf32, #tpu.memory_space<vmem>>, vector<16xf32>,
      tpu.vector_store %arg10[%parallel_loop3A_252, %parallel_loop3A_253], %broadcast_in_dim3A_3 {strides = array<i32>} : memref<64x768xf32, #tpu.memory_space<vmem>>, vector<16xf32>,
      %parallel_loop3A_255 = arith.index_cast %parallel_loop3A_26 : i32 to index
      %parallel_loop3A_256 = arith.constant 608 : index
      %parallel_loop3A_257 = tpu.vector_load %arg9[%parallel_loop3A_255, %parallel_loop3A_256] {strides = array<i32>} : memref<64x768xf32, #tpu.memory_space<vmem>>, vector<16xf32>,
      tpu.vector_store %arg9[%parallel_loop3A_255, %parallel_loop3A_256], %broadcast_in_dim3A_3 {strides = array<i32>} : memref<64x768xf32, #tpu.memory_space<vmem>>, vector<16xf32>,
      %parallel_loop3A_258 = arith.index_cast %parallel_loop3A_26 : i32 to index
      %parallel_loop3A_259 = arith.constant 608 : index
      %parallel_loop3A_260 = tpu.vector_load %arg10[%parallel_loop3A_258, %parallel_loop3A_259] {strides = array<i32>} : memref<64x768xf32, #tpu.memory_space<vmem>>, vector<16xf32>,
      tpu.vector_store %arg10[%parallel_loop3A_258, %parallel_loop3A_259], %broadcast_in_dim3A_3 {strides = array<i32>} : memref<64x768xf32, #tpu.memory_space<vmem>>, vector<16xf32>,
      %parallel_loop3A_261 = arith.index_cast %parallel_loop3A_26 : i32 to index
      %parallel_loop3A_262 = arith.constant 624 : index
      %parallel_loop3A_263 = tpu.vector_load %arg9[%parallel_loop3A_261, %parallel_loop3A_262] {strides = array<i32>} : memref<64x768xf32, #tpu.memory_space<vmem>>, vector<16xf32>,
      tpu.vector_store %arg9[%parallel_loop3A_261, %parallel_loop3A_262], %broadcast_in_dim3A_3 {strides = array<i32>} : memref<64x768xf32, #tpu.memory_space<vmem>>, vector<16xf32>,
      %parallel_loop3A_264 = arith.index_cast %parallel_loop3A_26 : i32 to index
      %parallel_loop3A_265 = arith.constant 624 : index
      %parallel_loop3A_266 = tpu.vector_load %arg10[%parallel_loop3A_264, %parallel_loop3A_265] {strides = array<i32>} : memref<64x768xf32, #tpu.memory_space<vmem>>, vector<16xf32>,
      tpu.vector_store %arg10[%parallel_loop3A_264, %parallel_loop3A_265], %broadcast_in_dim3A_3 {strides = array<i32>} : memref<64x768xf32, #tpu.memory_space<vmem>>, vector<16xf32>,
      %parallel_loop3A_267 = arith.index_cast %parallel_loop3A_26 : i32 to index
      %parallel_loop3A_268 = arith.constant 640 : index
      %parallel_loop3A_269 = tpu.vector_load %arg9[%parallel_loop3A_267, %parallel_loop3A_268] {strides = array<i32>} : memref<64x768xf32, #tpu.memory_space<vmem>>, vector<16xf32>,
      tpu.vector_store %arg9[%parallel_loop3A_267, %parallel_loop3A_268], %broadcast_in_dim3A_3 {strides = array<i32>} : memref<64x768xf32, #tpu.memory_space<vmem>>, vector<16xf32>,
      %parallel_loop3A_270 = arith.index_cast %parallel_loop3A_26 : i32 to index
      %parallel_loop3A_271 = arith.constant 640 : index
      %parallel_loop3A_272 = tpu.vector_load %arg10[%parallel_loop3A_270, %parallel_loop3A_271] {strides = array<i32>} : memref<64x768xf32, #tpu.memory_space<vmem>>, vector<16xf32>,
      tpu.vector_store %arg10[%parallel_loop3A_270, %parallel_loop3A_271], %broadcast_in_dim3A_3 {strides = array<i32>} : memref<64x768xf32, #tpu.memory_space<vmem>>, vector<16xf32>,
      %parallel_loop3A_273 = arith.index_cast %parallel_loop3A_26 : i32 to index
      %parallel_loop3A_274 = arith.constant 656 : index
      %parallel_loop3A_275 = tpu.vector_load %arg9[%parallel_loop3A_273, %parallel_loop3A_274] {strides = array<i32>} : memref<64x768xf32, #tpu.memory_space<vmem>>, vector<16xf32>,
      tpu.vector_store %arg9[%parallel_loop3A_273, %parallel_loop3A_274], %broadcast_in_dim3A_3 {strides = array<i32>} : memref<64x768xf32, #tpu.memory_space<vmem>>, vector<16xf32>,
      %parallel_loop3A_276 = arith.index_cast %parallel_loop3A_26 : i32 to index
      %parallel_loop3A_277 = arith.constant 656 : index
      %parallel_loop3A_278 = tpu.vector_load %arg10[%parallel_loop3A_276, %parallel_loop3A_277] {strides = array<i32>} : memref<64x768xf32, #tpu.memory_space<vmem>>, vector<16xf32>,
      tpu.vector_store %arg10[%parallel_loop3A_276, %parallel_loop3A_277], %broadcast_in_dim3A_3 {strides = array<i32>} : memref<64x768xf32, #tpu.memory_space<vmem>>, vector<16xf32>,
      %parallel_loop3A_279 = arith.index_cast %parallel_loop3A_26 : i32 to index
      %parallel_loop3A_280 = arith.constant 672 : index
      %parallel_loop3A_281 = tpu.vector_load %arg9[%parallel_loop3A_279, %parallel_loop3A_280] {strides = array<i32>} : memref<64x768xf32, #tpu.memory_space<vmem>>, vector<16xf32>,
      tpu.vector_store %arg9[%parallel_loop3A_279, %parallel_loop3A_280], %broadcast_in_dim3A_3 {strides = array<i32>} : memref<64x768xf32, #tpu.memory_space<vmem>>, vector<16xf32>,
      %parallel_loop3A_282 = arith.index_cast %parallel_loop3A_26 : i32 to index
      %parallel_loop3A_283 = arith.constant 672 : index
      %parallel_loop3A_284 = tpu.vector_load %arg10[%parallel_loop3A_282, %parallel_loop3A_283] {strides = array<i32>} : memref<64x768xf32, #tpu.memory_space<vmem>>, vector<16xf32>,
      tpu.vector_store %arg10[%parallel_loop3A_282, %parallel_loop3A_283], %broadcast_in_dim3A_3 {strides = array<i32>} : memref<64x768xf32, #tpu.memory_space<vmem>>, vector<16xf32>,
      %parallel_loop3A_285 = arith.index_cast %parallel_loop3A_26 : i32 to index
      %parallel_loop3A_286 = arith.constant 688 : index
      %parallel_loop3A_287 = tpu.vector_load %arg9[%parallel_loop3A_285, %parallel_loop3A_286] {strides = array<i32>} : memref<64x768xf32, #tpu.memory_space<vmem>>, vector<16xf32>,
      tpu.vector_store %arg9[%parallel_loop3A_285, %parallel_loop3A_286], %broadcast_in_dim3A_3 {strides = array<i32>} : memref<64x768xf32, #tpu.memory_space<vmem>>, vector<16xf32>,
      %parallel_loop3A_288 = arith.index_cast %parallel_loop3A_26 : i32 to index
      %parallel_loop3A_289 = arith.constant 688 : index
      %parallel_loop3A_290 = tpu.vector_load %arg10[%parallel_loop3A_288, %parallel_loop3A_289] {strides = array<i32>} : memref<64x768xf32, #tpu.memory_space<vmem>>, vector<16xf32>,
      tpu.vector_store %arg10[%parallel_loop3A_288, %parallel_loop3A_289], %broadcast_in_dim3A_3 {strides = array<i32>} : memref<64x768xf32, #tpu.memory_space<vmem>>, vector<16xf32>,
      %parallel_loop3A_291 = arith.index_cast %parallel_loop3A_26 : i32 to index
      %parallel_loop3A_292 = arith.constant 704 : index
      %parallel_loop3A_293 = tpu.vector_load %arg9[%parallel_loop3A_291, %parallel_loop3A_292] {strides = array<i32>} : memref<64x768xf32, #tpu.memory_space<vmem>>, vector<16xf32>,
      tpu.vector_store %arg9[%parallel_loop3A_291, %parallel_loop3A_292], %broadcast_in_dim3A_3 {strides = array<i32>} : memref<64x768xf32, #tpu.memory_space<vmem>>, vector<16xf32>,
      %parallel_loop3A_294 = arith.index_cast %parallel_loop3A_26 : i32 to index
      %parallel_loop3A_295 = arith.constant 704 : index
      %parallel_loop3A_296 = tpu.vector_load %arg10[%parallel_loop3A_294, %parallel_loop3A_295] {strides = array<i32>} : memref<64x768xf32, #tpu.memory_space<vmem>>, vector<16xf32>,
      tpu.vector_store %arg10[%parallel_loop3A_294, %parallel_loop3A_295], %broadcast_in_dim3A_3 {strides = array<i32>} : memref<64x768xf32, #tpu.memory_space<vmem>>, vector<16xf32>,
      %parallel_loop3A_297 = arith.index_cast %parallel_loop3A_26 : i32 to index
      %parallel_loop3A_298 = arith.constant 720 : index
      %parallel_loop3A_299 = tpu.vector_load %arg9[%parallel_loop3A_297, %parallel_loop3A_298] {strides = array<i32>} : memref<64x768xf32, #tpu.memory_space<vmem>>, vector<16xf32>,
      tpu.vector_store %arg9[%parallel_loop3A_297, %parallel_loop3A_298], %broadcast_in_dim3A_3 {strides = array<i32>} : memref<64x768xf32, #tpu.memory_space<vmem>>, vector<16xf32>,
      %parallel_loop3A_300 = arith.index_cast %parallel_loop3A_26 : i32 to index
      %parallel_loop3A_301 = arith.constant 720 : index
      %parallel_loop3A_302 = tpu.vector_load %arg10[%parallel_loop3A_300, %parallel_loop3A_301] {strides = array<i32>} : memref<64x768xf32, #tpu.memory_space<vmem>>, vector<16xf32>,
      tpu.vector_store %arg10[%parallel_loop3A_300, %parallel_loop3A_301], %broadcast_in_dim3A_3 {strides = array<i32>} : memref<64x768xf32, #tpu.memory_space<vmem>>, vector<16xf32>,
      %parallel_loop3A_303 = arith.index_cast %parallel_loop3A_26 : i32 to index
      %parallel_loop3A_304 = arith.constant 736 : index
      %parallel_loop3A_305 = tpu.vector_load %arg9[%parallel_loop3A_303, %parallel_loop3A_304] {strides = array<i32>} : memref<64x768xf32, #tpu.memory_space<vmem>>, vector<16xf32>,
      tpu.vector_store %arg9[%parallel_loop3A_303, %parallel_loop3A_304], %broadcast_in_dim3A_3 {strides = array<i32>} : memref<64x768xf32, #tpu.memory_space<vmem>>, vector<16xf32>,
      %parallel_loop3A_306 = arith.index_cast %parallel_loop3A_26 : i32 to index
      %parallel_loop3A_307 = arith.constant 736 : index
      %parallel_loop3A_308 = tpu.vector_load %arg10[%parallel_loop3A_306, %parallel_loop3A_307] {strides = array<i32>} : memref<64x768xf32, #tpu.memory_space<vmem>>, vector<16xf32>,
      tpu.vector_store %arg10[%parallel_loop3A_306, %parallel_loop3A_307], %broadcast_in_dim3A_3 {strides = array<i32>} : memref<64x768xf32, #tpu.memory_space<vmem>>, vector<16xf32>,
      %parallel_loop3A_309 = arith.index_cast %parallel_loop3A_26 : i32 to index
      %parallel_loop3A_310 = arith.constant 752 : index
      %parallel_loop3A_311 = tpu.vector_load %arg9[%parallel_loop3A_309, %parallel_loop3A_310] {strides = array<i32>} : memref<64x768xf32, #tpu.memory_space<vmem>>, vector<16xf32>,
      tpu.vector_store %arg9[%parallel_loop3A_309, %parallel_loop3A_310], %broadcast_in_dim3A_3 {strides = array<i32>} : memref<64x768xf32, #tpu.memory_space<vmem>>, vector<16xf32>,
      %parallel_loop3A_312 = arith.index_cast %parallel_loop3A_26 : i32 to index
      %parallel_loop3A_313 = arith.constant 752 : index
      %parallel_loop3A_314 = tpu.vector_load %arg10[%parallel_loop3A_312, %parallel_loop3A_313] {strides = array<i32>} : memref<64x768xf32, #tpu.memory_space<vmem>>, vector<16xf32>,
      tpu.vector_store %arg10[%parallel_loop3A_312, %parallel_loop3A_313], %broadcast_in_dim3A_3 {strides = array<i32>} : memref<64x768xf32, #tpu.memory_space<vmem>>, vector<16xf32>,
    } {sc.loop_unroll_factor = 2 : i64, sc.parallel_access}
    %scan3A = arith.constant 0 : i32
    %scan3A_10 = arith.constant 0 : i32
    %scan3A_11 = arith.constant 4 : i32
    %scan3A_12 = arith.addi %scan3A_10, %scan3A_11 : i32
    %scan3A_13 = arith.constant 1 : i32
    scf.for %scan3A_26 = %scan3A_10 to %scan3A_12 step %scan3A_13  : i32 {
      %mul3A_27 = arith.constant 64 : i32
      %mul3A_28 = arith.muli %scan3A_26, %mul3A_27 : i32
      %add3A_29 = arith.addi %mul3A_2, %mul3A_28 : i32
      %multiple_of3A_30 = tpu.assume_multiple %add3A_29, 64 : i32
      %gt3A = arith.constant 0 : i32
      %gt3A_31 = arith.cmpi sgt, %scan3A_26, %gt3A : i32
      %convert_element_type3A = arith.extui %gt3A_31 : i1 to i32
      %cond3A = arith.constant 0 : i32
      %cond3A_32 = arith.cmpi ne, %convert_element_type3A, %cond3A : i32
      scf.if %cond3A_32 {
        %sub3A = arith.constant 64 : i32
        %sub3A_74 = arith.subi %multiple_of3A_30, %sub3A : i32
        %dma_wait3A_75 = arith.constant 0 : i32
        %dma_wait3A_76 = tpu.memref_slice %arg5[%sub3A_74, %dma_wait3A_75] : memref<16384x768xf32, #tpu.memory_space<hbm>> -> memref<64x768xf32, #tpu.memory_space<hbm>>
        %dma_wait3A_77 = arith.constant 0 : i32
        %dma_wait3A_78 = tpu.memref_slice %arg5[%sub3A_74, %dma_wait3A_77] : memref<16384x768xf32, #tpu.memory_space<hbm>> -> memref<64x768xf32, #tpu.memory_space<hbm>>
        tpu.wait_dma2 semaphore(%arg11 : memref<!tpu.dma_semaphore, #tpu.memory_space<semaphore_mem>>) src(%arg9 : memref<64x768xf32, #tpu.memory_space<vmem>>) dst(%dma_wait3A_78 : memref<64x768xf32, #tpu.memory_space<hbm>>)
        %parallel_loop3A_79 = arith.constant 0 : i32
        %parallel_loop3A_80 = arith.constant 64 : i32
        %parallel_loop3A_81 = arith.constant 1 : i32
        %parallel_loop3A_82 = scf.for %parallel_loop3A_95 = %parallel_loop3A_79 to %parallel_loop3A_80 step %parallel_loop3A_81 iter_args(%parallel_loop3A_96 = %broadcast_in_dim3A_7) -> (vector<16xi32>)  : i32 {
          %parallel_loop3A_97 = arith.index_cast %parallel_loop3A_95 : i32 to index
          %parallel_loop3A_98 = arith.constant 0 : index
          %parallel_loop3A_99 = tpu.vector_load %arg6[%parallel_loop3A_97, %parallel_loop3A_98] {strides = array<i32>} : memref<64x32xi32, #tpu.memory_space<vmem>>, vector<16xi32>,
          tpu.vector_store_idx %arg9[%parallel_loop3A_96, %parallel_loop3A_99], %broadcast_in_dim3A_3 : memref<64x768xf32, #tpu.memory_space<vmem>>[vector<16xi32>, vector<16xi32>], vector<16xf32>,
          %parallel_loop3A_100 = arith.index_cast %parallel_loop3A_95 : i32 to index
          %parallel_loop3A_101 = arith.constant 16 : index
          %parallel_loop3A_102 = tpu.vector_load %arg6[%parallel_loop3A_100, %parallel_loop3A_101] {strides = array<i32>} : memref<64x32xi32, #tpu.memory_space<vmem>>, vector<16xi32>,
          tpu.vector_store_idx %arg9[%parallel_loop3A_96, %parallel_loop3A_102], %broadcast_in_dim3A_3 : memref<64x768xf32, #tpu.memory_space<vmem>>[vector<16xi32>, vector<16xi32>], vector<16xf32>,
          %parallel_loop3A_103 = arith.addi %parallel_loop3A_96, %broadcast_in_dim3A_5 : vector<16xi32>
          scf.yield %parallel_loop3A_103 : vector<16xi32>
        } {sc.loop_unroll_factor = 4 : i64, sc.parallel_access}
        %add3A_83 = arith.constant 8192 : i32
        %add3A_84 = arith.addi %add3A_83, %multiple_of3A_30 : i32
        %sub3A_85 = arith.constant 64 : i32
        %sub3A_86 = arith.subi %add3A_84, %sub3A_85 : i32
        %dma_wait3A_87 = arith.constant 0 : i32
        %dma_wait3A_88 = tpu.memref_slice %arg5[%sub3A_86, %dma_wait3A_87] : memref<16384x768xf32, #tpu.memory_space<hbm>> -> memref<64x768xf32, #tpu.memory_space<hbm>>
        %dma_wait3A_89 = arith.constant 0 : i32
        %dma_wait3A_90 = tpu.memref_slice %arg5[%sub3A_86, %dma_wait3A_89] : memref<16384x768xf32, #tpu.memory_space<hbm>> -> memref<64x768xf32, #tpu.memory_space<hbm>>
        tpu.wait_dma2 semaphore(%arg12 : memref<!tpu.dma_semaphore, #tpu.memory_space<semaphore_mem>>) src(%arg10 : memref<64x768xf32, #tpu.memory_space<vmem>>) dst(%dma_wait3A_90 : memref<64x768xf32, #tpu.memory_space<hbm>>)
        %parallel_loop3A_91 = arith.constant 0 : i32
        %parallel_loop3A_92 = arith.constant 64 : i32
        %parallel_loop3A_93 = arith.constant 1 : i32
        %parallel_loop3A_94 = scf.for %parallel_loop3A_95 = %parallel_loop3A_91 to %parallel_loop3A_92 step %parallel_loop3A_93 iter_args(%parallel_loop3A_96 = %broadcast_in_dim3A_7) -> (vector<16xi32>)  : i32 {
          %parallel_loop3A_97 = arith.index_cast %parallel_loop3A_95 : i32 to index
          %parallel_loop3A_98 = arith.constant 0 : index
          %parallel_loop3A_99 = tpu.vector_load %arg7[%parallel_loop3A_97, %parallel_loop3A_98] {strides = array<i32>} : memref<64x32xi32, #tpu.memory_space<vmem>>, vector<16xi32>,
          tpu.vector_store_idx %arg10[%parallel_loop3A_96, %parallel_loop3A_99], %broadcast_in_dim3A_3 : memref<64x768xf32, #tpu.memory_space<vmem>>[vector<16xi32>, vector<16xi32>], vector<16xf32>,
          %parallel_loop3A_100 = arith.index_cast %parallel_loop3A_95 : i32 to index
          %parallel_loop3A_101 = arith.constant 16 : index
          %parallel_loop3A_102 = tpu.vector_load %arg7[%parallel_loop3A_100, %parallel_loop3A_101] {strides = array<i32>} : memref<64x32xi32, #tpu.memory_space<vmem>>, vector<16xi32>,
          tpu.vector_store_idx %arg10[%parallel_loop3A_96, %parallel_loop3A_102], %broadcast_in_dim3A_3 : memref<64x768xf32, #tpu.memory_space<vmem>>[vector<16xi32>, vector<16xi32>], vector<16xf32>,
          %parallel_loop3A_103 = arith.addi %parallel_loop3A_96, %broadcast_in_dim3A_5 : vector<16xi32>
          scf.yield %parallel_loop3A_103 : vector<16xi32>
        } {sc.loop_unroll_factor = 4 : i64, sc.parallel_access}
      } else {
      }
      %dma_start3A = arith.constant 0 : i32
      %dma_start3A_33 = tpu.memref_slice %arg2[%multiple_of3A_30, %dma_start3A] : memref<8192x32xi32, #tpu.memory_space<hbm>> -> memref<64x32xi32, #tpu.memory_space<hbm>>
      %dma_start3A_34 = arith.constant 0 : i32
      %dma_start3A_35 = tpu.memref_slice %arg2[%multiple_of3A_30, %dma_start3A_34] : memref<8192x32xi32, #tpu.memory_space<hbm>> -> memref<64x32xi32, #tpu.memory_space<hbm>>
      tpu.enqueue_dma source(%dma_start3A_35 : memref<64x32xi32, #tpu.memory_space<hbm>>) target(%arg6 : memref<64x32xi32, #tpu.memory_space<vmem>>) target_semaphore(%arg13 : memref<!tpu.dma_semaphore, #tpu.memory_space<semaphore_mem>>)
      %dma_start3A_36 = arith.constant 0 : i32
      %dma_start3A_37 = tpu.memref_slice %arg3[%multiple_of3A_30, %dma_start3A_36] : memref<8192x32xi32, #tpu.memory_space<hbm>> -> memref<64x32xi32, #tpu.memory_space<hbm>>
      %dma_start3A_38 = arith.constant 0 : i32
      %dma_start3A_39 = tpu.memref_slice %arg3[%multiple_of3A_30, %dma_start3A_38] : memref<8192x32xi32, #tpu.memory_space<hbm>> -> memref<64x32xi32, #tpu.memory_space<hbm>>
      tpu.enqueue_dma source(%dma_start3A_39 : memref<64x32xi32, #tpu.memory_space<hbm>>) target(%arg7 : memref<64x32xi32, #tpu.memory_space<vmem>>) target_semaphore(%arg13 : memref<!tpu.dma_semaphore, #tpu.memory_space<semaphore_mem>>)
      %dma_start3A_40 = arith.constant 0 : i32
      %dma_start3A_41 = tpu.memref_slice %arg4[%multiple_of3A_30, %dma_start3A_40] : memref<8192x32xf32, #tpu.memory_space<hbm>> -> memref<64x32xf32, #tpu.memory_space<hbm>>
      %dma_start3A_42 = arith.constant 0 : i32
      %dma_start3A_43 = tpu.memref_slice %arg4[%multiple_of3A_30, %dma_start3A_42] : memref<8192x32xf32, #tpu.memory_space<hbm>> -> memref<64x32xf32, #tpu.memory_space<hbm>>
      tpu.enqueue_dma source(%dma_start3A_43 : memref<64x32xf32, #tpu.memory_space<hbm>>) target(%arg8 : memref<64x32xf32, #tpu.memory_space<vmem>>) target_semaphore(%arg13 : memref<!tpu.dma_semaphore, #tpu.memory_space<semaphore_mem>>)
      %dma_wait3A_44 = arith.constant 0 : i32
      %dma_wait3A_45 = tpu.memref_slice %arg2[%multiple_of3A_30, %dma_wait3A_44] : memref<8192x32xi32, #tpu.memory_space<hbm>> -> memref<64x32xi32, #tpu.memory_space<hbm>>
      %dma_wait3A_46 = arith.constant 0 : i32
      %dma_wait3A_47 = tpu.memref_slice %arg2[%multiple_of3A_30, %dma_wait3A_46] : memref<8192x32xi32, #tpu.memory_space<hbm>> -> memref<64x32xi32, #tpu.memory_space<hbm>>
      tpu.wait_dma2 semaphore(%arg13 : memref<!tpu.dma_semaphore, #tpu.memory_space<semaphore_mem>>) src(%dma_wait3A_47 : memref<64x32xi32, #tpu.memory_space<hbm>>) dst(%arg6 : memref<64x32xi32, #tpu.memory_space<vmem>>)
      %dma_wait3A_48 = arith.constant 0 : i32
      %dma_wait3A_49 = tpu.memref_slice %arg3[%multiple_of3A_30, %dma_wait3A_48] : memref<8192x32xi32, #tpu.memory_space<hbm>> -> memref<64x32xi32, #tpu.memory_space<hbm>>
      %dma_wait3A_50 = arith.constant 0 : i32
      %dma_wait3A_51 = tpu.memref_slice %arg3[%multiple_of3A_30, %dma_wait3A_50] : memref<8192x32xi32, #tpu.memory_space<hbm>> -> memref<64x32xi32, #tpu.memory_space<hbm>>
      tpu.wait_dma2 semaphore(%arg13 : memref<!tpu.dma_semaphore, #tpu.memory_space<semaphore_mem>>) src(%dma_wait3A_51 : memref<64x32xi32, #tpu.memory_space<hbm>>) dst(%arg7 : memref<64x32xi32, #tpu.memory_space<vmem>>)
      %dma_wait3A_52 = arith.constant 0 : i32
      %dma_wait3A_53 = tpu.memref_slice %arg4[%multiple_of3A_30, %dma_wait3A_52] : memref<8192x32xf32, #tpu.memory_space<hbm>> -> memref<64x32xf32, #tpu.memory_space<hbm>>
      %dma_wait3A_54 = arith.constant 0 : i32
      %dma_wait3A_55 = tpu.memref_slice %arg4[%multiple_of3A_30, %dma_wait3A_54] : memref<8192x32xf32, #tpu.memory_space<hbm>> -> memref<64x32xf32, #tpu.memory_space<hbm>>
      tpu.wait_dma2 semaphore(%arg13 : memref<!tpu.dma_semaphore, #tpu.memory_space<semaphore_mem>>) src(%dma_wait3A_55 : memref<64x32xf32, #tpu.memory_space<hbm>>) dst(%arg8 : memref<64x32xf32, #tpu.memory_space<vmem>>)
      %parallel_loop3A_56 = arith.constant 0 : i32
      %parallel_loop3A_57 = arith.constant 64 : i32
      %parallel_loop3A_58 = arith.constant 1 : i32
      %parallel_loop3A_59 = scf.for %parallel_loop3A_74 = %parallel_loop3A_56 to %parallel_loop3A_57 step %parallel_loop3A_58 iter_args(%parallel_loop3A_75 = %broadcast_in_dim3A_7) -> (vector<16xi32>)  : i32 {
        %parallel_loop3A_76 = arith.index_cast %parallel_loop3A_74 : i32 to index
        %parallel_loop3A_77 = arith.constant 0 : index
        %parallel_loop3A_78 = tpu.vector_load %arg6[%parallel_loop3A_76, %parallel_loop3A_77] {strides = array<i32>} : memref<64x32xi32, #tpu.memory_space<vmem>>, vector<16xi32>,
        %parallel_loop3A_79 = arith.index_cast %parallel_loop3A_74 : i32 to index
        %parallel_loop3A_80 = arith.constant 0 : index
        %parallel_loop3A_81 = tpu.vector_load %arg8[%parallel_loop3A_79, %parallel_loop3A_80] {strides = array<i32>} : memref<64x32xf32, #tpu.memory_space<vmem>>, vector<16xf32>,
        tpu.vector_store_idx %arg9[%parallel_loop3A_75, %parallel_loop3A_78], %parallel_loop3A_81 {add = true} : memref<64x768xf32, #tpu.memory_space<vmem>>[vector<16xi32>, vector<16xi32>], vector<16xf32>,
        %parallel_loop3A_82 = arith.index_cast %parallel_loop3A_74 : i32 to index
        %parallel_loop3A_83 = arith.constant 16 : index
        %parallel_loop3A_84 = tpu.vector_load %arg6[%parallel_loop3A_82, %parallel_loop3A_83] {strides = array<i32>} : memref<64x32xi32, #tpu.memory_space<vmem>>, vector<16xi32>,
        %parallel_loop3A_85 = arith.index_cast %parallel_loop3A_74 : i32 to index
        %parallel_loop3A_86 = arith.constant 16 : index
        %parallel_loop3A_87 = tpu.vector_load %arg8[%parallel_loop3A_85, %parallel_loop3A_86] {strides = array<i32>} : memref<64x32xf32, #tpu.memory_space<vmem>>, vector<16xf32>,
        tpu.vector_store_idx %arg9[%parallel_loop3A_75, %parallel_loop3A_84], %parallel_loop3A_87 {add = true} : memref<64x768xf32, #tpu.memory_space<vmem>>[vector<16xi32>, vector<16xi32>], vector<16xf32>,
        %parallel_loop3A_88 = arith.addi %parallel_loop3A_75, %broadcast_in_dim3A_5 : vector<16xi32>
        scf.yield %parallel_loop3A_88 : vector<16xi32>
      } {sc.loop_unroll_factor = 4 : i64, sc.parallel_access}
      %dma_start3A_60 = arith.constant 0 : i32
      %dma_start3A_61 = tpu.memref_slice %arg5[%multiple_of3A_30, %dma_start3A_60] : memref<16384x768xf32, #tpu.memory_space<hbm>> -> memref<64x768xf32, #tpu.memory_space<hbm>>
      %dma_start3A_62 = arith.constant 0 : i32
      %dma_start3A_63 = tpu.memref_slice %arg5[%multiple_of3A_30, %dma_start3A_62] : memref<16384x768xf32, #tpu.memory_space<hbm>> -> memref<64x768xf32, #tpu.memory_space<hbm>>
      tpu.enqueue_dma source(%arg9 : memref<64x768xf32, #tpu.memory_space<vmem>>) target(%dma_start3A_63 : memref<64x768xf32, #tpu.memory_space<hbm>>) target_semaphore(%arg11 : memref<!tpu.dma_semaphore, #tpu.memory_space<semaphore_mem>>)
      %parallel_loop3A_64 = arith.constant 0 : i32
      %parallel_loop3A_65 = arith.constant 64 : i32
      %parallel_loop3A_66 = arith.constant 1 : i32
      %parallel_loop3A_67 = scf.for %parallel_loop3A_74 = %parallel_loop3A_64 to %parallel_loop3A_65 step %parallel_loop3A_66 iter_args(%parallel_loop3A_75 = %broadcast_in_dim3A_7) -> (vector<16xi32>)  : i32 {
        %parallel_loop3A_76 = arith.index_cast %parallel_loop3A_74 : i32 to index
        %parallel_loop3A_77 = arith.constant 0 : index
        %parallel_loop3A_78 = tpu.vector_load %arg7[%parallel_loop3A_76, %parallel_loop3A_77] {strides = array<i32>} : memref<64x32xi32, #tpu.memory_space<vmem>>, vector<16xi32>,
        %parallel_loop3A_79 = arith.index_cast %parallel_loop3A_74 : i32 to index
        %parallel_loop3A_80 = arith.constant 0 : index
        %parallel_loop3A_81 = tpu.vector_load %arg8[%parallel_loop3A_79, %parallel_loop3A_80] {strides = array<i32>} : memref<64x32xf32, #tpu.memory_space<vmem>>, vector<16xf32>,
        tpu.vector_store_idx %arg10[%parallel_loop3A_75, %parallel_loop3A_78], %parallel_loop3A_81 {add = true} : memref<64x768xf32, #tpu.memory_space<vmem>>[vector<16xi32>, vector<16xi32>], vector<16xf32>,
        %parallel_loop3A_82 = arith.index_cast %parallel_loop3A_74 : i32 to index
        %parallel_loop3A_83 = arith.constant 16 : index
        %parallel_loop3A_84 = tpu.vector_load %arg7[%parallel_loop3A_82, %parallel_loop3A_83] {strides = array<i32>} : memref<64x32xi32, #tpu.memory_space<vmem>>, vector<16xi32>,
        %parallel_loop3A_85 = arith.index_cast %parallel_loop3A_74 : i32 to index
        %parallel_loop3A_86 = arith.constant 16 : index
        %parallel_loop3A_87 = tpu.vector_load %arg8[%parallel_loop3A_85, %parallel_loop3A_86] {strides = array<i32>} : memref<64x32xf32, #tpu.memory_space<vmem>>, vector<16xf32>,
        tpu.vector_store_idx %arg10[%parallel_loop3A_75, %parallel_loop3A_84], %parallel_loop3A_87 {add = true} : memref<64x768xf32, #tpu.memory_space<vmem>>[vector<16xi32>, vector<16xi32>], vector<16xf32>,
        %parallel_loop3A_88 = arith.addi %parallel_loop3A_75, %broadcast_in_dim3A_5 : vector<16xi32>
        scf.yield %parallel_loop3A_88 : vector<16xi32>
      } {sc.loop_unroll_factor = 4 : i64, sc.parallel_access}
      %add3A_68 = arith.constant 8192 : i32
      %add3A_69 = arith.addi %add3A_68, %multiple_of3A_30 : i32
      %dma_start3A_70 = arith.constant 0 : i32
      %dma_start3A_71 = tpu.memref_slice %arg5[%add3A_69, %dma_start3A_70] : memref<16384x768xf32, #tpu.memory_space<hbm>> -> memref<64x768xf32, #tpu.memory_space<hbm>>
      %dma_start3A_72 = arith.constant 0 : i32
      %dma_start3A_73 = tpu.memref_slice %arg5[%add3A_69, %dma_start3A_72] : memref<16384x768xf32, #tpu.memory_space<hbm>> -> memref<64x768xf32, #tpu.memory_space<hbm>>
      tpu.enqueue_dma source(%arg10 : memref<64x768xf32, #tpu.memory_space<vmem>>) target(%dma_start3A_73 : memref<64x768xf32, #tpu.memory_space<hbm>>) target_semaphore(%arg12 : memref<!tpu.dma_semaphore, #tpu.memory_space<semaphore_mem>>)
    }
    %scan3A_14 = arith.constant 4 : i32
    %add3A_15 = arith.constant 192 : i32
    %add3A_16 = arith.addi %mul3A_2, %add3A_15 : i32
    %multiple_of3A = tpu.assume_multiple %add3A_16, 64 : i32
    %dma_wait3A = arith.constant 0 : i32
    %dma_wait3A_17 = tpu.memref_slice %arg5[%multiple_of3A, %dma_wait3A] : memref<16384x768xf32, #tpu.memory_space<hbm>> -> memref<64x768xf32, #tpu.memory_space<hbm>>
    %dma_wait3A_18 = arith.constant 0 : i32
    %dma_wait3A_19 = tpu.memref_slice %arg5[%multiple_of3A, %dma_wait3A_18] : memref<16384x768xf32, #tpu.memory_space<hbm>> -> memref<64x768xf32, #tpu.memory_space<hbm>>
    tpu.wait_dma2 semaphore(%arg11 : memref<!tpu.dma_semaphore, #tpu.memory_space<semaphore_mem>>) src(%arg9 : memref<64x768xf32, #tpu.memory_space<vmem>>) dst(%dma_wait3A_19 : memref<64x768xf32, #tpu.memory_space<hbm>>)
    %add3A_20 = arith.constant 8192 : i32
    %add3A_21 = arith.addi %add3A_20, %multiple_of3A : i32
    %dma_wait3A_22 = arith.constant 0 : i32
    %dma_wait3A_23 = tpu.memref_slice %arg5[%add3A_21, %dma_wait3A_22] : memref<16384x768xf32, #tpu.memory_space<hbm>> -> memref<64x768xf32, #tpu.memory_space<hbm>>
    %dma_wait3A_24 = arith.constant 0 : i32
    %dma_wait3A_25 = tpu.memref_slice %arg5[%add3A_21, %dma_wait3A_24] : memref<16384x768xf32, #tpu.memory_space<hbm>> -> memref<64x768xf32, #tpu.memory_space<hbm>>
    tpu.wait_dma2 semaphore(%arg12 : memref<!tpu.dma_semaphore, #tpu.memory_space<semaphore_mem>>) src(%arg10 : memref<64x768xf32, #tpu.memory_space<vmem>>) dst(%dma_wait3A_25 : memref<64x768xf32, #tpu.memory_space<hbm>>)
    return
  }
}

module attributes {stable_mosaic.version = 14 : i64} {
  func.func @_tc_body(%arg0: i32, %arg1: memref<2048x768xf32, #tpu.memory_space<vmem>>, %arg2: memref<2048x768xf32, #tpu.memory_space<vmem>>, %arg3: memref<768x256xf32, #tpu.memory_space<vmem>>, %arg4: memref<1x256xf32, #tpu.memory_space<vmem>>, %arg5: memref<1x512xf32, #tpu.memory_space<vmem>>, %arg6: memref<1x1xf32, #tpu.memory_space<vmem>>, %arg7: memref<2048x1xf32, #tpu.memory_space<vmem>>) attributes {dimension_semantics = [#tpu.dimension_semantics<arbitrary>], iteration_bounds = array<i64: 4>, scalar_prefetch = 0 : i64, scratch_operands = 0 : i64, tpu.core_type = #tpu.core_type<tc>, window_params = [{transform_indices = @transform_0, window_bounds = array<i64: 2048, 768>}, {transform_indices = @transform_1, window_bounds = array<i64: 2048, 768>}, {pipeline_mode = #tpu.pipeline_mode<synchronous>, transform_indices = @transform_2, window_bounds = array<i64: 768, 256>}, {pipeline_mode = #tpu.pipeline_mode<synchronous>, transform_indices = @transform_3, window_bounds = array<i64: 1, 256>}, {pipeline_mode = #tpu.pipeline_mode<synchronous>, transform_indices = @transform_4, window_bounds = array<i64: 1, 512>}, {pipeline_mode = #tpu.pipeline_mode<synchronous>, transform_indices = @transform_5, window_bounds = array<i64: 1, 1>}, {transform_indices = @transform_6, window_bounds = array<i64: 2048, 1>}]} {
    %get3A = arith.constant 0 : index
    %get3A_0 = arith.constant 0 : index
    %get3A_1 = vector.load %arg3[%get3A, %get3A_0] : memref<768x256xf32, #tpu.memory_space<vmem>>, vector<768x256xf32>
    %convert_element_type3A = arith.truncf %get3A_1 : vector<768x256xf32> to vector<768x256xbf16>
    %get3A_2 = arith.constant 0 : index
    %get3A_3 = arith.constant 0 : index
    %get3A_4 = vector.load %arg1[%get3A_2, %get3A_3] : memref<2048x768xf32, #tpu.memory_space<vmem>>, vector<2048x768xf32>
    %convert_element_type3A_5 = arith.truncf %get3A_4 : vector<2048x768xf32> to vector<2048x768xbf16>
    %dot_general3A = arith.constant dense<0.000000e+00> : vector<2048x256xf32>
    %dot_general3A_6 = tpu.matmul %convert_element_type3A_5, %convert_element_type3A, %dot_general3A {dimension_numbers = #tpu.dot_dimension_numbers<[1], [0], [0], [1], [0, 0, 1, 1], [], []>, transpose_lhs_hint = false} : vector<2048x768xbf16>, vector<768x256xbf16>, vector<2048x256xf32> -> vector<2048x256xf32>
    %get3A_7 = arith.constant 0 : index
    %get3A_8 = arith.constant 0 : index
    %get3A_9 = vector.load %arg4[%get3A_7, %get3A_8] : memref<1x256xf32, #tpu.memory_space<vmem>>, vector<1x256xf32>
    %add3A = vector.broadcast %get3A_9 : vector<1x256xf32> to vector<2048x256xf32>
    %add3A_10 = arith.addf %dot_general3A_6, %add3A : vector<2048x256xf32>
    %get3A_11 = arith.constant 0 : index
    %get3A_12 = arith.constant 0 : index
    %get3A_13 = vector.load %arg2[%get3A_11, %get3A_12] : memref<2048x768xf32, #tpu.memory_space<vmem>>, vector<2048x768xf32>
    %convert_element_type3A_14 = arith.truncf %get3A_13 : vector<2048x768xf32> to vector<2048x768xbf16>
    %dot_general3A_15 = arith.constant dense<0.000000e+00> : vector<2048x256xf32>
    %dot_general3A_16 = tpu.matmul %convert_element_type3A_14, %convert_element_type3A, %dot_general3A_15 {dimension_numbers = #tpu.dot_dimension_numbers<[1], [0], [0], [1], [0, 0, 1, 1], [], []>, transpose_lhs_hint = false} : vector<2048x768xbf16>, vector<768x256xbf16>, vector<2048x256xf32> -> vector<2048x256xf32>
    %get3A_17 = arith.constant 0 : index
    %get3A_18 = arith.constant 0 : index
    %get3A_19 = vector.load %arg4[%get3A_17, %get3A_18] : memref<1x256xf32, #tpu.memory_space<vmem>>, vector<1x256xf32>
    %add3A_20 = vector.broadcast %get3A_19 : vector<1x256xf32> to vector<2048x256xf32>
    %add3A_21 = arith.addf %dot_general3A_16, %add3A_20 : vector<2048x256xf32>
    %jit3A = arith.constant 0.000000e+00 : f32
    %jit3A_22 = arith.constant 1.000000e+00 : f32
    %max3A = vector.broadcast %jit3A : f32 to vector<2048x256xf32>
    %max3A_23 = arith.maximumf %max3A, %add3A_10 : vector<2048x256xf32>
    %min3A = vector.broadcast %jit3A_22 : f32 to vector<2048x256xf32>
    %min3A_24 = arith.minimumf %min3A, %max3A_23 : vector<2048x256xf32>
    %jit3A_25 = arith.constant 0.000000e+00 : f32
    %jit3A_26 = arith.constant 1.000000e+00 : f32
    %max3A_27 = vector.broadcast %jit3A_25 : f32 to vector<2048x256xf32>
    %max3A_28 = arith.maximumf %max3A_27, %add3A_21 : vector<2048x256xf32>
    %min3A_29 = vector.broadcast %jit3A_26 : f32 to vector<2048x256xf32>
    %min3A_30 = arith.minimumf %min3A_29, %max3A_28 : vector<2048x256xf32>
    %get3A_31 = arith.constant 0 : index
    %get3A_32 = arith.constant 0 : index
    %get3A_33 = vector.load %arg5[%get3A_31, %get3A_32] : memref<1x512xf32, #tpu.memory_space<vmem>>, vector<1x512xf32>
    %slice3A = vector.extract_strided_slice %get3A_33 {offsets = [0, 0], sizes = [1, 256], strides = [1, 1]} : vector<1x512xf32> to vector<1x256xf32>
    %mul3A = vector.broadcast %slice3A : vector<1x256xf32> to vector<2048x256xf32>
    %mul3A_34 = arith.mulf %min3A_24, %mul3A : vector<2048x256xf32>
    %reduce_sum3A = arith.constant dense<0.000000e+00> : vector<2048xf32>
    %reduce_sum3A_35 = vector.multi_reduction <add>, %mul3A_34, %reduce_sum3A [1] : vector<2048x256xf32> to vector<2048xf32>
    %broadcast_in_dim3A = vector.shape_cast %reduce_sum3A_35 : vector<2048xf32> to vector<2048x1xf32>
    %slice3A_36 = vector.extract_strided_slice %get3A_33 {offsets = [0, 256], sizes = [1, 256], strides = [1, 1]} : vector<1x512xf32> to vector<1x256xf32>
    %mul3A_37 = vector.broadcast %slice3A_36 : vector<1x256xf32> to vector<2048x256xf32>
    %mul3A_38 = arith.mulf %min3A_30, %mul3A_37 : vector<2048x256xf32>
    %reduce_sum3A_39 = arith.constant dense<0.000000e+00> : vector<2048xf32>
    %reduce_sum3A_40 = vector.multi_reduction <add>, %mul3A_38, %reduce_sum3A_39 [1] : vector<2048x256xf32> to vector<2048xf32>
    %broadcast_in_dim3A_41 = vector.shape_cast %reduce_sum3A_40 : vector<2048xf32> to vector<2048x1xf32>
    %add3A_42 = arith.addf %broadcast_in_dim3A, %broadcast_in_dim3A_41 : vector<2048x1xf32>
    %get3A_43 = arith.constant 0 : index
    %get3A_44 = arith.constant 0 : index
    %get3A_45 = vector.load %arg6[%get3A_43, %get3A_44] : memref<1x1xf32, #tpu.memory_space<vmem>>, vector<1x1xf32>
    %add3A_46 = vector.broadcast %get3A_45 : vector<1x1xf32> to vector<2048x1xf32>
    %add3A_47 = arith.addf %add3A_42, %add3A_46 : vector<2048x1xf32>
    %logistic3A = arith.negf %add3A_47 : vector<2048x1xf32>
    %logistic3A_48 = math.exp %logistic3A : vector<2048x1xf32>
    %logistic3A_49 = arith.constant 1.000000e+00 : f32
    %logistic3A_50 = vector.broadcast %logistic3A_49 : f32 to vector<2048x1xf32>
    %logistic3A_51 = arith.addf %logistic3A_50, %logistic3A_48 : vector<2048x1xf32>
    %logistic3A_52 = arith.divf %logistic3A_50, %logistic3A_51 : vector<2048x1xf32>
    %swap3A = arith.constant 0 : index
    %swap3A_53 = arith.constant 0 : index
    %swap3A_54 = vector.load %arg7[%swap3A, %swap3A_53] : memref<2048x1xf32, #tpu.memory_space<vmem>>, vector<2048x1xf32>
    tpu.vector_store %arg7[%swap3A, %swap3A_53], %logistic3A_52 {strides = array<i32>} : memref<2048x1xf32, #tpu.memory_space<vmem>>, vector<2048x1xf32>,
    return
  }
  func.func @transform_0(%arg0: i32) -> (i32, i32) {
    %c0_i32 = arith.constant 0 : i32
    %c0_i32_0 = arith.constant 0 : i32
    return %arg0, %c0_i32 : i32, i32
  }
  func.func @transform_1(%arg0: i32) -> (i32, i32) {
    %add3A = arith.constant 4 : i32
    %add3A_0 = arith.addi %add3A, %arg0 : i32
    %c0_i32 = arith.constant 0 : i32
    %c0_i32_1 = arith.constant 0 : i32
    return %add3A_0, %c0_i32 : i32, i32
  }
  func.func @transform_2(%arg0: i32) -> (i32, i32) {
    %c0_i32 = arith.constant 0 : i32
    %c0_i32_0 = arith.constant 0 : i32
    %c0_i32_1 = arith.constant 0 : i32
    return %c0_i32, %c0_i32_0 : i32, i32
  }
  func.func @transform_3(%arg0: i32) -> (i32, i32) {
    %c0_i32 = arith.constant 0 : i32
    %c0_i32_0 = arith.constant 0 : i32
    %c0_i32_1 = arith.constant 0 : i32
    return %c0_i32, %c0_i32_0 : i32, i32
  }
  func.func @transform_4(%arg0: i32) -> (i32, i32) {
    %c0_i32 = arith.constant 0 : i32
    %c0_i32_0 = arith.constant 0 : i32
    %c0_i32_1 = arith.constant 0 : i32
    return %c0_i32, %c0_i32_0 : i32, i32
  }
  func.func @transform_5(%arg0: i32) -> (i32, i32) {
    %c0_i32 = arith.constant 0 : i32
    %c0_i32_0 = arith.constant 0 : i32
    %c0_i32_1 = arith.constant 0 : i32
    return %c0_i32, %c0_i32_0 : i32, i32
  }
  func.func @transform_6(%arg0: i32) -> (i32, i32) {
    %c0_i32 = arith.constant 0 : i32
    %c0_i32_0 = arith.constant 0 : i32
    return %arg0, %c0_i32 : i32, i32
  }
}

</mosaic_0001>

<sc_bundles>
// kernel: kernel.6.cloned.1.call-start
scs
__scs_entry_jumppad:
0x0: {  	(pc) =	sbr.rel $0x88, $3  }
0x1: {  	(tag) =	ssettag $0x0;
	lr =	simm.s32 $0x1  }
0x2: {  	[smem:$0x3F9A] =	sst lr;
	_ =	strace $0xD0000000  }
0x3: {  	_ = 	snop  }
0x4: {  	_ = 	snop  }
0x5: {  	_ = 	snop  }
0x6: {  	_ = 	snop  }
0x7: {  	_ = 	snop  }
__scs_overlays_trampoline_lowered:
0x8: {  	[smem:$0x3FA9] =	sst s0  }
0x9: {  	[smem:$0x3FAA] =	sst s1  }
0xa: {  	[smem:$0x3FAB] =	sst s2  }
0xb: {  	[smem:$0x3FAC] =	sst s3  }
0xc: {  	[smem:$0x3FAD] =	sst s4  }
0xd: {  	[smem:$0x3FAE] =	sst s5  }
0xe: {  	[smem:$0x3FAF] =	sst s6  }
0xf: {  	[smem:$0x3FB0] =	sst s7  }
0x10: {  	[smem:$0x3FB1] =	sst s8  }
0x11: {  	[smem:$0x3FB2] =	sst s9;
	s0 =	simm.s32 @!p0 $0x0  }
0x12: {  	s1 =	sld [smem:$0x3F98];
	s0 =	simm.s32 @p0 $0x1  }
0x13: {  	[smem:$0x3FB3] =	sst s0;
	s0 =	simm.s32 @!p1 $0x0  }
0x14: {  	s2 =	sld [smem:$0x3F97];
	s0 =	simm.s32 @p1 $0x1  }
0x15: {  	[smem:$0x3FB4] =	sst s0;
	s0 =	simm.s32 @!p2 $0x0  }
0x16: {  	s3 =	sld [smem:$0x3FDB];
	s0 =	simm.s32 @p2 $0x1  }
0x17: {  	s4 =	simm.s32 $0x1BF5;
	[smem:$0x3FB6] =	sst s0  }
0x18: {  	s0 =	sld [smem:$0x3F99];
	_ =	swait.ge [sflag:s4], $0x0  }
0x19: {  	s7 =	sld [smem:$0x3F9A]  }
0x1a: {  	s8 =	sadd.s32 $0xFFFFE003, lr  }
0x1b: {  	s9 =	sadd.s32 $0xFFFFFEF7, lr;
	s5 =	simm.s32 $0xFFFFFFFF;
	p2 =	slt.u32 s8, $0xFFFFF086  }
0x1c: {  	p1 =	slt.u32 s9, $0xF7A;
	s5 =	simm.s32 @!p2 $0x0  }
0x1d: {  	s5 =	simm.s32 @p1 $0x1;
	p0 =	seq.s32 s7, s2  }
0x1e: {  	s7 =	smul.u32 @!p0 $0xF7A, s2;
	p2 =	seq.s32 @!p0 s5, $0x0  }
0x1f: {  	s9 =	smul.u32 $0xF7A, s1;
	s8 =	simm.s32 @!p0 $0x1BF5;
	p2 =	por !p2, p0  }
0x20: {  	[sflag:s8] =	ssyncset.s32 @!p0 $0xFFFFF086;
	s6 =	sadd.s32 @!p0 s3, s7;
	s7 =	simm.s32 @!p0 $0x108  }
0x21: {  	s3 =	sadd.s32 s3, s9;
	s6 =	sadd.s32 @!p0 $0x88, s6;
	s7 =	simm.s32 @p2 $0x1082  }
0x22: {  	[simem:s7], [sflag:s8] =	dma.local @!p0 [hbm:s6], $0xF7A  }
0x23: {  	s9 =	sor.u32 $0xD0000000, s2;
	s6 =	simm.s32 $0x108;
	_ =	swait.ge @!p0 [sflag:s8], $0x0  }
0x24: {  	s3 =	sadd.s32 $0x88, s3;
	s6 =	simm.s32 @!p1 $0x1082;
	[sflag:s4] =	ssyncset.s32 $0xFFFFF086  }
0x25: {  	[simem:s6], [sflag:s4] =	dma.local [hbm:s3], $0xF7A  }
0x26: {  	[smem:$0x3F9A] =	sst s1;
	(tag) =	ssettag s2;
	_ =	strace s9  }
0x27: {  	s1 =	sld [smem:$0x3FAA]  }
0x28: {  	s2 =	sld [smem:$0x3FAB]  }
0x29: {  	s4 =	sld [smem:$0x3FAD]  }
0x2a: {  	p0 =	seq.s32 s5, $0x0;
	s5 =	sld [smem:$0x3FAE]  }
0x2b: {  	s6 =	sld [smem:$0x3FAF]  }
0x2c: {  	s7 =	sld [smem:$0x3FB0]  }
0x2d: {  	s3 =	simm.s32 $0x108;
	s8 =	sld [smem:$0x3FB1]  }
0x2e: {  	s3 =	simm.s32 @!p0 $0x1082;
	s9 =	sld [smem:$0x3FB2]  }
0x2f: {  	lr =	sadd.s32 s0, s3;
	s0 =	sld [smem:$0x3FA9]  }
0x30: {  	s3 =	sld [smem:$0x3FAC]  }
0x31: {  	[smem:$0x3FB5] =	sst s10  }
0x32: {  	s10 =	sld [smem:$0x3FB3];
	_ =	sdelay $0x3  }
0x33: {  	p0 =	seq.s32 s10, $0x1;
	s10 =	sld [smem:$0x3FB5];
	_ =	sdelay $0x3  }
0x34: {  	[smem:$0x3FB5] =	sst s10  }
0x35: {  	s10 =	sld [smem:$0x3FB4];
	_ =	sdelay $0x3  }
0x36: {  	p1 =	seq.s32 s10, $0x1;
	s10 =	sld [smem:$0x3FB5];
	_ =	sdelay $0x3  }
0x37: {  	[smem:$0x3FB5] =	sst s10  }
0x38: {  	s10 =	sld [smem:$0x3FB6]  }
0x39: {  	_ = 	snop;
	(pc) =	sbr.ind lr, $3  }
0x3a: {  	_ = 	snop  }
0x3b: {  	_ = 	snop  }
0x3c: {  	p2 =	seq.s32 s10, $0x1;
	s10 =	sld [smem:$0x3FB5]  }
0x3d: {  	_ =	shalt  }
0x3e: {  	_ =	shalt  }
0x3f: {  	_ =	shalt  }
0x40: {  	_ =	shalt  }
0x41: {  	_ =	shalt  }
0x42: {  	_ =	shalt  }
0x43: {  	_ =	shalt  }
0x44: {  	_ =	shalt  }
0x45: {  	_ =	shalt  }
0x46: {  	_ =	shalt  }
0x47: {  	_ =	shalt  }
0x48: {  	_ =	shalt  }
0x49: {  	_ =	shalt  }
0x4a: {  	_ =	shalt  }
0x4b: {  	_ =	shalt  }
0x4c: {  	_ =	shalt  }
0x4d: {  	_ =	shalt  }
0x4e: {  	_ =	shalt  }
0x4f: {  	_ =	shalt  }
0x50: {  	_ =	shalt  }
0x51: {  	_ =	shalt  }
0x52: {  	_ =	shalt  }
0x53: {  	_ =	shalt  }
0x54: {  	_ =	shalt  }
0x55: {  	_ =	shalt  }
0x56: {  	_ =	shalt  }
0x57: {  	_ =	shalt  }
0x58: {  	_ =	shalt  }
0x59: {  	_ =	shalt  }
0x5a: {  	_ =	shalt  }
0x5b: {  	_ =	shalt  }
0x5c: {  	_ =	shalt  }
0x5d: {  	_ =	shalt  }
0x5e: {  	_ =	shalt  }
0x5f: {  	_ =	shalt  }
0x60: {  	_ =	shalt  }
0x61: {  	_ =	shalt  }
0x62: {  	_ =	shalt  }
0x63: {  	_ =	shalt  }
0x64: {  	_ =	shalt  }
0x65: {  	_ =	shalt  }
0x66: {  	_ =	shalt  }
0x67: {  	_ =	shalt  }
0x68: {  	_ =	shalt  }
0x69: {  	_ =	shalt  }
0x6a: {  	_ =	shalt  }
0x6b: {  	_ =	shalt  }
0x6c: {  	_ =	shalt  }
0x6d: {  	_ =	shalt  }
0x6e: {  	_ =	shalt  }
0x6f: {  	_ =	shalt  }
0x70: {  	_ =	shalt  }
0x71: {  	_ =	shalt  }
0x72: {  	_ =	shalt  }
0x73: {  	_ =	shalt  }
0x74: {  	_ =	shalt  }
0x75: {  	_ =	shalt  }
0x76: {  	_ =	shalt  }
0x77: {  	_ =	shalt  }
0x78: {  	_ =	shalt  }
0x79: {  	_ =	shalt  }
0x7a: {  	_ =	shalt  }
0x7b: {  	_ =	shalt  }
0x7c: {  	_ =	shalt  }
0x7d: {  	_ =	shalt  }
0x7e: {  	_ =	shalt  }
0x7f: {  	_ =	shalt  }
0x80: {  	_ =	shalt  }
0x81: {  	_ =	shalt  }
0x82: {  	_ =	shalt  }
0x83: {  	_ =	shalt  }
0x84: {  	_ =	shalt  }
0x85: {  	_ =	shalt  }
0x86: {  	_ =	shalt  }
0x87: {  	_ =	shalt  }
.Lfunc_end0:
.L_simem_size_0:
called_computation_lowered:
.L_overlay_start_0:
0x88: {  	s2 =	sld [smem:$0x3FD9]  }
0x89: {  	s3 =	sld [smem:$0x3FFE];
	_ =	sdelay $0x1  }
0x8a: {  	s1 =	srdreg.scid  }
0x8b: {  	s0 =	sand.u32 $0x1, s1  }
0x8c: {  	s16 =	sshll.u32 s0, $0xA;
	s2 =	sadd.s32 s3, s2  }
0x8d: {  	s2 =	sadd.s32 s2, s16  }
0x8e: {  	[smem:$0x3FC1] =	sst s2  }
0x8f: {  	_ = 	snop  }
0x90: {  	(tm) =	ssettm $0x1  }
0x91: {  	s17 =	sld [smem:$0x3FFB];
	_ =	sdelay $0x3  }
0x92: {  	_ =	strace s17  }
0x93: {  	s2 =	sld [smem:$0x3FFC];
	_ =	sdelay $0x3  }
0x94: {  	_ =	strace s2  }
0x95: {  	s2 =	sld [smem:$0x3FFD];
	_ =	sdelay $0x3  }
0x96: {  	_ =	strace s2  }
0x97: {  	_ =	strace $0x8FFFFFFF  }
0x98: {  	s18 =	sld [smem:$0x3FDB];
	_ =	sdelay $0x1  }
0x99: {  	s19 =	simm.s32 $_scs_section_size  }
0x9a: {  	s4 =	simm.s32 $_size__tile_overlayer_lowered;
	s5 =	simm.s32 $_tile_overlayer_lowered  }
0x9b: {  	s22 =	simm.s32 $0x1BFF;
	s21 =	sshll.u32 s5, $0x1;
	s2 =	sadd.s32 s19, s18  }
0x9c: {  	s6 =	simm.s32 $0x0;
	s20 =	sshll.u32 s4, $0x1;
	s4 =	sadd.s32 s21, s2  }
0x9d: {  	[timem:s6], [sflag:s22] =	dma.local [hbm:s4], s20  }
0x9e: {  	_ =	swait.ge [sflag:s22], s20  }
0x9f: {  	s3 =	ssub.s32 $0x0, s20;
	[sflag:s22] =	ssyncset.done $0x0  }
0xa0: {  	[sflag:s22] =	ssyncadd.s32 s3;
	_ =	sdelay $0x1  }
0xa1: {  	s23 =	simm.s32 $0x1B8B  }
0xa2: {  	_ =	swait.ge [sflag:s23], $0x1  }
0xa3: {  	[sflag:s23] =	ssyncset.done $0x0  }
0xa4: {  	s25 =	simm.s32 $0x1B8E;
	s24 =	sld [smem:$0x3FFE];
	[sflag:s23] =	ssyncadd.s32 $0xFFFFFFFF  }
0xa5: {  	s26 =	simm.s32 $execute0_lowered;
	[smem:$0x3FD2] =	sst s25  }
0xa6: {  	s4 =	sshll.u32 s26, $0x1;
	_ =	strace $0x80000046;
	[dreg:$0x1] =	wrdreg $0xFFFFFFFF  }
0xa7: {  	s28 =	simm.s32 $_size_execute0_lowered;
	s2 =	sadd.s32 s2, s4;
	[dreg:$0x0] =	wrdreg $0x0  }
0xa8: {  	s4 =	sshll.u32 s28, $0x1;
	[dreg:$0x2] =	wrdreg s2  }
0xa9: {  	[dreg:$0x3] =	wrdreg s4  }
0xaa: {  	[dreg:$0x4] =	wrdreg $0xC0  }
0xab: {  	_ =	task [dreg:s6], $0x5FFFF  }
0xac: {  	[dreg:$0x1] =	wrdreg $0xFFFFFFFF  }
0xad: {  	[dreg:$0x0] =	wrdreg $0x60  }
0xae: {  	[dreg:$0x2] =	wrdreg s24  }
0xaf: {  	[dreg:$0x3] =	wrdreg $0x9  }
0xb0: {  	_ =	task.clear_ibuf [dreg:s6], $0x4FFFF;
	_ =	strace $0x90000046  }
0xb1: {  	s29 =	simm.s32 $0x9;
	_ =	strace $0x80000048  }
0xb2: {  	_ =	swait.ge [sflag:s29], $0x1  }
0xb3: {  	[sflag:s29] =	ssyncadd.s32 $0xFFFFFFFF  }
0xb4: {  	_ =	strace $0x90000048  }
0xb5: {  	_ =	sfence  }
0xb6: {  	s30 =	sld [smem:$0x0];
	_ =	sdelay $0x2  }
0xb7: {  	s31 =	sshll.u32 s1, $0xD;
	s1 =	sshrl.u32 s1, $0x2  }
0xb8: {  	s3 =	sand.u32 $0x4000, s31;
	s1 =	sadd.s32 s1, s30  }
0xb9: {  	s0 =	sor.u32 s3, s0;
	s1 =	sshll.u32 s1, $0x11  }
0xba: {  	s0 =	sor.u32 s1, s0  }
0xbb: {  	s0 =	sadd.s32 $0x8F2B, s0  }
0xbc: {  	[sflag:s0] =	ssyncadd.remote.s32 $0x1  }
0xbd: {  	_ =	sfence.sel $0xFFFF  }
0xbe: {  	[dreg:$0x0] =	wrdreg $0xFFFFFFFF;
	(pc) =	sbr.abs _section_cstart, $3  }
0xbf: {  	[dreg:$0x1] =	wrdreg $0xFFFFFFFF  }
0xc0: {  	_ =	task.clear_ibuf [dreg:s6], $0x2FFFF;
	_ =	strace $0x9FFFFFFF  }
0xc1: {  	(tm) =	ssettm $0x7FFFFFFF  }
tec
execute0_lowered:
.L_overlay_start_1:
0x0: {  	(tag) =	ssettag $0x1  }
0x1: {  	s8 =	rddreg [dreg:$0x0]  }
0x2: {  	s0 =	rddreg [dreg:$0x1];
	s1 =	simm.s32 $0x0;
	s3 =	srdreg.scid  }
0x3: {  	s12 =	simm.s32 $0x3;
	s13 =	simm.s32 $0x6000;
	s14 =	simm.s32 $0x12000  }
0x4: {  	s15 =	simm.s32 $0x1;
	s16 =	simm.s32 $0x2;
	s17 =	simm.s32 $0x0  }
0x5: {  	[smem:$0x7FF] =	sst s1;
	s2 =	sadd.s32 $0x1800, s8;
	s4 =	sadd.s32 $0x21800, s8  }
0x6: {  	s5 =	sadd.s32 $0x41800, s8;
	s7 =	sand.u32 $0x1, s3;
	s6 =	sadd.s32 $0x61800, s8  }
0x7: {  	s3 =	stileid.u32;
	s8 =	sadd.s32 $0x121800, s8;
	s9 =	ssub.s32 $0x2, s7  }
0x8: {  	s11 =	sshll.u32 s3, $0x9;
	s7 =	sshll.u32 s7, $0x8;
	s10 =	sshrl.u32 s9, $0x1  }
0x9: {  	_ =	strace $0x80000047;
	s7 =	sor.u32 s7, s11;
	s9 =	ssub.s32 s9, s10  }
0xa: {  	v0 =	vimm.f32 $0.0e+00;
	s11 =	simm.s32 $0x4000;
	s10 =	simm.s32 $0x2000;
	s9 =	smax.u32 s9, $0x1  }
.LBB2_1:
0xb: {  	s19 =	simm.s32 $0xFFFFFFFE;
	s20 =	simm.s32 $0x0  }
.LBB2_2:
0xc: {  	s19 =	sadd.s32 $0x2, s19  }
0xd: {  	s18 =	sshrl.u32 s19, $0x3  }
0xe: {  	s18 =	smul.u32 $0x1800, s18  }
0xf: {  	s23 =	sand.u32 $0x300, s20  }
0x10: {  	s22 =	sor.u32 s23, s18  }
0x11: {  	[tilespmem:s22+$0x6000] =	vst v0  }
0x12: {  	[tilespmem:s22+$0x12000] =	vst v0  }
0x13: {  	[tilespmem:s22+$0x6010] =	vst v0  }
0x14: {  	[tilespmem:s22+$0x12010] =	vst v0  }
0x15: {  	[tilespmem:s22+$0x6020] =	vst v0  }
0x16: {  	[tilespmem:s22+$0x12020] =	vst v0  }
0x17: {  	[tilespmem:s22+$0x6030] =	vst v0  }
0x18: {  	[tilespmem:s22+$0x12030] =	vst v0  }
0x19: {  	[tilespmem:s22+$0x6040] =	vst v0  }
0x1a: {  	[tilespmem:s22+$0x12040] =	vst v0  }
0x1b: {  	[tilespmem:s22+$0x6050] =	vst v0  }
0x1c: {  	[tilespmem:s22+$0x12050] =	vst v0  }
0x1d: {  	[tilespmem:s22+$0x6060] =	vst v0  }
0x1e: {  	[tilespmem:s22+$0x12060] =	vst v0  }
0x1f: {  	[tilespmem:s22+$0x6070] =	vst v0  }
0x20: {  	[tilespmem:s22+$0x12070] =	vst v0  }
0x21: {  	[tilespmem:s22+$0x6400] =	vst v0  }
0x22: {  	[tilespmem:s22+$0x12400] =	vst v0  }
0x23: {  	[tilespmem:s22+$0x6410] =	vst v0  }
0x24: {  	[tilespmem:s22+$0x12410] =	vst v0  }
0x25: {  	[tilespmem:s22+$0x6420] =	vst v0  }
0x26: {  	[tilespmem:s22+$0x12420] =	vst v0  }
0x27: {  	[tilespmem:s22+$0x6430] =	vst v0  }
0x28: {  	[tilespmem:s22+$0x12430] =	vst v0  }
0x29: {  	[tilespmem:s22+$0x6440] =	vst v0  }
0x2a: {  	[tilespmem:s22+$0x12440] =	vst v0  }
0x2b: {  	[tilespmem:s22+$0x6450] =	vst v0  }
0x2c: {  	[tilespmem:s22+$0x12450] =	vst v0  }
0x2d: {  	[tilespmem:s22+$0x6460] =	vst v0  }
0x2e: {  	[tilespmem:s22+$0x12460] =	vst v0  }
0x2f: {  	s21 =	sadd.s32 $0x800, s18;
	[tilespmem:s22+$0x6470] =	vst v0  }
0x30: {  	[tilespmem:s22+$0x12470] =	vst v0;
	s24 =	sor.u32 s23, s21  }
0x31: {  	[tilespmem:s24+$0x6000] =	vst v0  }
0x32: {  	[tilespmem:s24+$0x12000] =	vst v0  }
0x33: {  	[tilespmem:s24+$0x6010] =	vst v0  }
0x34: {  	[tilespmem:s24+$0x12010] =	vst v0  }
0x35: {  	[tilespmem:s24+$0x6020] =	vst v0  }
0x36: {  	[tilespmem:s24+$0x12020] =	vst v0  }
0x37: {  	[tilespmem:s24+$0x6030] =	vst v0  }
0x38: {  	[tilespmem:s24+$0x12030] =	vst v0  }
0x39: {  	[tilespmem:s24+$0x6040] =	vst v0  }
0x3a: {  	[tilespmem:s24+$0x12040] =	vst v0  }
0x3b: {  	[tilespmem:s24+$0x6050] =	vst v0  }
0x3c: {  	[tilespmem:s24+$0x12050] =	vst v0  }
0x3d: {  	[tilespmem:s24+$0x6060] =	vst v0  }
0x3e: {  	[tilespmem:s24+$0x12060] =	vst v0  }
0x3f: {  	s29 =	sadd.s32 $0xC00, s18;
	[tilespmem:s24+$0x6070] =	vst v0  }
0x40: {  	s25 =	sor.u32 s23, s29;
	[tilespmem:s24+$0x12070] =	vst v0  }
0x41: {  	[tilespmem:s25+$0x6000] =	vst v0  }
0x42: {  	[tilespmem:s25+$0x12000] =	vst v0  }
0x43: {  	[tilespmem:s25+$0x6010] =	vst v0  }
0x44: {  	[tilespmem:s25+$0x12010] =	vst v0  }
0x45: {  	[tilespmem:s25+$0x6020] =	vst v0  }
0x46: {  	[tilespmem:s25+$0x12020] =	vst v0  }
0x47: {  	[tilespmem:s25+$0x6030] =	vst v0  }
0x48: {  	[tilespmem:s25+$0x12030] =	vst v0  }
0x49: {  	[tilespmem:s25+$0x6040] =	vst v0  }
0x4a: {  	[tilespmem:s25+$0x12040] =	vst v0  }
0x4b: {  	[tilespmem:s25+$0x6050] =	vst v0  }
0x4c: {  	[tilespmem:s25+$0x12050] =	vst v0  }
0x4d: {  	[tilespmem:s25+$0x6060] =	vst v0  }
0x4e: {  	[tilespmem:s25+$0x12060] =	vst v0  }
0x4f: {  	s30 =	sadd.s32 $0x1000, s18;
	[tilespmem:s25+$0x6070] =	vst v0  }
0x50: {  	s26 =	sor.u32 s23, s30;
	[tilespmem:s25+$0x12070] =	vst v0  }
0x51: {  	[tilespmem:s26+$0x6000] =	vst v0  }
0x52: {  	[tilespmem:s26+$0x12000] =	vst v0  }
0x53: {  	[tilespmem:s26+$0x6010] =	vst v0  }
0x54: {  	[tilespmem:s26+$0x12010] =	vst v0  }
0x55: {  	[tilespmem:s26+$0x6020] =	vst v0  }
0x56: {  	[tilespmem:s26+$0x12020] =	vst v0  }
0x57: {  	[tilespmem:s26+$0x6030] =	vst v0  }
0x58: {  	[tilespmem:s26+$0x12030] =	vst v0  }
0x59: {  	[tilespmem:s26+$0x6040] =	vst v0  }
0x5a: {  	[tilespmem:s26+$0x12040] =	vst v0  }
0x5b: {  	[tilespmem:s26+$0x6050] =	vst v0  }
0x5c: {  	[tilespmem:s26+$0x12050] =	vst v0  }
0x5d: {  	[tilespmem:s26+$0x6060] =	vst v0  }
0x5e: {  	[tilespmem:s26+$0x12060] =	vst v0  }
0x5f: {  	s25 =	sadd.s32 $0x1400, s18;
	[tilespmem:s26+$0x6070] =	vst v0  }
0x60: {  	[tilespmem:s26+$0x12070] =	vst v0;
	s31 =	sor.u32 s23, s25  }
0x61: {  	[tilespmem:s31+$0x6000] =	vst v0  }
0x62: {  	[tilespmem:s31+$0x12000] =	vst v0  }
0x63: {  	[tilespmem:s31+$0x6010] =	vst v0  }
0x64: {  	[tilespmem:s31+$0x12010] =	vst v0  }
0x65: {  	[tilespmem:s31+$0x6020] =	vst v0  }
0x66: {  	[tilespmem:s31+$0x12020] =	vst v0  }
0x67: {  	[tilespmem:s31+$0x6030] =	vst v0  }
0x68: {  	[tilespmem:s31+$0x12030] =	vst v0  }
0x69: {  	[tilespmem:s31+$0x6040] =	vst v0  }
0x6a: {  	[tilespmem:s31+$0x12040] =	vst v0  }
0x6b: {  	[tilespmem:s31+$0x6050] =	vst v0  }
0x6c: {  	[tilespmem:s31+$0x12050] =	vst v0  }
0x6d: {  	[tilespmem:s31+$0x6060] =	vst v0  }
0x6e: {  	[tilespmem:s31+$0x12060] =	vst v0  }
0x6f: {  	s23 =	sor.u32 $0x80, s23;
	[tilespmem:s31+$0x6070] =	vst v0  }
0x70: {  	[tilespmem:s31+$0x12070] =	vst v0;
	s18 =	sor.u32 s18, s23  }
0x71: {  	[tilespmem:s18+$0x6000] =	vst v0  }
0x72: {  	[tilespmem:s18+$0x12000] =	vst v0  }
0x73: {  	[tilespmem:s18+$0x6010] =	vst v0  }
0x74: {  	[tilespmem:s18+$0x12010] =	vst v0  }
0x75: {  	[tilespmem:s18+$0x6020] =	vst v0  }
0x76: {  	[tilespmem:s18+$0x12020] =	vst v0  }
0x77: {  	[tilespmem:s18+$0x6030] =	vst v0  }
0x78: {  	[tilespmem:s18+$0x12030] =	vst v0  }
0x79: {  	[tilespmem:s18+$0x6040] =	vst v0  }
0x7a: {  	[tilespmem:s18+$0x12040] =	vst v0  }
0x7b: {  	[tilespmem:s18+$0x6050] =	vst v0  }
0x7c: {  	[tilespmem:s18+$0x12050] =	vst v0  }
0x7d: {  	[tilespmem:s18+$0x6060] =	vst v0  }
0x7e: {  	[tilespmem:s18+$0x12060] =	vst v0  }
0x7f: {  	[tilespmem:s18+$0x6070] =	vst v0  }
0x80: {  	[tilespmem:s18+$0x12070] =	vst v0  }
0x81: {  	[tilespmem:s18+$0x6400] =	vst v0  }
0x82: {  	[tilespmem:s18+$0x12400] =	vst v0  }
0x83: {  	[tilespmem:s18+$0x6410] =	vst v0  }
0x84: {  	[tilespmem:s18+$0x12410] =	vst v0  }
0x85: {  	[tilespmem:s18+$0x6420] =	vst v0  }
0x86: {  	[tilespmem:s18+$0x12420] =	vst v0  }
0x87: {  	[tilespmem:s18+$0x6430] =	vst v0  }
0x88: {  	[tilespmem:s18+$0x12430] =	vst v0  }
0x89: {  	[tilespmem:s18+$0x6440] =	vst v0  }
0x8a: {  	[tilespmem:s18+$0x12440] =	vst v0  }
0x8b: {  	[tilespmem:s18+$0x6450] =	vst v0  }
0x8c: {  	[tilespmem:s18+$0x12450] =	vst v0  }
0x8d: {  	[tilespmem:s18+$0x6460] =	vst v0  }
0x8e: {  	[tilespmem:s18+$0x12460] =	vst v0  }
0x8f: {  	[tilespmem:s18+$0x6470] =	vst v0  }
0x90: {  	s28 =	sor.u32 s23, s21;
	[tilespmem:s18+$0x12470] =	vst v0  }
0x91: {  	[tilespmem:s28+$0x6000] =	vst v0  }
0x92: {  	[tilespmem:s28+$0x12000] =	vst v0  }
0x93: {  	[tilespmem:s28+$0x6010] =	vst v0  }
0x94: {  	[tilespmem:s28+$0x12010] =	vst v0  }
0x95: {  	[tilespmem:s28+$0x6020] =	vst v0  }
0x96: {  	[tilespmem:s28+$0x12020] =	vst v0  }
0x97: {  	[tilespmem:s28+$0x6030] =	vst v0  }
0x98: {  	[tilespmem:s28+$0x12030] =	vst v0  }
0x99: {  	[tilespmem:s28+$0x6040] =	vst v0  }
0x9a: {  	[tilespmem:s28+$0x12040] =	vst v0  }
0x9b: {  	[tilespmem:s28+$0x6050] =	vst v0  }
0x9c: {  	[tilespmem:s28+$0x12050] =	vst v0  }
0x9d: {  	[tilespmem:s28+$0x6060] =	vst v0  }
0x9e: {  	[tilespmem:s28+$0x12060] =	vst v0  }
0x9f: {  	[tilespmem:s28+$0x6070] =	vst v0  }
0xa0: {  	s29 =	sor.u32 s23, s29;
	[tilespmem:s28+$0x12070] =	vst v0  }
0xa1: {  	[tilespmem:s29+$0x6000] =	vst v0  }
0xa2: {  	[tilespmem:s29+$0x12000] =	vst v0  }
0xa3: {  	[tilespmem:s29+$0x6010] =	vst v0  }
0xa4: {  	[tilespmem:s29+$0x12010] =	vst v0  }
0xa5: {  	[tilespmem:s29+$0x6020] =	vst v0  }
0xa6: {  	[tilespmem:s29+$0x12020] =	vst v0  }
0xa7: {  	[tilespmem:s29+$0x6030] =	vst v0  }
0xa8: {  	[tilespmem:s29+$0x12030] =	vst v0  }
0xa9: {  	[tilespmem:s29+$0x6040] =	vst v0  }
0xaa: {  	[tilespmem:s29+$0x12040] =	vst v0  }
0xab: {  	[tilespmem:s29+$0x6050] =	vst v0  }
0xac: {  	[tilespmem:s29+$0x12050] =	vst v0  }
0xad: {  	[tilespmem:s29+$0x6060] =	vst v0  }
0xae: {  	[tilespmem:s29+$0x12060] =	vst v0  }
0xaf: {  	[tilespmem:s29+$0x6070] =	vst v0  }
0xb0: {  	s30 =	sor.u32 s23, s30;
	[tilespmem:s29+$0x12070] =	vst v0  }
0xb1: {  	[tilespmem:s30+$0x6000] =	vst v0  }
0xb2: {  	[tilespmem:s30+$0x12000] =	vst v0  }
0xb3: {  	[tilespmem:s30+$0x6010] =	vst v0  }
0xb4: {  	[tilespmem:s30+$0x12010] =	vst v0  }
0xb5: {  	[tilespmem:s30+$0x6020] =	vst v0  }
0xb6: {  	[tilespmem:s30+$0x12020] =	vst v0  }
0xb7: {  	[tilespmem:s30+$0x6030] =	vst v0  }
0xb8: {  	[tilespmem:s30+$0x12030] =	vst v0  }
0xb9: {  	[tilespmem:s30+$0x6040] =	vst v0  }
0xba: {  	[tilespmem:s30+$0x12040] =	vst v0  }
0xbb: {  	[tilespmem:s30+$0x6050] =	vst v0  }
0xbc: {  	[tilespmem:s30+$0x12050] =	vst v0  }
0xbd: {  	[tilespmem:s30+$0x6060] =	vst v0  }
0xbe: {  	[tilespmem:s30+$0x12060] =	vst v0  }
0xbf: {  	[tilespmem:s30+$0x6070] =	vst v0  }
0xc0: {  	s31 =	sor.u32 s23, s25;
	[tilespmem:s30+$0x12070] =	vst v0  }
0xc1: {  	[tilespmem:s31+$0x6000] =	vst v0  }
0xc2: {  	[tilespmem:s31+$0x12000] =	vst v0  }
0xc3: {  	[tilespmem:s31+$0x6010] =	vst v0  }
0xc4: {  	[tilespmem:s31+$0x12010] =	vst v0  }
0xc5: {  	[tilespmem:s31+$0x6020] =	vst v0  }
0xc6: {  	[tilespmem:s31+$0x12020] =	vst v0  }
0xc7: {  	[tilespmem:s31+$0x6030] =	vst v0  }
0xc8: {  	[tilespmem:s31+$0x12030] =	vst v0  }
0xc9: {  	[tilespmem:s31+$0x6040] =	vst v0  }
0xca: {  	[tilespmem:s31+$0x12040] =	vst v0  }
0xcb: {  	p0 =	slt.u32 s19, $0x3E;
	[tilespmem:s31+$0x6050] =	vst v0  }
.Ltmp0:
0xcc: {  	[tilespmem:s31+$0x12050] =	vst v0;
	(pc) =	sbr.rel @p0 .LBB2_2-.Ltmp0, $4  }
0xcd: {  	[tilespmem:s31+$0x6060] =	vst v0  }
0xce: {  	[tilespmem:s31+$0x12060] =	vst v0  }
0xcf: {  	[tilespmem:s31+$0x6070] =	vst v0  }
0xd0: {  	s20 =	sadd.s32 $0x100, s20;
	s18 =	simm.s32 $0x0;
	[tilespmem:s31+$0x12070] =	vst v0  }
.LBB2_3:
0xd1: {  	p0 =	seq.s32 s18, $0x0  }
.Ltmp1:
0xd2: {  	_ = 	snop;
	(pc) =	sbr.rel @p0 .LBB2_9-.Ltmp1, $1  }
0xd3: {  	_ =	sdelay $0x3  }
0xd4: {  	_ =	swait.ge [sflag:s15], $0xC000  }
0xd5: {  	[sflag:s15] =	ssyncset.done $0x0  }
0xd6: {  	s20 =	simm.s32 $0x100;
	[sflag:s15] =	ssyncadd.s32 $0xFFFF4000  }
0xd7: {  	v2 =	vld [tilespmem:s20+$0x80];
	_ =	sdelay $0x2  }
0xd8: {  	v5 =	vimm.s32 $0x0  }
0xd9: {  	v1 =	vshrl.u32 v5, $0x3  }
0xda: {  	v16 =	vmul.u32 $0x1800, v1;
	v1 =	vshll.u32 v2, $0x3  }
0xdb: {  	v3 =	vshll.u32 v5, $0x7;
	v4 =	vand.u32 $0xFFFFFC00, v1  }
0xdc: {  	v2 =	vand.u32 $0x7F, v2;
	v1 =	vand.u32 $0x200, v3;
	v3 =	vadd.s32 v16, v4  }
0xdd: {  	v7 =	vor.u32 $0x180, v1;
	v2 =	vor.u32 v2, v3;
	v3 =	vld [tilespmem:s20+$0xFFFFFF00]  }
0xde: {  	v6 =	vld [tilespmem:s20+$0x0];
	v2 =	vor.u32 v7, v2;
	_ =	sdelay $0x1  }
0xdf: {  	v4 =	vld [tilespmem:s20+$0xFFFFFF80];
	_ =	sdelay $0x1  }
0xe0: {  	v8 =	vshll.u32 v3, $0x3  }
0xe1: {  	v10 =	vshll.u32 v6, $0x3;
	[tilespmem:v2+s13+$0x0] =	vst.idx.msk $0xffff, v0;
	v8 =	vand.u32 $0xFFFFFC00, v8  }
0xe2: {  	v6 =	vand.u32 $0x7F, v6;
	v3 =	vand.u32 $0x7F, v3;
	v9 =	vld [tilespmem:s20+$0x90];
	v8 =	vadd.s32 v16, v8  }
0xe3: {  	s19 =	simm.s32 $0x300;
	v10 =	vand.u32 $0xFFFFFC00, v10;
	v2 =	vshll.u32 v4, $0x3;
	v8 =	vor.u32 v3, v8  }
0xe4: {  	v14 =	vld [tilespmem:s19+$0xFFFFFF00];
	v10 =	vadd.s32 v16, v10;
	v2 =	vand.u32 $0xFFFFFC00, v2;
	v8 =	vor.u32 v1, v8  }
0xe5: {  	v11 =	vld [tilespmem:s19+$0x80];
	v10 =	vor.u32 v6, v10;
	v4 =	vand.u32 $0x7F, v4;
	v2 =	vadd.s32 v16, v2  }
0xe6: {  	v3 =	vor.u32 $0x80, v1;
	v2 =	vor.u32 v4, v2;
	v4 =	vor.u32 $0x100, v1  }
0xe7: {  	v13 =	vor.u32 v3, v2;
	v10 =	vor.u32 v4, v10;
	v6 =	vshll.u32 v9, $0x3  }
0xe8: {  	v9 =	vand.u32 $0x7F, v9;
	v2 =	vand.u32 $0xFFFFFC00, v6;
	v6 =	vadd.s32 $0x4, v5  }
0xe9: {  	v15 =	vld [tilespmem:s19+$0x0];
	v2 =	vadd.s32 v16, v2;
	v5 =	vshrl.u32 v6, $0x3;
	[tilespmem:v8+s13+$0x0] =	vst.idx.msk $0xffff, v0;
	v8 =	vshll.u32 v14, $0x3  }
0xea: {  	v12 =	vld [tilespmem:s19+$0xFFFFFF80];
	v9 =	vor.u32 v9, v2;
	v2 =	vmul.u32 $0x1800, v5;
	v5 =	vshll.u32 v11, $0x3  }
0xeb: {  	v18 =	vor.u32 v7, v9;
	v7 =	vshll.u32 v6, $0x7;
	v17 =	vand.u32 $0xFFFFFC00, v5  }
0xec: {  	v11 =	vand.u32 $0x7F, v11;
	v5 =	vand.u32 $0x200, v7;
	v17 =	vadd.s32 v2, v17  }
0xed: {  	v14 =	vand.u32 $0x7F, v14;
	v7 =	vor.u32 $0x180, v5;
	v11 =	vor.u32 v11, v17  }
0xee: {  	[tilespmem:v13+s13+$0x0] =	vst.idx.msk $0xffff, v0;
	v19 =	vld [tilespmem:s20+$0xFFFFFF10];
	v8 =	vand.u32 $0xFFFFFC00, v8;
	v13 =	vshll.u32 v15, $0x3;
	v11 =	vor.u32 v7, v11  }
0xef: {  	[tilespmem:v10+s13+$0x0] =	vst.idx.msk $0xffff, v0;
	v15 =	vand.u32 $0x7F, v15;
	v9 =	vshll.u32 v12, $0x3;
	v20 =	vld [tilespmem:s20+$0xFFFFFF90];
	v13 =	vand.u32 $0xFFFFFC00, v13  }
0xf0: {  	v10 =	vld [tilespmem:s20+$0x10];
	v12 =	vand.u32 $0x7F, v12;
	v8 =	vadd.s32 v2, v8;
	v9 =	vand.u32 $0xFFFFFC00, v9  }
0xf1: {  	v13 =	vadd.s32 v2, v13;
	v9 =	vadd.s32 v2, v9;
	v14 =	vor.u32 v14, v8  }
0xf2: {  	v8 =	vor.u32 $0x80, v5;
	v9 =	vor.u32 v12, v9;
	v12 =	vor.u32 v15, v13  }
0xf3: {  	v14 =	vor.u32 v5, v14;
	v13 =	vor.u32 v8, v9;
	v9 =	vor.u32 $0x100, v5;
	[tilespmem:v11+s13+$0x0] =	vst.idx.msk $0xffff, v0  }
0xf4: {  	v15 =	vshll.u32 v19, $0x3;
	v19 =	vand.u32 $0x7F, v19;
	v12 =	vor.u32 v9, v12;
	v11 =	vld [tilespmem:s19+$0x90]  }
0xf5: {  	v17 =	vshll.u32 v20, $0x3;
	v15 =	vand.u32 $0xFFFFFC00, v15;
	v22 =	vshll.u32 v10, $0x3  }
0xf6: {  	[tilespmem:v18+s13+$0x0] =	vst.idx.msk $0xffff, v0;
	v18 =	vand.u32 $0x7F, v20;
	v21 =	vand.u32 $0xFFFFFC00, v17;
	v63 =	vand.u32 $0xFFFFFC00, v22  }
0xf7: {  	s21 =	simm.s32 $0x500;
	s20 =	simm.s32 $0x4;
	v17 =	vadd.s32 v16, v15;
	v15 =	vadd.s32 v16, v21;
	v16 =	vadd.s32 v16, v63  }
.LBB2_5:
0xf8: {  	v20 =	vld [tilespmem:s21+$0x80];
	s20 =	sadd.s32 $0x4, s20;
	[tilespmem:v14+s13+$0x0] =	vst.idx.msk $0xffff, v0;
	v14 =	vor.u32 v19, v17;
	v15 =	vor.u32 v18, v15;
	v10 =	vand.u32 $0x7F, v10  }
0xf9: {  	v17 =	vld [tilespmem:s21+$0xFFFFFF80];
	p0 =	slt.u32 s20, $0x3C;
	[tilespmem:v13+s13+$0x0] =	vst.idx.msk $0xffff, v0;
	v13 =	vshll.u32 v11, $0x3;
	v14 =	vor.u32 v1, v14;
	v18 =	vor.u32 v10, v16  }
0xfa: {  	v16 =	vld [tilespmem:s21+$0x0];
	[tilespmem:v12+s13+$0x0] =	vst.idx.msk $0xffff, v0;
	v10 =	vand.u32 $0xFFFFFC00, v13;
	v12 =	vor.u32 v3, v15;
	v13 =	vor.u32 v4, v18  }
0xfb: {  	v6 =	vadd.s32 $0x4, v6;
	v11 =	vand.u32 $0x7F, v11;
	v1 =	vmovc v5;
	v3 =	vmovc v8;
	v15 =	vld [tilespmem:s21+$0xFFFFFF00];
	v10 =	vadd.s32 v2, v10  }
0xfc: {  	v5 =	vshrl.u32 v6, $0x3;
	v4 =	vmov v9;
	v18 =	vld [tilespmem:s19+$0xFFFFFF10];
	v8 =	vor.u32 v11, v10  }
0xfd: {  	v21 =	vmul.u32 $0x1800, v5;
	v5 =	vshll.u32 v20, $0x3;
	v22 =	vld [tilespmem:s19+$0xFFFFFF90];
	v8 =	vor.u32 v7, v8  }
0xfe: {  	v7 =	vshll.u32 v6, $0x7;
	v9 =	vshll.u32 v17, $0x3;
	v11 =	vand.u32 $0xFFFFFC00, v5;
	v10 =	vld [tilespmem:s19+$0x10];
	[tilespmem:v14+s13+$0x0] =	vst.idx.msk $0xffff, v0;
	s19 =	smov.u32 s21  }
0xff: {  	v5 =	vand.u32 $0x200, v7;
	v14 =	vand.u32 $0x7F, v20;
	v11 =	vadd.s32 v21, v11;
	[tilespmem:v12+s13+$0x0] =	vst.idx.msk $0xffff, v0  }
0x100: {  	v7 =	vor.u32 $0x180, v5;
	v12 =	vshll.u32 v15, $0x3;
	v11 =	vor.u32 v14, v11;
	[tilespmem:v13+s13+$0x0] =	vst.idx.msk $0xffff, v0  }
0x101: {  	v13 =	vshll.u32 v16, $0x3;
	v12 =	vand.u32 $0xFFFFFC00, v12;
	v11 =	vor.u32 v7, v11  }
0x102: {  	v9 =	vand.u32 $0xFFFFFC00, v9;
	v13 =	vand.u32 $0xFFFFFC00, v13;
	v12 =	vadd.s32 v21, v12;
	[tilespmem:v8+s13+$0x0] =	vst.idx.msk $0xffff, v0  }
0x103: {  	v9 =	vadd.s32 v21, v9;
	v8 =	vand.u32 $0x7F, v15;
	v13 =	vadd.s32 v21, v13  }
0x104: {  	v14 =	vand.u32 $0x7F, v17;
	v15 =	vand.u32 $0x7F, v16;
	v12 =	vor.u32 v8, v12  }
0x105: {  	v9 =	vor.u32 v14, v9;
	v8 =	vor.u32 $0x80, v5;
	v15 =	vor.u32 v15, v13  }
.Ltmp2:
0x106: {  	v14 =	vor.u32 v5, v12;
	v13 =	vor.u32 v8, v9;
	v9 =	vor.u32 $0x100, v5;
	[tilespmem:v11+s13+$0x0] =	vst.idx.msk $0xffff, v0;
	(pc) =	sbr.rel @p0 .LBB2_5-.Ltmp2, $4  }
0x107: {  	v16 =	vshll.u32 v22, $0x3;
	v12 =	vor.u32 v9, v15;
	v15 =	vshll.u32 v18, $0x3;
	v11 =	vld [tilespmem:s21+$0x90]  }
0x108: {  	v16 =	vand.u32 $0xFFFFFC00, v16;
	v19 =	vshll.u32 v10, $0x3;
	v15 =	vand.u32 $0xFFFFFC00, v15  }
0x109: {  	v17 =	vadd.s32 v2, v15;
	v15 =	vadd.s32 v2, v16;
	v16 =	vand.u32 $0xFFFFFC00, v19  }
0x10a: {  	s21 =	sadd.s32 $0x200, s21;
	v19 =	vand.u32 $0x7F, v18;
	v18 =	vand.u32 $0x7F, v22;
	v16 =	vadd.s32 v2, v16;
	v2 =	vmovc v21  }
0x10b: {  	_ =	sdelay $0x3  }
0x10c: {  	[tilespmem:v14+s13+$0x0] =	vst.idx.msk $0xffff, v0  }
0x10d: {  	[tilespmem:v13+s13+$0x0] =	vst.idx.msk $0xffff, v0;
	v6 =	vld [tilespmem:s19+$0xFFFFFF10]  }
0x10e: {  	[tilespmem:v12+s13+$0x0] =	vst.idx.msk $0xffff, v0;
	v12 =	vld [tilespmem:s19+$0xFFFFFF90]  }
0x10f: {  	v13 =	vor.u32 v19, v17;
	v14 =	vor.u32 v18, v15;
	v15 =	vshll.u32 v11, $0x3;
	v17 =	vld [tilespmem:s19+$0x10]  }
0x110: {  	v10 =	vand.u32 $0x7F, v10;
	v1 =	vor.u32 v1, v13;
	v13 =	vand.u32 $0xFFFFFC00, v15  }
0x111: {  	v10 =	vor.u32 v10, v16;
	v11 =	vand.u32 $0x7F, v11;
	v13 =	vadd.s32 v2, v13  }
0x112: {  	v4 =	vor.u32 v4, v10;
	v10 =	vor.u32 v11, v13  }
0x113: {  	v3 =	vor.u32 v3, v14;
	v7 =	vor.u32 v7, v10  }
0x114: {  	v11 =	vshll.u32 v6, $0x3;
	v10 =	vshll.u32 v12, $0x3;
	v13 =	vshll.u32 v17, $0x3  }
0x115: {  	v6 =	vand.u32 $0x7F, v6;
	v12 =	vand.u32 $0x7F, v12;
	v11 =	vand.u32 $0xFFFFFC00, v11  }
0x116: {  	v10 =	vand.u32 $0xFFFFFC00, v10;
	v13 =	vand.u32 $0xFFFFFC00, v13;
	v11 =	vadd.s32 v2, v11  }
0x117: {  	v10 =	vadd.s32 v2, v10;
	v2 =	vadd.s32 v2, v13;
	v6 =	vor.u32 v6, v11  }
0x118: {  	v10 =	vor.u32 v12, v10;
	v11 =	vand.u32 $0x7F, v17;
	v5 =	vor.u32 v5, v6  }
0x119: {  	[tilespmem:v1+s13+$0x0] =	vst.idx.msk $0xffff, v0;
	v1 =	vor.u32 v11, v2;
	v2 =	vor.u32 v8, v10  }
0x11a: {  	[tilespmem:v3+s13+$0x0] =	vst.idx.msk $0xffff, v0;
	v1 =	vor.u32 v9, v1  }
0x11b: {  	[tilespmem:v4+s13+$0x0] =	vst.idx.msk $0xffff, v0  }
0x11c: {  	[tilespmem:v7+s13+$0x0] =	vst.idx.msk $0xffff, v0  }
0x11d: {  	[tilespmem:v5+s13+$0x0] =	vst.idx.msk $0xffff, v0  }
0x11e: {  	[tilespmem:v2+s13+$0x0] =	vst.idx.msk $0xffff, v0  }
0x11f: {  	[tilespmem:v1+s13+$0x0] =	vst.idx.msk $0xffff, v0  }
0x120: {  	_ =	swait.ge [sflag:s16], $0xC000  }
0x121: {  	[sflag:s16] =	ssyncset.done $0x0  }
0x122: {  	s20 =	simm.s32 $0x2100;
	[sflag:s16] =	ssyncadd.s32 $0xFFFF4000  }
0x123: {  	v2 =	vld [tilespmem:s20+$0x80];
	_ =	sdelay $0x2  }
0x124: {  	v5 =	vimm.s32 $0x0  }
0x125: {  	v1 =	vshrl.u32 v5, $0x3  }
0x126: {  	v16 =	vmul.u32 $0x1800, v1;
	v1 =	vshll.u32 v2, $0x3  }
0x127: {  	v3 =	vshll.u32 v5, $0x7;
	v4 =	vand.u32 $0xFFFFFC00, v1  }
0x128: {  	v2 =	vand.u32 $0x7F, v2;
	v1 =	vand.u32 $0x200, v3;
	v3 =	vadd.s32 v16, v4  }
0x129: {  	v7 =	vor.u32 $0x180, v1;
	v2 =	vor.u32 v2, v3;
	v3 =	vld [tilespmem:s20+$0xFFFFFF00]  }
0x12a: {  	v6 =	vld [tilespmem:s20+$0x0];
	v2 =	vor.u32 v7, v2;
	_ =	sdelay $0x1  }
0x12b: {  	v4 =	vld [tilespmem:s20+$0xFFFFFF80];
	_ =	sdelay $0x1  }
0x12c: {  	v8 =	vshll.u32 v3, $0x3  }
0x12d: {  	v10 =	vshll.u32 v6, $0x3;
	[tilespmem:v2+s14+$0x0] =	vst.idx.msk $0xffff, v0;
	v8 =	vand.u32 $0xFFFFFC00, v8  }
0x12e: {  	v6 =	vand.u32 $0x7F, v6;
	v3 =	vand.u32 $0x7F, v3;
	v9 =	vld [tilespmem:s20+$0x90];
	v8 =	vadd.s32 v16, v8  }
0x12f: {  	s19 =	simm.s32 $0x2300;
	v10 =	vand.u32 $0xFFFFFC00, v10;
	v2 =	vshll.u32 v4, $0x3;
	v8 =	vor.u32 v3, v8  }
0x130: {  	v14 =	vld [tilespmem:s19+$0xFFFFFF00];
	v10 =	vadd.s32 v16, v10;
	v2 =	vand.u32 $0xFFFFFC00, v2;
	v8 =	vor.u32 v1, v8  }
0x131: {  	v11 =	vld [tilespmem:s19+$0x80];
	v10 =	vor.u32 v6, v10;
	v4 =	vand.u32 $0x7F, v4;
	v2 =	vadd.s32 v16, v2  }
0x132: {  	v3 =	vor.u32 $0x80, v1;
	v2 =	vor.u32 v4, v2;
	v4 =	vor.u32 $0x100, v1  }
0x133: {  	v13 =	vor.u32 v3, v2;
	v10 =	vor.u32 v4, v10;
	v6 =	vshll.u32 v9, $0x3  }
0x134: {  	v9 =	vand.u32 $0x7F, v9;
	v2 =	vand.u32 $0xFFFFFC00, v6;
	v6 =	vadd.s32 $0x4, v5  }
0x135: {  	v15 =	vld [tilespmem:s19+$0x0];
	v2 =	vadd.s32 v16, v2;
	v5 =	vshrl.u32 v6, $0x3;
	[tilespmem:v8+s14+$0x0] =	vst.idx.msk $0xffff, v0;
	v8 =	vshll.u32 v14, $0x3  }
0x136: {  	v12 =	vld [tilespmem:s19+$0xFFFFFF80];
	v9 =	vor.u32 v9, v2;
	v2 =	vmul.u32 $0x1800, v5;
	v5 =	vshll.u32 v11, $0x3  }
0x137: {  	v18 =	vor.u32 v7, v9;
	v7 =	vshll.u32 v6, $0x7;
	v17 =	vand.u32 $0xFFFFFC00, v5  }
0x138: {  	v11 =	vand.u32 $0x7F, v11;
	v5 =	vand.u32 $0x200, v7;
	v17 =	vadd.s32 v2, v17  }
0x139: {  	v14 =	vand.u32 $0x7F, v14;
	v7 =	vor.u32 $0x180, v5;
	v11 =	vor.u32 v11, v17  }
0x13a: {  	[tilespmem:v13+s14+$0x0] =	vst.idx.msk $0xffff, v0;
	v19 =	vld [tilespmem:s20+$0xFFFFFF10];
	v8 =	vand.u32 $0xFFFFFC00, v8;
	v13 =	vshll.u32 v15, $0x3;
	v11 =	vor.u32 v7, v11  }
0x13b: {  	[tilespmem:v10+s14+$0x0] =	vst.idx.msk $0xffff, v0;
	v15 =	vand.u32 $0x7F, v15;
	v9 =	vshll.u32 v12, $0x3;
	v20 =	vld [tilespmem:s20+$0xFFFFFF90];
	v13 =	vand.u32 $0xFFFFFC00, v13  }
0x13c: {  	v10 =	vld [tilespmem:s20+$0x10];
	v12 =	vand.u32 $0x7F, v12;
	v8 =	vadd.s32 v2, v8;
	v9 =	vand.u32 $0xFFFFFC00, v9  }
0x13d: {  	v13 =	vadd.s32 v2, v13;
	v9 =	vadd.s32 v2, v9;
	v14 =	vor.u32 v14, v8  }
0x13e: {  	v8 =	vor.u32 $0x80, v5;
	v9 =	vor.u32 v12, v9;
	v12 =	vor.u32 v15, v13  }
0x13f: {  	v14 =	vor.u32 v5, v14;
	v13 =	vor.u32 v8, v9;
	v9 =	vor.u32 $0x100, v5;
	[tilespmem:v11+s14+$0x0] =	vst.idx.msk $0xffff, v0  }
0x140: {  	v15 =	vshll.u32 v19, $0x3;
	v19 =	vand.u32 $0x7F, v19;
	v12 =	vor.u32 v9, v12;
	v11 =	vld [tilespmem:s19+$0x90]  }
0x141: {  	v17 =	vshll.u32 v20, $0x3;
	v15 =	vand.u32 $0xFFFFFC00, v15;
	v22 =	vshll.u32 v10, $0x3  }
0x142: {  	[tilespmem:v18+s14+$0x0] =	vst.idx.msk $0xffff, v0;
	v18 =	vand.u32 $0x7F, v20;
	v21 =	vand.u32 $0xFFFFFC00, v17;
	v63 =	vand.u32 $0xFFFFFC00, v22  }
0x143: {  	s21 =	simm.s32 $0x2500;
	s20 =	simm.s32 $0x4;
	v17 =	vadd.s32 v16, v15;
	v15 =	vadd.s32 v16, v21;
	v16 =	vadd.s32 v16, v63  }
.LBB2_7:
0x144: {  	v20 =	vld [tilespmem:s21+$0x80];
	s20 =	sadd.s32 $0x4, s20;
	[tilespmem:v14+s14+$0x0] =	vst.idx.msk $0xffff, v0;
	v14 =	vor.u32 v19, v17;
	v15 =	vor.u32 v18, v15;
	v10 =	vand.u32 $0x7F, v10  }
0x145: {  	v17 =	vld [tilespmem:s21+$0xFFFFFF80];
	p0 =	slt.u32 s20, $0x3C;
	[tilespmem:v13+s14+$0x0] =	vst.idx.msk $0xffff, v0;
	v13 =	vshll.u32 v11, $0x3;
	v14 =	vor.u32 v1, v14;
	v18 =	vor.u32 v10, v16  }
0x146: {  	v16 =	vld [tilespmem:s21+$0x0];
	[tilespmem:v12+s14+$0x0] =	vst.idx.msk $0xffff, v0;
	v10 =	vand.u32 $0xFFFFFC00, v13;
	v12 =	vor.u32 v3, v15;
	v13 =	vor.u32 v4, v18  }
0x147: {  	v6 =	vadd.s32 $0x4, v6;
	v11 =	vand.u32 $0x7F, v11;
	v1 =	vmovc v5;
	v3 =	vmovc v8;
	v15 =	vld [tilespmem:s21+$0xFFFFFF00];
	v10 =	vadd.s32 v2, v10  }
0x148: {  	v5 =	vshrl.u32 v6, $0x3;
	v4 =	vmov v9;
	v18 =	vld [tilespmem:s19+$0xFFFFFF10];
	v8 =	vor.u32 v11, v10  }
0x149: {  	v21 =	vmul.u32 $0x1800, v5;
	v5 =	vshll.u32 v20, $0x3;
	v22 =	vld [tilespmem:s19+$0xFFFFFF90];
	v8 =	vor.u32 v7, v8  }
0x14a: {  	v7 =	vshll.u32 v6, $0x7;
	v9 =	vshll.u32 v17, $0x3;
	v11 =	vand.u32 $0xFFFFFC00, v5;
	v10 =	vld [tilespmem:s19+$0x10];
	[tilespmem:v14+s14+$0x0] =	vst.idx.msk $0xffff, v0;
	s19 =	smov.u32 s21  }
0x14b: {  	v5 =	vand.u32 $0x200, v7;
	v14 =	vand.u32 $0x7F, v20;
	v11 =	vadd.s32 v21, v11;
	[tilespmem:v12+s14+$0x0] =	vst.idx.msk $0xffff, v0  }
0x14c: {  	v7 =	vor.u32 $0x180, v5;
	v12 =	vshll.u32 v15, $0x3;
	v11 =	vor.u32 v14, v11;
	[tilespmem:v13+s14+$0x0] =	vst.idx.msk $0xffff, v0  }
0x14d: {  	v13 =	vshll.u32 v16, $0x3;
	v12 =	vand.u32 $0xFFFFFC00, v12;
	v11 =	vor.u32 v7, v11  }
0x14e: {  	v9 =	vand.u32 $0xFFFFFC00, v9;
	v13 =	vand.u32 $0xFFFFFC00, v13;
	v12 =	vadd.s32 v21, v12;
	[tilespmem:v8+s14+$0x0] =	vst.idx.msk $0xffff, v0  }
0x14f: {  	v9 =	vadd.s32 v21, v9;
	v8 =	vand.u32 $0x7F, v15;
	v13 =	vadd.s32 v21, v13  }
0x150: {  	v14 =	vand.u32 $0x7F, v17;
	v15 =	vand.u32 $0x7F, v16;
	v12 =	vor.u32 v8, v12  }
0x151: {  	v9 =	vor.u32 v14, v9;
	v8 =	vor.u32 $0x80, v5;
	v15 =	vor.u32 v15, v13  }
.Ltmp3:
0x152: {  	v14 =	vor.u32 v5, v12;
	v13 =	vor.u32 v8, v9;
	v9 =	vor.u32 $0x100, v5;
	[tilespmem:v11+s14+$0x0] =	vst.idx.msk $0xffff, v0;
	(pc) =	sbr.rel @p0 .LBB2_7-.Ltmp3, $4  }
0x153: {  	v16 =	vshll.u32 v22, $0x3;
	v12 =	vor.u32 v9, v15;
	v15 =	vshll.u32 v18, $0x3;
	v11 =	vld [tilespmem:s21+$0x90]  }
0x154: {  	v16 =	vand.u32 $0xFFFFFC00, v16;
	v19 =	vshll.u32 v10, $0x3;
	v15 =	vand.u32 $0xFFFFFC00, v15  }
0x155: {  	v17 =	vadd.s32 v2, v15;
	v15 =	vadd.s32 v2, v16;
	v16 =	vand.u32 $0xFFFFFC00, v19  }
0x156: {  	s21 =	sadd.s32 $0x200, s21;
	v19 =	vand.u32 $0x7F, v18;
	v18 =	vand.u32 $0x7F, v22;
	v16 =	vadd.s32 v2, v16;
	v2 =	vmovc v21  }
0x157: {  	_ =	sdelay $0x3  }
0x158: {  	[tilespmem:v14+s14+$0x0] =	vst.idx.msk $0xffff, v0  }
0x159: {  	[tilespmem:v13+s14+$0x0] =	vst.idx.msk $0xffff, v0;
	v6 =	vld [tilespmem:s19+$0xFFFFFF10]  }
0x15a: {  	[tilespmem:v12+s14+$0x0] =	vst.idx.msk $0xffff, v0;
	v53 =	vld [tilespmem:s19+$0xFFFFFF90]  }
0x15b: {  	v55 =	vshll.u32 v11, $0x3;
	v56 =	vld [tilespmem:s19+$0x10]  }
0x15c: {  	v52 =	vor.u32 v19, v17;
	v54 =	vor.u32 v18, v15;
	v57 =	vand.u32 $0xFFFFFC00, v55  }
0x15d: {  	v10 =	vand.u32 $0x7F, v10;
	v58 =	vand.u32 $0x7F, v11;
	v13 =	vadd.s32 v2, v57  }
0x15e: {  	v1 =	vor.u32 v1, v52;
	v10 =	vor.u32 v10, v16;
	v59 =	vor.u32 v58, v13  }
0x15f: {  	v3 =	vor.u32 v3, v54;
	v4 =	vor.u32 v4, v10;
	v7 =	vor.u32 v7, v59  }
0x160: {  	v60 =	vshll.u32 v6, $0x3;
	v61 =	vshll.u32 v53, $0x3;
	v62 =	vshll.u32 v56, $0x3  }
0x161: {  	v6 =	vand.u32 $0x7F, v6;
	v12 =	vand.u32 $0x7F, v53;
	v11 =	vand.u32 $0xFFFFFC00, v60  }
0x162: {  	v63 =	vand.u32 $0x7F, v56;
	v10 =	vand.u32 $0xFFFFFC00, v61;
	v11 =	vadd.s32 v2, v11  }
0x163: {  	v13 =	vand.u32 $0xFFFFFC00, v62;
	v10 =	vadd.s32 v2, v10;
	v6 =	vor.u32 v6, v11  }
0x164: {  	v2 =	vadd.s32 v2, v13;
	v10 =	vor.u32 v12, v10;
	v5 =	vor.u32 v5, v6  }
0x165: {  	[tilespmem:v1+s14+$0x0] =	vst.idx.msk $0xffff, v0;
	v1 =	vor.u32 v63, v2;
	v2 =	vor.u32 v8, v10  }
0x166: {  	[tilespmem:v3+s14+$0x0] =	vst.idx.msk $0xffff, v0;
	v1 =	vor.u32 v9, v1  }
0x167: {  	[tilespmem:v4+s14+$0x0] =	vst.idx.msk $0xffff, v0  }
0x168: {  	[tilespmem:v7+s14+$0x0] =	vst.idx.msk $0xffff, v0  }
0x169: {  	[tilespmem:v5+s14+$0x0] =	vst.idx.msk $0xffff, v0  }
0x16a: {  	[tilespmem:v2+s14+$0x0] =	vst.idx.msk $0xffff, v0  }
0x16b: {  	[tilespmem:v1+s14+$0x0] =	vst.idx.msk $0xffff, v0  }
.LBB2_9:
0x16c: {  	s19 =	sshll.u32 s18, $0x6  }
0x16d: {  	s19 =	sadd.s32 s7, s19  }
0x16e: {  	s20 =	sshll.u32 s19, $0x4  }
0x16f: {  	s21 =	sadd.s32 s2, s20  }
0x170: {  	[tilespmem:s1], [sflag:$0x3] =	stream.linear.gather [hbm4b:s21+s1], $0x2000, $0x38;
	[tilespmem:$0x1E000] =	vst v63  }
0x171: {  	s30 =	sadd.s32 s4, s20  }
0x172: {  	[tilespmem:s10], [sflag:$0x3] =	stream.linear.gather [hbm4b:s30+s1], $0x2000, $0x38;
	[tilespmem:$0x1E000] =	vst v63  }
0x173: {  	s20 =	sadd.s32 s5, s20  }
0x174: {  	[tilespmem:s11], [sflag:$0x3] =	stream.linear.gather [hbm4b:s20+s1], $0x2000, $0x38;
	[tilespmem:$0x1E000] =	vst v63  }
0x175: {  	_ =	swait.ge [sflag:s12], $0x2000  }
0x176: {  	[sflag:s12] =	ssyncset.done $0x0  }
0x177: {  	[sflag:s12] =	ssyncadd.s32 $0xFFFFE000  }
0x178: {  	_ =	swait.ge [sflag:s12], $0x2000  }
0x179: {  	[sflag:s12] =	ssyncset.done $0x0  }
0x17a: {  	[sflag:s12] =	ssyncadd.s32 $0xFFFFE000  }
0x17b: {  	_ =	swait.ge [sflag:s12], $0x2000  }
0x17c: {  	[sflag:s12] =	ssyncset.done $0x0  }
0x17d: {  	s31 =	simm.s32 $0x100;
	[sflag:s12] =	ssyncadd.s32 $0xFFFFE000  }
0x17e: {  	v3 =	vld [tilespmem:s31+$0xFFFFFF80]  }
0x17f: {  	v5 =	vld [tilespmem:s31+$0xFFFFFF00];
	_ =	sdelay $0x1  }
0x180: {  	v6 =	vimm.s32 $0x0  }
0x181: {  	v1 =	vshrl.u32 v6, $0x3;
	v7 =	vld [tilespmem:s31+$0x0]  }
0x182: {  	v4 =	vshll.u32 v6, $0x7;
	v1 =	vmul.u32 $0x1800, v1;
	v9 =	vld [tilespmem:s31+$0x80];
	v2 =	vshll.u32 v3, $0x3  }
0x183: {  	s20 =	simm.s32 $0x4100;
	v3 =	vand.u32 $0x7F, v3;
	v10 =	vshll.u32 v5, $0x3;
	v8 =	vand.u32 $0xFFFFFC00, v2  }
0x184: {  	v11 =	vld [tilespmem:s20+$0x0];
	v5 =	vand.u32 $0x7F, v5;
	v2 =	vand.u32 $0x200, v4;
	v8 =	vadd.s32 v1, v8  }
0x185: {  	v13 =	vld [tilespmem:s20+$0x80];
	v4 =	vor.u32 $0x80, v2;
	v3 =	vor.u32 v3, v8;
	v8 =	vand.u32 $0xFFFFFC00, v10  }
0x186: {  	v12 =	vshll.u32 v7, $0x3;
	v10 =	vld [tilespmem:s20+$0xFFFFFF80];
	v3 =	vor.u32 v4, v3;
	v8 =	vadd.s32 v1, v8  }
0x187: {  	s22 =	simm.s32 $0x300;
	v14 =	vld [tilespmem:s20+$0xFFFFFF00];
	v7 =	vand.u32 $0x7F, v7;
	v5 =	vor.u32 v5, v8;
	v8 =	vshll.u32 v9, $0x3  }
0x188: {  	v20 =	vld [tilespmem:s22+$0xFFFFFF00];
	v12 =	vand.u32 $0xFFFFFC00, v12;
	v15 =	vor.u32 v2, v5;
	v5 =	vand.u32 $0xFFFFFC00, v8  }
0x189: {  	v19 =	vld [tilespmem:s22+$0x80];
	v12 =	vadd.s32 v1, v12;
	v9 =	vand.u32 $0x7F, v9;
	v5 =	vadd.s32 v1, v5  }
0x18a: {  	v7 =	vor.u32 v7, v12;
	v12 =	vld [tilespmem:s22+$0x0];
	v9 =	vor.u32 v9, v5;
	v5 =	vor.u32 $0x180, v2  }
0x18b: {  	[tilespmem:v3+s13+$0x0] =	vst.idx.add.f32.msk $0xffff, v10;
	v3 =	vor.u32 $0x100, v2;
	v17 =	vor.u32 v5, v9  }
0x18c: {  	v16 =	vld [tilespmem:s31+$0xFFFFFF90];
	v7 =	vor.u32 v3, v7  }
0x18d: {  	v8 =	vld [tilespmem:s22+$0xFFFFFF80]  }
0x18e: {  	[tilespmem:v15+s13+$0x0] =	vst.idx.add.f32.msk $0xffff, v14  }
0x18f: {  	v9 =	vadd.s32 $0x4, v6;
	v10 =	vld [tilespmem:s31+$0xFFFFFF10]  }
0x190: {  	v18 =	vand.u32 $0x7F, v20;
	v22 =	vshll.u32 v12, $0x3;
	[tilespmem:v17+s13+$0x0] =	vst.idx.add.f32.msk $0xffff, v13;
	v13 =	vshrl.u32 v9, $0x3  }
0x191: {  	v14 =	vshll.u32 v16, $0x3;
	v16 =	vand.u32 $0x7F, v16;
	[tilespmem:v7+s13+$0x0] =	vst.idx.add.f32.msk $0xffff, v11;
	v7 =	vshll.u32 v20, $0x3  }
0x192: {  	v20 =	vshll.u32 v19, $0x3;
	v15 =	vld [tilespmem:s31+$0x90];
	v6 =	vand.u32 $0xFFFFFC00, v14;
	v14 =	vshll.u32 v9, $0x7  }
0x193: {  	v21 =	vand.u32 $0xFFFFFC00, v7;
	v7 =	vmul.u32 $0x1800, v13;
	v20 =	vand.u32 $0xFFFFFC00, v20;
	v13 =	vld [tilespmem:s20+$0xFFFFFF90]  }
0x194: {  	s24 =	simm.s32 $0x4;
	s23 =	simm.s32 $0x4100;
	s21 =	simm.s32 $0x300;
	v17 =	vadd.s32 v1, v6;
	v6 =	vand.u32 $0x200, v14;
	v14 =	vld [tilespmem:s31+$0x10];
	v11 =	vand.u32 $0x7F, v10  }
.LBB2_10:
0x195: {  	s24 =	sadd.s32 $0x4, s24;
	v23 =	vshll.u32 v8, $0x3;
	v22 =	vand.u32 $0xFFFFFC00, v22;
	v19 =	vand.u32 $0x7F, v19;
	v24 =	vld [tilespmem:s20+$0xFFFFFF10];
	s23 =	sadd.s32 $0x200, s23  }
0x196: {  	v26 =	vor.u32 $0x100, v6;
	p0 =	slt.u32 s24, $0x3C;
	v23 =	vand.u32 $0xFFFFFC00, v23;
	v25 =	vld [tilespmem:s23+$0x0];
	v22 =	vadd.s32 v7, v22  }
0x197: {  	v27 =	vor.u32 $0x80, v6;
	v21 =	vadd.s32 v7, v21;
	v23 =	vadd.s32 v7, v23;
	v28 =	vld [tilespmem:s23+$0x80]  }
0x198: {  	v8 =	vand.u32 $0x7F, v8;
	v12 =	vand.u32 $0x7F, v12;
	v16 =	vor.u32 v16, v17;
	v29 =	vld [tilespmem:s23+$0xFFFFFF00]  }
0x199: {  	s22 =	sadd.s32 $0x200, s22;
	v20 =	vadd.s32 v7, v20;
	v16 =	vor.u32 v4, v16;
	v4 =	vmovc v27;
	v23 =	vor.u32 v8, v23;
	v17 =	vld [tilespmem:s23+$0xFFFFFF80]  }
0x19a: {  	v12 =	vor.u32 v12, v22;
	v22 =	vand.u32 $0x7F, v14;
	v23 =	vor.u32 v4, v23;
	v8 =	vld [tilespmem:s22+$0xFFFFFF80]  }
0x19b: {  	v27 =	vor.u32 v26, v12;
	v12 =	vor.u32 v19, v20;
	v19 =	vshll.u32 v15, $0x3;
	v20 =	vld [tilespmem:s20+$0x10]  }
0x19c: {  	v10 =	vshll.u32 v10, $0x3;
	v18 =	vor.u32 v18, v21;
	v21 =	vor.u32 $0x180, v6;
	v30 =	vld [tilespmem:s20+$0x90];
	s20 =	smov.u32 s23  }
0x19d: {  	v14 =	vshll.u32 v14, $0x3;
	v18 =	vor.u32 v6, v18;
	v15 =	vand.u32 $0x7F, v15;
	v31 =	vld [tilespmem:s22+$0xFFFFFF00]  }
0x19e: {  	v32 =	vor.u32 v21, v12;
	v12 =	vand.u32 $0xFFFFFC00, v14;
	[tilespmem:v16+s13+$0x0] =	vst.idx.add.f32.msk $0xffff, v13;
	v13 =	vand.u32 $0xFFFFFC00, v19  }
0x19f: {  	v10 =	vand.u32 $0xFFFFFC00, v10;
	v14 =	vadd.s32 v1, v12;
	[tilespmem:v23+s13+$0x0] =	vst.idx.add.f32.msk $0xffff, v17;
	v13 =	vadd.s32 v1, v13  }
0x1a0: {  	v10 =	vadd.s32 v1, v10;
	v14 =	vor.u32 v22, v14;
	v1 =	vmovc v7;
	v12 =	vld [tilespmem:s22+$0x0];
	v13 =	vor.u32 v15, v13  }
0x1a1: {  	v10 =	vor.u32 v11, v10;
	v11 =	vor.u32 v3, v14;
	v3 =	vmovc v26;
	v7 =	vld [tilespmem:s21+$0xFFFFFF90];
	v13 =	vor.u32 v5, v13  }
0x1a2: {  	v14 =	vor.u32 v2, v10;
	v2 =	vmov v6;
	v5 =	vmov v21;
	[tilespmem:v18+s13+$0x0] =	vst.idx.add.f32.msk $0xffff, v29  }
0x1a3: {  	[tilespmem:v32+s13+$0x0] =	vst.idx.add.f32.msk $0xffff, v28  }
0x1a4: {  	v19 =	vld [tilespmem:s22+$0x80]  }
0x1a5: {  	v10 =	vld [tilespmem:s21+$0xFFFFFF10]  }
0x1a6: {  	[tilespmem:v13+s13+$0x0] =	vst.idx.add.f32.msk $0xffff, v30  }
0x1a7: {  	v9 =	vadd.s32 $0x4, v9;
	v6 =	vshll.u32 v7, $0x3;
	[tilespmem:v14+s13+$0x0] =	vst.idx.add.f32.msk $0xffff, v24  }
.Ltmp4:
0x1a8: {  	v13 =	vshrl.u32 v9, $0x3;
	v6 =	vand.u32 $0xFFFFFC00, v6;
	[tilespmem:v11+s13+$0x0] =	vst.idx.add.f32.msk $0xffff, v20;
	(pc) =	sbr.rel @p0 .LBB2_10-.Ltmp4, $4  }
0x1a9: {  	v16 =	vand.u32 $0x7F, v7;
	v11 =	vshll.u32 v9, $0x7;
	v17 =	vadd.s32 v1, v6;
	[tilespmem:v27+s13+$0x0] =	vst.idx.add.f32.msk $0xffff, v25  }
0x1aa: {  	v18 =	vand.u32 $0x7F, v31;
	v7 =	vshll.u32 v31, $0x3;
	v6 =	vand.u32 $0x200, v11;
	v14 =	vld [tilespmem:s21+$0x10]  }
0x1ab: {  	v21 =	vand.u32 $0xFFFFFC00, v7;
	v20 =	vshll.u32 v19, $0x3;
	v11 =	vand.u32 $0x7F, v10;
	v15 =	vld [tilespmem:s21+$0x90];
	s21 =	smov.u32 s22  }
0x1ac: {  	v22 =	vshll.u32 v12, $0x3;
	v7 =	vmul.u32 $0x1800, v13;
	v20 =	vand.u32 $0xFFFFFC00, v20;
	v13 =	vld [tilespmem:s23+$0xFFFFFF90]  }
0x1ad: {  	v9 =	vshll.u32 v8, $0x3;
	v8 =	vand.u32 $0x7F, v8;
	v23 =	vor.u32 $0x80, v6  }
0x1ae: {  	v19 =	vand.u32 $0x7F, v19;
	v9 =	vand.u32 $0xFFFFFC00, v9;
	v21 =	vadd.s32 v7, v21  }
0x1af: {  	s22 =	sadd.s32 $0x200, s23;
	v20 =	vadd.s32 v7, v20;
	v9 =	vadd.s32 v7, v9;
	v18 =	vor.u32 v18, v21  }
0x1b0: {  	v21 =	vld [tilespmem:s22+$0xFFFFFF00];
	v19 =	vor.u32 v19, v20;
	v20 =	vor.u32 $0x180, v6;
	v18 =	vor.u32 v6, v18  }
0x1b1: {  	v10 =	vshll.u32 v10, $0x3;
	v24 =	vld [tilespmem:s22+$0x80];
	v8 =	vor.u32 v8, v9;
	v19 =	vor.u32 v20, v19  }
0x1b2: {  	v10 =	vand.u32 $0xFFFFFC00, v10;
	v9 =	vand.u32 $0xFFFFFC00, v22;
	v22 =	vld [tilespmem:s22+$0xFFFFFF80];
	v8 =	vor.u32 v23, v8  }
0x1b3: {  	v12 =	vand.u32 $0x7F, v12;
	v25 =	vld [tilespmem:s22+$0x0];
	v10 =	vadd.s32 v1, v10;
	v9 =	vadd.s32 v7, v9  }
0x1b4: {  	v26 =	vor.u32 $0x100, v6;
	v10 =	vor.u32 v11, v10;
	v11 =	vld [tilespmem:s20+$0xFFFFFF10];
	v9 =	vor.u32 v12, v9  }
0x1b5: {  	v9 =	vor.u32 v26, v9;
	[tilespmem:v18+s13+$0x0] =	vst.idx.add.f32.msk $0xffff, v21  }
0x1b6: {  	[tilespmem:v19+s13+$0x0] =	vst.idx.add.f32.msk $0xffff, v24  }
0x1b7: {  	[tilespmem:v8+s13+$0x0] =	vst.idx.add.f32.msk $0xffff, v22  }
0x1b8: {  	v12 =	vor.u32 v16, v17;
	v17 =	vld [tilespmem:s21+$0xFFFFFF10]  }
0x1b9: {  	v16 =	vshll.u32 v15, $0x3;
	v8 =	vld [tilespmem:s21+$0xFFFFFF90]  }
0x1ba: {  	v4 =	vor.u32 v4, v12;
	v12 =	vand.u32 $0x7F, v14;
	v16 =	vand.u32 $0xFFFFFC00, v16;
	[tilespmem:v9+s13+$0x0] =	vst.idx.add.f32.msk $0xffff, v25  }
0x1bb: {  	v14 =	vshll.u32 v14, $0x3;
	v9 =	vand.u32 $0x7F, v15;
	v15 =	vadd.s32 v1, v16;
	v16 =	vld [tilespmem:s21+$0x10]  }
0x1bc: {  	v2 =	vor.u32 v2, v10;
	v14 =	vand.u32 $0xFFFFFC00, v14;
	v9 =	vor.u32 v9, v15;
	v15 =	vld [tilespmem:s21+$0x90]  }
0x1bd: {  	v18 =	vld [tilespmem:s20+$0x90];
	v1 =	vadd.s32 v1, v14;
	v5 =	vor.u32 v5, v9  }
0x1be: {  	v1 =	vor.u32 v12, v1;
	v9 =	vshll.u32 v8, $0x3  }
0x1bf: {  	v1 =	vor.u32 v3, v1;
	v3 =	vand.u32 $0x7F, v17;
	v9 =	vand.u32 $0xFFFFFC00, v9  }
0x1c0: {  	v10 =	vld [tilespmem:s20+$0x10];
	v8 =	vand.u32 $0x7F, v8;
	v9 =	vadd.s32 v7, v9;
	v12 =	vshll.u32 v16, $0x3  }
0x1c1: {  	[tilespmem:v2+s13+$0x0] =	vst.idx.add.f32.msk $0xffff, v11;
	v2 =	vand.u32 $0x7F, v15;
	v8 =	vor.u32 v8, v9;
	v9 =	vshll.u32 v15, $0x3  }
0x1c2: {  	[tilespmem:v5+s13+$0x0] =	vst.idx.add.f32.msk $0xffff, v18;
	v5 =	vshll.u32 v17, $0x3;
	v12 =	vand.u32 $0xFFFFFC00, v12;
	v9 =	vand.u32 $0xFFFFFC00, v9  }
0x1c3: {  	[tilespmem:v4+s13+$0x0] =	vst.idx.add.f32.msk $0xffff, v13;
	v4 =	vor.u32 v23, v8;
	v5 =	vand.u32 $0xFFFFFC00, v5;
	v9 =	vadd.s32 v7, v9  }
0x1c4: {  	v11 =	vld [tilespmem:s22+$0xFFFFFF90];
	v8 =	vand.u32 $0x7F, v16;
	v5 =	vadd.s32 v7, v5;
	v2 =	vor.u32 v2, v9  }
0x1c5: {  	v7 =	vadd.s32 v7, v12;
	v9 =	vld [tilespmem:s22+$0x90];
	v3 =	vor.u32 v3, v5;
	v2 =	vor.u32 v20, v2  }
0x1c6: {  	v5 =	vld [tilespmem:s22+$0xFFFFFF10];
	v7 =	vor.u32 v8, v7;
	v3 =	vor.u32 v6, v3  }
0x1c7: {  	v6 =	vld [tilespmem:s22+$0x10];
	v7 =	vor.u32 v26, v7  }
0x1c8: {  	[tilespmem:v1+s13+$0x0] =	vst.idx.add.f32.msk $0xffff, v10  }
0x1c9: {  	s19 =	sshrl.u32 s19, $0x3;
	[tilespmem:v4+s13+$0x0] =	vst.idx.add.f32.msk $0xffff, v11  }
0x1ca: {  	s19 =	smul.u32 $0x300, s19;
	[tilespmem:v2+s13+$0x0] =	vst.idx.add.f32.msk $0xffff, v9  }
0x1cb: {  	[tilespmem:v3+s13+$0x0] =	vst.idx.add.f32.msk $0xffff, v5  }
0x1cc: {  	s31 =	simm.s32 $0x2100;
	s30 =	sadd.s32 s6, s19;
	[tilespmem:v7+s13+$0x0] =	vst.idx.add.f32.msk $0xffff, v6  }
0x1cd: {  	[hbm4b:s30+s1] =	stream.linear.scatter [tilespmem:s13], [sflag:$0x1], $0xC000, $0x38;
	[tilespmem:$0x1E000] =	vst v63  }
0x1ce: {  	v3 =	vld [tilespmem:s31+$0xFFFFFF80]  }
0x1cf: {  	v5 =	vld [tilespmem:s31+$0xFFFFFF00];
	_ =	sdelay $0x1  }
0x1d0: {  	v6 =	vimm.s32 $0x0  }
0x1d1: {  	v1 =	vshrl.u32 v6, $0x3;
	v7 =	vld [tilespmem:s31+$0x0]  }
0x1d2: {  	v4 =	vshll.u32 v6, $0x7;
	v1 =	vmul.u32 $0x1800, v1;
	v9 =	vld [tilespmem:s31+$0x80];
	v2 =	vshll.u32 v3, $0x3  }
0x1d3: {  	s20 =	simm.s32 $0x4100;
	v3 =	vand.u32 $0x7F, v3;
	v10 =	vshll.u32 v5, $0x3;
	v8 =	vand.u32 $0xFFFFFC00, v2  }
0x1d4: {  	v11 =	vld [tilespmem:s20+$0x0];
	v5 =	vand.u32 $0x7F, v5;
	v2 =	vand.u32 $0x200, v4;
	v8 =	vadd.s32 v1, v8  }
0x1d5: {  	v13 =	vld [tilespmem:s20+$0x80];
	v4 =	vor.u32 $0x80, v2;
	v3 =	vor.u32 v3, v8;
	v8 =	vand.u32 $0xFFFFFC00, v10  }
0x1d6: {  	v12 =	vshll.u32 v7, $0x3;
	v10 =	vld [tilespmem:s20+$0xFFFFFF80];
	v3 =	vor.u32 v4, v3;
	v8 =	vadd.s32 v1, v8  }
0x1d7: {  	s22 =	simm.s32 $0x2300;
	v14 =	vld [tilespmem:s20+$0xFFFFFF00];
	v7 =	vand.u32 $0x7F, v7;
	v5 =	vor.u32 v5, v8;
	v8 =	vshll.u32 v9, $0x3  }
0x1d8: {  	v20 =	vld [tilespmem:s22+$0xFFFFFF00];
	v12 =	vand.u32 $0xFFFFFC00, v12;
	v15 =	vor.u32 v2, v5;
	v5 =	vand.u32 $0xFFFFFC00, v8  }
0x1d9: {  	v19 =	vld [tilespmem:s22+$0x80];
	v12 =	vadd.s32 v1, v12;
	v9 =	vand.u32 $0x7F, v9;
	v5 =	vadd.s32 v1, v5  }
0x1da: {  	v7 =	vor.u32 v7, v12;
	v12 =	vld [tilespmem:s22+$0x0];
	v9 =	vor.u32 v9, v5;
	v5 =	vor.u32 $0x180, v2  }
0x1db: {  	[tilespmem:v3+s14+$0x0] =	vst.idx.add.f32.msk $0xffff, v10;
	v3 =	vor.u32 $0x100, v2;
	v17 =	vor.u32 v5, v9  }
0x1dc: {  	v16 =	vld [tilespmem:s31+$0xFFFFFF90];
	v7 =	vor.u32 v3, v7  }
0x1dd: {  	v8 =	vld [tilespmem:s22+$0xFFFFFF80]  }
0x1de: {  	[tilespmem:v15+s14+$0x0] =	vst.idx.add.f32.msk $0xffff, v14  }
0x1df: {  	v9 =	vadd.s32 $0x4, v6;
	v10 =	vld [tilespmem:s31+$0xFFFFFF10]  }
0x1e0: {  	v18 =	vand.u32 $0x7F, v20;
	v22 =	vshll.u32 v12, $0x3;
	[tilespmem:v17+s14+$0x0] =	vst.idx.add.f32.msk $0xffff, v13;
	v13 =	vshrl.u32 v9, $0x3  }
0x1e1: {  	v14 =	vshll.u32 v16, $0x3;
	v16 =	vand.u32 $0x7F, v16;
	[tilespmem:v7+s14+$0x0] =	vst.idx.add.f32.msk $0xffff, v11;
	v7 =	vshll.u32 v20, $0x3  }
0x1e2: {  	v20 =	vshll.u32 v19, $0x3;
	v15 =	vld [tilespmem:s31+$0x90];
	v6 =	vand.u32 $0xFFFFFC00, v14;
	v14 =	vshll.u32 v9, $0x7  }
0x1e3: {  	v21 =	vand.u32 $0xFFFFFC00, v7;
	v7 =	vmul.u32 $0x1800, v13;
	v20 =	vand.u32 $0xFFFFFC00, v20;
	v13 =	vld [tilespmem:s20+$0xFFFFFF90]  }
0x1e4: {  	s24 =	simm.s32 $0x4;
	s23 =	simm.s32 $0x4100;
	s21 =	simm.s32 $0x2300;
	v17 =	vadd.s32 v1, v6;
	v6 =	vand.u32 $0x200, v14;
	v14 =	vld [tilespmem:s31+$0x10];
	v11 =	vand.u32 $0x7F, v10  }
.LBB2_12:
0x1e5: {  	s24 =	sadd.s32 $0x4, s24;
	v23 =	vshll.u32 v8, $0x3;
	v22 =	vand.u32 $0xFFFFFC00, v22;
	v19 =	vand.u32 $0x7F, v19;
	v24 =	vld [tilespmem:s20+$0xFFFFFF10];
	s23 =	sadd.s32 $0x200, s23  }
0x1e6: {  	v26 =	vor.u32 $0x100, v6;
	p0 =	slt.u32 s24, $0x3C;
	v23 =	vand.u32 $0xFFFFFC00, v23;
	v25 =	vld [tilespmem:s23+$0x0];
	v22 =	vadd.s32 v7, v22  }
0x1e7: {  	v27 =	vor.u32 $0x80, v6;
	v21 =	vadd.s32 v7, v21;
	v23 =	vadd.s32 v7, v23;
	v28 =	vld [tilespmem:s23+$0x80]  }
0x1e8: {  	v8 =	vand.u32 $0x7F, v8;
	v12 =	vand.u32 $0x7F, v12;
	v16 =	vor.u32 v16, v17;
	v29 =	vld [tilespmem:s23+$0xFFFFFF00]  }
0x1e9: {  	s22 =	sadd.s32 $0x200, s22;
	v20 =	vadd.s32 v7, v20;
	v16 =	vor.u32 v4, v16;
	v4 =	vmovc v27;
	v23 =	vor.u32 v8, v23;
	v17 =	vld [tilespmem:s23+$0xFFFFFF80]  }
0x1ea: {  	v12 =	vor.u32 v12, v22;
	v22 =	vand.u32 $0x7F, v14;
	v23 =	vor.u32 v4, v23;
	v8 =	vld [tilespmem:s22+$0xFFFFFF80]  }
0x1eb: {  	v27 =	vor.u32 v26, v12;
	v12 =	vor.u32 v19, v20;
	v19 =	vshll.u32 v15, $0x3;
	v20 =	vld [tilespmem:s20+$0x10]  }
0x1ec: {  	v10 =	vshll.u32 v10, $0x3;
	v18 =	vor.u32 v18, v21;
	v21 =	vor.u32 $0x180, v6;
	v30 =	vld [tilespmem:s20+$0x90];
	s20 =	smov.u32 s23  }
0x1ed: {  	v14 =	vshll.u32 v14, $0x3;
	v18 =	vor.u32 v6, v18;
	v15 =	vand.u32 $0x7F, v15;
	v31 =	vld [tilespmem:s22+$0xFFFFFF00]  }
0x1ee: {  	v32 =	vor.u32 v21, v12;
	v12 =	vand.u32 $0xFFFFFC00, v14;
	[tilespmem:v16+s14+$0x0] =	vst.idx.add.f32.msk $0xffff, v13;
	v13 =	vand.u32 $0xFFFFFC00, v19  }
0x1ef: {  	v10 =	vand.u32 $0xFFFFFC00, v10;
	v14 =	vadd.s32 v1, v12;
	[tilespmem:v23+s14+$0x0] =	vst.idx.add.f32.msk $0xffff, v17;
	v13 =	vadd.s32 v1, v13  }
0x1f0: {  	v10 =	vadd.s32 v1, v10;
	v14 =	vor.u32 v22, v14;
	v1 =	vmovc v7;
	v12 =	vld [tilespmem:s22+$0x0];
	v13 =	vor.u32 v15, v13  }
0x1f1: {  	v10 =	vor.u32 v11, v10;
	v11 =	vor.u32 v3, v14;
	v3 =	vmovc v26;
	v7 =	vld [tilespmem:s21+$0xFFFFFF90];
	v13 =	vor.u32 v5, v13  }
0x1f2: {  	v14 =	vor.u32 v2, v10;
	v2 =	vmov v6;
	v5 =	vmov v21;
	[tilespmem:v18+s14+$0x0] =	vst.idx.add.f32.msk $0xffff, v29  }
0x1f3: {  	[tilespmem:v32+s14+$0x0] =	vst.idx.add.f32.msk $0xffff, v28  }
0x1f4: {  	v19 =	vld [tilespmem:s22+$0x80]  }
0x1f5: {  	v10 =	vld [tilespmem:s21+$0xFFFFFF10]  }
0x1f6: {  	[tilespmem:v13+s14+$0x0] =	vst.idx.add.f32.msk $0xffff, v30  }
0x1f7: {  	v9 =	vadd.s32 $0x4, v9;
	v6 =	vshll.u32 v7, $0x3;
	[tilespmem:v14+s14+$0x0] =	vst.idx.add.f32.msk $0xffff, v24  }
.Ltmp5:
0x1f8: {  	v13 =	vshrl.u32 v9, $0x3;
	v6 =	vand.u32 $0xFFFFFC00, v6;
	[tilespmem:v11+s14+$0x0] =	vst.idx.add.f32.msk $0xffff, v20;
	(pc) =	sbr.rel @p0 .LBB2_12-.Ltmp5, $4  }
0x1f9: {  	v16 =	vand.u32 $0x7F, v7;
	v11 =	vshll.u32 v9, $0x7;
	v17 =	vadd.s32 v1, v6;
	[tilespmem:v27+s14+$0x0] =	vst.idx.add.f32.msk $0xffff, v25  }
0x1fa: {  	v18 =	vand.u32 $0x7F, v31;
	v7 =	vshll.u32 v31, $0x3;
	v6 =	vand.u32 $0x200, v11;
	v14 =	vld [tilespmem:s21+$0x10]  }
0x1fb: {  	v21 =	vand.u32 $0xFFFFFC00, v7;
	v20 =	vshll.u32 v19, $0x3;
	v11 =	vand.u32 $0x7F, v10;
	v15 =	vld [tilespmem:s21+$0x90];
	s21 =	smov.u32 s22  }
0x1fc: {  	v22 =	vshll.u32 v12, $0x3;
	v7 =	vmul.u32 $0x1800, v13;
	v20 =	vand.u32 $0xFFFFFC00, v20;
	v13 =	vld [tilespmem:s23+$0xFFFFFF90]  }
0x1fd: {  	v9 =	vshll.u32 v8, $0x3;
	v36 =	vand.u32 $0x7F, v8  }
0x1fe: {  	v19 =	vand.u32 $0x7F, v19;
	v40 =	vor.u32 $0x180, v6;
	v21 =	vadd.s32 v7, v21  }
0x1ff: {  	s22 =	sadd.s32 $0x200, s23;
	v9 =	vand.u32 $0xFFFFFC00, v9;
	v20 =	vadd.s32 v7, v20;
	v18 =	vor.u32 v18, v21  }
0x200: {  	v39 =	vld [tilespmem:s22+$0xFFFFFF00];
	v9 =	vadd.s32 v7, v9;
	v19 =	vor.u32 v19, v20;
	v18 =	vor.u32 v6, v18  }
0x201: {  	v23 =	vor.u32 $0x80, v6;
	v24 =	vld [tilespmem:s22+$0x80];
	v8 =	vor.u32 v36, v9;
	v19 =	vor.u32 v40, v19  }
0x202: {  	v38 =	vld [tilespmem:s22+$0xFFFFFF80];
	v8 =	vor.u32 v23, v8  }
0x203: {  	v37 =	vand.u32 $0xFFFFFC00, v22;
	v52 =	vld [tilespmem:s20+$0xFFFFFF10]  }
0x204: {  	v12 =	vand.u32 $0x7F, v12;
	v25 =	vld [tilespmem:s22+$0x0];
	v9 =	vadd.s32 v7, v37  }
0x205: {  	v26 =	vor.u32 $0x100, v6;
	v9 =	vor.u32 v12, v9;
	[tilespmem:v18+s14+$0x0] =	vst.idx.add.f32.msk $0xffff, v39  }
0x206: {  	v9 =	vor.u32 v26, v9;
	[tilespmem:v19+s14+$0x0] =	vst.idx.add.f32.msk $0xffff, v24  }
0x207: {  	v10 =	vshll.u32 v10, $0x3;
	[tilespmem:v8+s14+$0x0] =	vst.idx.add.f32.msk $0xffff, v38  }
0x208: {  	v41 =	vor.u32 v16, v17;
	v10 =	vand.u32 $0xFFFFFC00, v10;
	v42 =	vand.u32 $0x7F, v14;
	v44 =	vld [tilespmem:s21+$0xFFFFFF10]  }
0x209: {  	v45 =	vshll.u32 v14, $0x3;
	v10 =	vadd.s32 v1, v10;
	v43 =	vshll.u32 v15, $0x3;
	v49 =	vld [tilespmem:s21+$0x90]  }
0x20a: {  	v46 =	vand.u32 $0x7F, v15;
	v10 =	vor.u32 v11, v10;
	v16 =	vand.u32 $0xFFFFFC00, v43;
	v8 =	vld [tilespmem:s21+$0xFFFFFF90]  }
0x20b: {  	v14 =	vand.u32 $0xFFFFFC00, v45;
	v2 =	vor.u32 v2, v10;
	v47 =	vadd.s32 v1, v16;
	[tilespmem:v9+s14+$0x0] =	vst.idx.add.f32.msk $0xffff, v25  }
0x20c: {  	v1 =	vadd.s32 v1, v14;
	v9 =	vor.u32 v46, v47;
	v48 =	vld [tilespmem:s21+$0x10]  }
0x20d: {  	v50 =	vld [tilespmem:s20+$0x90];
	v1 =	vor.u32 v42, v1;
	v5 =	vor.u32 v5, v9  }
0x20e: {  	v4 =	vor.u32 v4, v41;
	v1 =	vor.u32 v3, v1  }
0x20f: {  	v3 =	vand.u32 $0x7F, v44;
	v56 =	vshll.u32 v49, $0x3;
	v57 =	vshll.u32 v44, $0x3  }
0x210: {  	[tilespmem:v2+s14+$0x0] =	vst.idx.add.f32.msk $0xffff, v52;
	v2 =	vand.u32 $0x7F, v49;
	v51 =	vshll.u32 v8, $0x3;
	v8 =	vand.u32 $0x7F, v8  }
0x211: {  	v53 =	vld [tilespmem:s20+$0x10];
	v9 =	vand.u32 $0xFFFFFC00, v51;
	v55 =	vand.u32 $0x7F, v48;
	v58 =	vshll.u32 v48, $0x3  }
0x212: {  	[tilespmem:v5+s14+$0x0] =	vst.idx.add.f32.msk $0xffff, v50;
	v5 =	vand.u32 $0xFFFFFC00, v57;
	v9 =	vadd.s32 v7, v9;
	v12 =	vand.u32 $0xFFFFFC00, v58  }
0x213: {  	[tilespmem:v4+s14+$0x0] =	vst.idx.add.f32.msk $0xffff, v13;
	v5 =	vadd.s32 v7, v5;
	v8 =	vor.u32 v8, v9;
	v9 =	vand.u32 $0xFFFFFC00, v56  }
0x214: {  	v59 =	vld [tilespmem:s22+$0xFFFFFF90];
	v61 =	vadd.s32 v7, v12;
	v3 =	vor.u32 v3, v5;
	v54 =	vor.u32 v23, v8  }
0x215: {  	v62 =	vld [tilespmem:s22+$0xFFFFFF10];
	v9 =	vadd.s32 v7, v9;
	v7 =	vor.u32 v55, v61;
	v3 =	vor.u32 v6, v3  }
0x216: {  	v63 =	vld [tilespmem:s22+$0x10];
	v2 =	vor.u32 v2, v9;
	v7 =	vor.u32 v26, v7  }
0x217: {  	s18 =	sadd.s32 $0x1, s18;
	v60 =	vld [tilespmem:s22+$0x90];
	v2 =	vor.u32 v40, v2  }
0x218: {  	p0 =	sne.s32 s18, $0x4;
	[tilespmem:v1+s14+$0x0] =	vst.idx.add.f32.msk $0xffff, v53  }
.Ltmp6:
0x219: {  	[tilespmem:v54+s14+$0x0] =	vst.idx.add.f32.msk $0xffff, v59;
	(pc) =	sbr.rel @p0 .LBB2_3-.Ltmp6, $4  }
0x21a: {  	[tilespmem:v3+s14+$0x0] =	vst.idx.add.f32.msk $0xffff, v62  }
0x21b: {  	[tilespmem:v7+s14+$0x0] =	vst.idx.add.f32.msk $0xffff, v63  }
0x21c: {  	s19 =	sadd.s32 s19, s8;
	[tilespmem:v2+s14+$0x0] =	vst.idx.add.f32.msk $0xffff, v60  }
0x21d: {  	[hbm4b:s19+s1] =	stream.linear.scatter [tilespmem:s14], [sflag:$0x2], $0xC000, $0x38;
	[tilespmem:$0x1E000] =	vst v63  }
0x21e: {  	s17 =	sadd.s32 $0x1, s17  }
0x21f: {  	_ =	swait.ge [sflag:s15], $0xC000;
	p0 =	sne.s32 s17, s9  }
.Ltmp7:
0x220: {  	[sflag:s15] =	ssyncset.done $0x0;
	(pc) =	sbr.rel @p0 .LBB2_1-.Ltmp7, $4  }
0x221: {  	[sflag:s15] =	ssyncadd.s32 $0xFFFF4000  }
0x222: {  	_ =	swait.ge [sflag:s16], $0xC000  }
0x223: {  	[sflag:s16] =	ssyncset.done $0x0  }
0x224: {  	[sflag:s16] =	ssyncadd.s32 $0xFFFF4000  }
0x225: {  	_ =	sfence.sel $0x180000  }
0x226: {  	[bflag:$0x0] =	sbarrier.arrive $0xFFFF  }
0x227: {  	p0 =	sne.s32 s3, $0x0;
	_ =	strace $0x90000047  }
0x228: {  	s0 =	sadd.s32 @!p0 $0x100000, s0;
	[bflag:$0x2] =	sbarrier.arrive $0xFFFF  }
0x229: {  	[sflag:s0] =	ssyncadd.tile.s32 @!p0 $0x1;
	_ =	shalt  }
.Lfunc_end2:
_tile_overlayer_lowered:
.L_overlay_start_2:
0x22a: {  	(tag) =	ssettag $0x2  }
0x22b: {  	s0 =	rddreg [dreg:$0x0];
	s2 =	stileid.u32  }
0x22c: {  	s1 =	rddreg [dreg:$0x1];
	p0 =	sne.s32 s2, $0x0  }
0x22d: {  	s3 =	rddreg [dreg:$0x2];
	[bflag:$0x3] =	sbarrier.arrive $0xFFFF;
	s2 =	simm.s32 @!p0 $0x1C04  }
0x22e: {  	[timem:s3], [sflag:s2] =	dma.local @!p0 [hbm:s0], s1  }
0x22f: {  	s0 =	simm.s32 @!p0 $0x4  }
0x230: {  	_ =	swait.ge @!p0 [sflag:s0], s1  }
0x231: {  	s1 =	ssub.s32 @!p0 $0x0, s1;
	[sflag:s0] =	ssyncset.done @!p0 $0x0  }
0x232: {  	[sflag:s0] =	ssyncadd.s32 @!p0 s1  }
0x233: {  	[bflag:$0x3] =	sbarrier.arrive $0xFFFF  }
0x234: {  	_ =	shalt  }

// kernel: kernel.9.cloned.1.call-start
scs
__scs_entry_jumppad:
0x0: {  	(pc) =	sbr.rel $0x88, $3  }
0x1: {  	(tag) =	ssettag $0x0;
	lr =	simm.s32 $0x1  }
0x2: {  	[smem:$0x3F9A] =	sst lr;
	_ =	strace $0xD0000000  }
0x3: {  	_ = 	snop  }
0x4: {  	_ = 	snop  }
0x5: {  	_ = 	snop  }
0x6: {  	_ = 	snop  }
0x7: {  	_ = 	snop  }
__scs_overlays_trampoline_lowered:
0x8: {  	[smem:$0x3FA9] =	sst s0  }
0x9: {  	[smem:$0x3FAA] =	sst s1  }
0xa: {  	[smem:$0x3FAB] =	sst s2  }
0xb: {  	[smem:$0x3FAC] =	sst s3  }
0xc: {  	[smem:$0x3FAD] =	sst s4  }
0xd: {  	[smem:$0x3FAE] =	sst s5  }
0xe: {  	[smem:$0x3FAF] =	sst s6  }
0xf: {  	[smem:$0x3FB0] =	sst s7  }
0x10: {  	[smem:$0x3FB1] =	sst s8  }
0x11: {  	[smem:$0x3FB2] =	sst s9;
	s0 =	simm.s32 @!p0 $0x0  }
0x12: {  	s1 =	sld [smem:$0x3F98];
	s0 =	simm.s32 @p0 $0x1  }
0x13: {  	[smem:$0x3FB3] =	sst s0;
	s0 =	simm.s32 @!p1 $0x0  }
0x14: {  	s2 =	sld [smem:$0x3F97];
	s0 =	simm.s32 @p1 $0x1  }
0x15: {  	[smem:$0x3FB4] =	sst s0;
	s0 =	simm.s32 @!p2 $0x0  }
0x16: {  	s3 =	sld [smem:$0x3FDB];
	s0 =	simm.s32 @p2 $0x1  }
0x17: {  	s4 =	simm.s32 $0x1BF5;
	[smem:$0x3FB6] =	sst s0  }
0x18: {  	s0 =	sld [smem:$0x3F99];
	_ =	swait.ge [sflag:s4], $0x0  }
0x19: {  	s7 =	sld [smem:$0x3F9A]  }
0x1a: {  	s8 =	sadd.s32 $0xFFFFE003, lr  }
0x1b: {  	s9 =	sadd.s32 $0xFFFFFEF7, lr;
	s5 =	simm.s32 $0xFFFFFFFF;
	p2 =	slt.u32 s8, $0xFFFFF086  }
0x1c: {  	p1 =	slt.u32 s9, $0xF7A;
	s5 =	simm.s32 @!p2 $0x0  }
0x1d: {  	s5 =	simm.s32 @p1 $0x1;
	p0 =	seq.s32 s7, s2  }
0x1e: {  	s7 =	smul.u32 @!p0 $0xF7A, s2;
	p2 =	seq.s32 @!p0 s5, $0x0  }
0x1f: {  	s9 =	smul.u32 $0xF7A, s1;
	s8 =	simm.s32 @!p0 $0x1BF5;
	p2 =	por !p2, p0  }
0x20: {  	[sflag:s8] =	ssyncset.s32 @!p0 $0xFFFFF086;
	s6 =	sadd.s32 @!p0 s3, s7;
	s7 =	simm.s32 @!p0 $0x108  }
0x21: {  	s3 =	sadd.s32 s3, s9;
	s6 =	sadd.s32 @!p0 $0x88, s6;
	s7 =	simm.s32 @p2 $0x1082  }
0x22: {  	[simem:s7], [sflag:s8] =	dma.local @!p0 [hbm:s6], $0xF7A  }
0x23: {  	s9 =	sor.u32 $0xD0000000, s2;
	s6 =	simm.s32 $0x108;
	_ =	swait.ge @!p0 [sflag:s8], $0x0  }
0x24: {  	s3 =	sadd.s32 $0x88, s3;
	s6 =	simm.s32 @!p1 $0x1082;
	[sflag:s4] =	ssyncset.s32 $0xFFFFF086  }
0x25: {  	[simem:s6], [sflag:s4] =	dma.local [hbm:s3], $0xF7A  }
0x26: {  	[smem:$0x3F9A] =	sst s1;
	(tag) =	ssettag s2;
	_ =	strace s9  }
0x27: {  	s1 =	sld [smem:$0x3FAA]  }
0x28: {  	s2 =	sld [smem:$0x3FAB]  }
0x29: {  	s4 =	sld [smem:$0x3FAD]  }
0x2a: {  	p0 =	seq.s32 s5, $0x0;
	s5 =	sld [smem:$0x3FAE]  }
0x2b: {  	s6 =	sld [smem:$0x3FAF]  }
0x2c: {  	s7 =	sld [smem:$0x3FB0]  }
0x2d: {  	s3 =	simm.s32 $0x108;
	s8 =	sld [smem:$0x3FB1]  }
0x2e: {  	s3 =	simm.s32 @!p0 $0x1082;
	s9 =	sld [smem:$0x3FB2]  }
0x2f: {  	lr =	sadd.s32 s0, s3;
	s0 =	sld [smem:$0x3FA9]  }
0x30: {  	s3 =	sld [smem:$0x3FAC]  }
0x31: {  	[smem:$0x3FB5] =	sst s10  }
0x32: {  	s10 =	sld [smem:$0x3FB3];
	_ =	sdelay $0x3  }
0x33: {  	p0 =	seq.s32 s10, $0x1;
	s10 =	sld [smem:$0x3FB5];
	_ =	sdelay $0x3  }
0x34: {  	[smem:$0x3FB5] =	sst s10  }
0x35: {  	s10 =	sld [smem:$0x3FB4];
	_ =	sdelay $0x3  }
0x36: {  	p1 =	seq.s32 s10, $0x1;
	s10 =	sld [smem:$0x3FB5];
	_ =	sdelay $0x3  }
0x37: {  	[smem:$0x3FB5] =	sst s10  }
0x38: {  	s10 =	sld [smem:$0x3FB6]  }
0x39: {  	_ = 	snop;
	(pc) =	sbr.ind lr, $3  }
0x3a: {  	_ = 	snop  }
0x3b: {  	_ = 	snop  }
0x3c: {  	p2 =	seq.s32 s10, $0x1;
	s10 =	sld [smem:$0x3FB5]  }
0x3d: {  	_ =	shalt  }
0x3e: {  	_ =	shalt  }
0x3f: {  	_ =	shalt  }
0x40: {  	_ =	shalt  }
0x41: {  	_ =	shalt  }
0x42: {  	_ =	shalt  }
0x43: {  	_ =	shalt  }
0x44: {  	_ =	shalt  }
0x45: {  	_ =	shalt  }
0x46: {  	_ =	shalt  }
0x47: {  	_ =	shalt  }
0x48: {  	_ =	shalt  }
0x49: {  	_ =	shalt  }
0x4a: {  	_ =	shalt  }
0x4b: {  	_ =	shalt  }
0x4c: {  	_ =	shalt  }
0x4d: {  	_ =	shalt  }
0x4e: {  	_ =	shalt  }
0x4f: {  	_ =	shalt  }
0x50: {  	_ =	shalt  }
0x51: {  	_ =	shalt  }
0x52: {  	_ =	shalt  }
0x53: {  	_ =	shalt  }
0x54: {  	_ =	shalt  }
0x55: {  	_ =	shalt  }
0x56: {  	_ =	shalt  }
0x57: {  	_ =	shalt  }
0x58: {  	_ =	shalt  }
0x59: {  	_ =	shalt  }
0x5a: {  	_ =	shalt  }
0x5b: {  	_ =	shalt  }
0x5c: {  	_ =	shalt  }
0x5d: {  	_ =	shalt  }
0x5e: {  	_ =	shalt  }
0x5f: {  	_ =	shalt  }
0x60: {  	_ =	shalt  }
0x61: {  	_ =	shalt  }
0x62: {  	_ =	shalt  }
0x63: {  	_ =	shalt  }
0x64: {  	_ =	shalt  }
0x65: {  	_ =	shalt  }
0x66: {  	_ =	shalt  }
0x67: {  	_ =	shalt  }
0x68: {  	_ =	shalt  }
0x69: {  	_ =	shalt  }
0x6a: {  	_ =	shalt  }
0x6b: {  	_ =	shalt  }
0x6c: {  	_ =	shalt  }
0x6d: {  	_ =	shalt  }
0x6e: {  	_ =	shalt  }
0x6f: {  	_ =	shalt  }
0x70: {  	_ =	shalt  }
0x71: {  	_ =	shalt  }
0x72: {  	_ =	shalt  }
0x73: {  	_ =	shalt  }
0x74: {  	_ =	shalt  }
0x75: {  	_ =	shalt  }
0x76: {  	_ =	shalt  }
0x77: {  	_ =	shalt  }
0x78: {  	_ =	shalt  }
0x79: {  	_ =	shalt  }
0x7a: {  	_ =	shalt  }
0x7b: {  	_ =	shalt  }
0x7c: {  	_ =	shalt  }
0x7d: {  	_ =	shalt  }
0x7e: {  	_ =	shalt  }
0x7f: {  	_ =	shalt  }
0x80: {  	_ =	shalt  }
0x81: {  	_ =	shalt  }
0x82: {  	_ =	shalt  }
0x83: {  	_ =	shalt  }
0x84: {  	_ =	shalt  }
0x85: {  	_ =	shalt  }
0x86: {  	_ =	shalt  }
0x87: {  	_ =	shalt  }
.Lfunc_end0:
.L_simem_size_0:
called_computation.1_lowered:
.L_overlay_start_0:
0x88: {  	s2 =	sld [smem:$0x3FD9]  }
0x89: {  	s3 =	sld [smem:$0x3FFE];
	_ =	sdelay $0x1  }
0x8a: {  	s1 =	srdreg.scid  }
0x8b: {  	s0 =	sand.u32 $0x1, s1  }
0x8c: {  	s17 =	sshll.u32 s0, $0xA;
	s2 =	sadd.s32 s3, s2  }
0x8d: {  	s2 =	sadd.s32 s2, s17  }
0x8e: {  	[smem:$0x3FC1] =	sst s2  }
0x8f: {  	_ = 	snop  }
0x90: {  	(tm) =	ssettm $0x1  }
0x91: {  	s18 =	sld [smem:$0x3FFB];
	_ =	sdelay $0x3  }
0x92: {  	_ =	strace s18  }
0x93: {  	s2 =	sld [smem:$0x3FFC];
	_ =	sdelay $0x3  }
0x94: {  	_ =	strace s2  }
0x95: {  	s2 =	sld [smem:$0x3FFD];
	_ =	sdelay $0x3  }
0x96: {  	_ =	strace s2  }
0x97: {  	_ =	strace $0x8FFFFFFF  }
0x98: {  	s19 =	sld [smem:$0x3FDB];
	_ =	sdelay $0x1  }
0x99: {  	s20 =	simm.s32 $_scs_section_size  }
0x9a: {  	s4 =	simm.s32 $_size__tile_overlayer_lowered;
	s5 =	simm.s32 $_tile_overlayer_lowered  }
0x9b: {  	s6 =	simm.s32 $0x1BFF;
	s21 =	sshll.u32 s5, $0x1;
	s3 =	sadd.s32 s20, s19  }
0x9c: {  	s22 =	simm.s32 $0x0;
	s4 =	sshll.u32 s4, $0x1;
	s5 =	sadd.s32 s21, s3  }
0x9d: {  	[timem:s22], [sflag:s6] =	dma.local [hbm:s5], s4  }
0x9e: {  	_ =	swait.ge [sflag:s6], s4  }
0x9f: {  	s4 =	ssub.s32 $0x0, s4;
	[sflag:s6] =	ssyncset.done $0x0  }
0xa0: {  	[sflag:s6] =	ssyncadd.s32 s4;
	_ =	sdelay $0x1  }
0xa1: {  	s23 =	simm.s32 $0x1B8B  }
0xa2: {  	_ =	swait.ge [sflag:s23], $0x1  }
0xa3: {  	[sflag:s23] =	ssyncset.done $0x0  }
0xa4: {  	[sflag:s23] =	ssyncadd.s32 $0xFFFFFFFF  }
0xa5: {  	s4 =	sld [smem:$0x0]  }
0xa6: {  	s5 =	sand.u32 $0xFFFFFFFE, s1  }
0xa7: {  	p0 =	sne.s32 s1, s5  }
0xa8: {  	s5 =	sshll.u32 @p0 s5, $0xE  }
0xa9: {  	s5 =	sadd.s32 @p0 $0x11B8D, s5;
	s6 =	sshll.u32 @p0 s4, $0x11  }
0xaa: {  	s5 =	sor.u32 @p0 s6, s5  }
0xab: {  	[sflag:s5] =	ssyncadd.remote.s32 @p0 $0x1;
	_ =	sdelay $0x1  }
0xac: {  	s5 =	simm.s32 @p0 $0x1B8D  }
0xad: {  	_ =	swait.eq @p0 [sflag:s5], $0x1  }
0xae: {  	[sflag:s5] =	ssyncadd.s32 @p0 $0xFFFFFFFF  }
0xaf: {  	s6 =	sshll.u32 @!p0 s1, $0xE  }
0xb0: {  	s6 =	sor.u32 @!p0 $0x4000, s6;
	s5 =	simm.s32 @!p0 $0x1B8D  }
0xb1: {  	s4 =	sshll.u32 @!p0 s4, $0x11;
	s6 =	sadd.s32 @!p0 $0x11B8D, s6;
	_ =	swait.eq @!p0 [sflag:s5], $0x1  }
0xb2: {  	s4 =	sor.u32 @!p0 s4, s6;
	[sflag:s5] =	ssyncadd.s32 @!p0 $0xFFFFFFFF  }
0xb3: {  	s25 =	simm.s32 $0x1B8E;
	s24 =	sld [smem:$0x3FFE];
	[sflag:s4] =	ssyncadd.remote.s32 @!p0 $0x1  }
0xb4: {  	s26 =	simm.s32 $execute0_lowered;
	[smem:$0x3FD2] =	sst s25  }
0xb5: {  	s5 =	sshll.u32 s26, $0x1;
	_ =	strace $0x80000049;
	[dreg:$0x1] =	wrdreg $0xFFFFFFFF  }
0xb6: {  	s28 =	simm.s32 $_size_execute0_lowered;
	s3 =	sadd.s32 s3, s5;
	[dreg:$0x0] =	wrdreg $0x0  }
0xb7: {  	s5 =	sshll.u32 s28, $0x1;
	[dreg:$0x2] =	wrdreg s3  }
0xb8: {  	[dreg:$0x3] =	wrdreg s5  }
0xb9: {  	[dreg:$0x4] =	wrdreg $0xC0  }
0xba: {  	_ =	task [dreg:s22], $0x5FFFF  }
0xbb: {  	[dreg:$0x1] =	wrdreg $0xFFFFFFFF  }
0xbc: {  	[dreg:$0x0] =	wrdreg $0x60  }
0xbd: {  	[dreg:$0x2] =	wrdreg s24  }
0xbe: {  	[dreg:$0x3] =	wrdreg $0xA  }
0xbf: {  	_ =	task.clear_ibuf [dreg:s22], $0x4FFFF;
	_ =	strace $0x90000049  }
0xc0: {  	s29 =	simm.s32 $0xA;
	_ =	strace $0x8000004B  }
0xc1: {  	_ =	swait.ge [sflag:s29], $0x1  }
0xc2: {  	[sflag:s29] =	ssyncadd.s32 $0xFFFFFFFF  }
0xc3: {  	_ =	strace $0x9000004B  }
0xc4: {  	_ =	sfence  }
0xc5: {  	s30 =	sld [smem:$0x0];
	_ =	sdelay $0x2  }
0xc6: {  	s31 =	sshll.u32 s1, $0xD;
	s1 =	sshrl.u32 s1, $0x2  }
0xc7: {  	s4 =	sand.u32 $0x4000, s31;
	s1 =	sadd.s32 s1, s30  }
0xc8: {  	s0 =	sor.u32 s4, s0;
	s1 =	sshll.u32 s1, $0x11  }
0xc9: {  	s0 =	sor.u32 s1, s0  }
0xca: {  	s0 =	sadd.s32 $0x8F2B, s0  }
0xcb: {  	[sflag:s0] =	ssyncadd.remote.s32 $0x1  }
0xcc: {  	_ =	sfence.sel $0xFFFF  }
0xcd: {  	[dreg:$0x0] =	wrdreg $0xFFFFFFFF;
	(pc) =	sbr.abs _section_cstart, $3  }
0xce: {  	[dreg:$0x1] =	wrdreg $0xFFFFFFFF  }
0xcf: {  	_ =	task.clear_ibuf [dreg:s22], $0x2FFFF;
	_ =	strace $0x9FFFFFFF  }
0xd0: {  	(tm) =	ssettm $0x7FFFFFFF  }
0xd1: {  	_ =	shalt  }
tec
execute0_lowered:
.L_overlay_start_1:
0x0: {  	(tag) =	ssettag $0x1  }
0x1: {  	s8 =	rddreg [dreg:$0x0]  }
0x2: {  	s0 =	rddreg [dreg:$0x1];
	s1 =	simm.s32 $0x0;
	s3 =	srdreg.scid  }
0x3: {  	s12 =	simm.s32 $0x3;
	s13 =	simm.s32 $0x6000;
	s14 =	simm.s32 $0x12000  }
0x4: {  	s15 =	simm.s32 $0x1;
	s16 =	simm.s32 $0x2;
	[smem:$0x7FF] =	sst s1  }
0x5: {  	s17 =	simm.s32 $0x0;
	s2 =	sadd.s32 $0x1E1800, s8;
	s4 =	sadd.s32 $0x201800, s8  }
0x6: {  	s5 =	sadd.s32 $0x221800, s8;
	s7 =	sand.u32 $0x1, s3;
	s6 =	sadd.s32 $0x241800, s8  }
0x7: {  	s3 =	stileid.u32;
	s8 =	sadd.s32 $0x301800, s8;
	s9 =	ssub.s32 $0x2, s7  }
0x8: {  	s11 =	sshll.u32 s3, $0x9;
	s7 =	sshll.u32 s7, $0x8;
	s10 =	sshrl.u32 s9, $0x1  }
0x9: {  	_ =	strace $0x8000004A;
	s7 =	sor.u32 s7, s11;
	s9 =	ssub.s32 s9, s10  }
0xa: {  	v0 =	vimm.f32 $0.0e+00;
	s11 =	simm.s32 $0x4000;
	s10 =	simm.s32 $0x2000;
	s9 =	smax.u32 s9, $0x1  }
.LBB2_1:
0xb: {  	s19 =	simm.s32 $0xFFFFFFFE;
	s20 =	simm.s32 $0x0  }
.LBB2_2:
0xc: {  	s19 =	sadd.s32 $0x2, s19  }
0xd: {  	s18 =	sshrl.u32 s19, $0x3  }
0xe: {  	s18 =	smul.u32 $0x1800, s18  }
0xf: {  	s23 =	sand.u32 $0x300, s20  }
0x10: {  	s22 =	sor.u32 s23, s18  }
0x11: {  	[tilespmem:s22+$0x6000] =	vst v0  }
0x12: {  	[tilespmem:s22+$0x12000] =	vst v0  }
0x13: {  	[tilespmem:s22+$0x6010] =	vst v0  }
0x14: {  	[tilespmem:s22+$0x12010] =	vst v0  }
0x15: {  	[tilespmem:s22+$0x6020] =	vst v0  }
0x16: {  	[tilespmem:s22+$0x12020] =	vst v0  }
0x17: {  	[tilespmem:s22+$0x6030] =	vst v0  }
0x18: {  	[tilespmem:s22+$0x12030] =	vst v0  }
0x19: {  	[tilespmem:s22+$0x6040] =	vst v0  }
0x1a: {  	[tilespmem:s22+$0x12040] =	vst v0  }
0x1b: {  	[tilespmem:s22+$0x6050] =	vst v0  }
0x1c: {  	[tilespmem:s22+$0x12050] =	vst v0  }
0x1d: {  	[tilespmem:s22+$0x6060] =	vst v0  }
0x1e: {  	[tilespmem:s22+$0x12060] =	vst v0  }
0x1f: {  	[tilespmem:s22+$0x6070] =	vst v0  }
0x20: {  	[tilespmem:s22+$0x12070] =	vst v0  }
0x21: {  	[tilespmem:s22+$0x6400] =	vst v0  }
0x22: {  	[tilespmem:s22+$0x12400] =	vst v0  }
0x23: {  	[tilespmem:s22+$0x6410] =	vst v0  }
0x24: {  	[tilespmem:s22+$0x12410] =	vst v0  }
0x25: {  	[tilespmem:s22+$0x6420] =	vst v0  }
0x26: {  	[tilespmem:s22+$0x12420] =	vst v0  }
0x27: {  	[tilespmem:s22+$0x6430] =	vst v0  }
0x28: {  	[tilespmem:s22+$0x12430] =	vst v0  }
0x29: {  	[tilespmem:s22+$0x6440] =	vst v0  }
0x2a: {  	[tilespmem:s22+$0x12440] =	vst v0  }
0x2b: {  	[tilespmem:s22+$0x6450] =	vst v0  }
0x2c: {  	[tilespmem:s22+$0x12450] =	vst v0  }
0x2d: {  	[tilespmem:s22+$0x6460] =	vst v0  }
0x2e: {  	[tilespmem:s22+$0x12460] =	vst v0  }
0x2f: {  	s21 =	sadd.s32 $0x800, s18;
	[tilespmem:s22+$0x6470] =	vst v0  }
0x30: {  	[tilespmem:s22+$0x12470] =	vst v0;
	s24 =	sor.u32 s23, s21  }
0x31: {  	[tilespmem:s24+$0x6000] =	vst v0  }
0x32: {  	[tilespmem:s24+$0x12000] =	vst v0  }
0x33: {  	[tilespmem:s24+$0x6010] =	vst v0  }
0x34: {  	[tilespmem:s24+$0x12010] =	vst v0  }
0x35: {  	[tilespmem:s24+$0x6020] =	vst v0  }
0x36: {  	[tilespmem:s24+$0x12020] =	vst v0  }
0x37: {  	[tilespmem:s24+$0x6030] =	vst v0  }
0x38: {  	[tilespmem:s24+$0x12030] =	vst v0  }
0x39: {  	[tilespmem:s24+$0x6040] =	vst v0  }
0x3a: {  	[tilespmem:s24+$0x12040] =	vst v0  }
0x3b: {  	[tilespmem:s24+$0x6050] =	vst v0  }
0x3c: {  	[tilespmem:s24+$0x12050] =	vst v0  }
0x3d: {  	[tilespmem:s24+$0x6060] =	vst v0  }
0x3e: {  	[tilespmem:s24+$0x12060] =	vst v0  }
0x3f: {  	s29 =	sadd.s32 $0xC00, s18;
	[tilespmem:s24+$0x6070] =	vst v0  }
0x40: {  	s25 =	sor.u32 s23, s29;
	[tilespmem:s24+$0x12070] =	vst v0  }
0x41: {  	[tilespmem:s25+$0x6000] =	vst v0  }
0x42: {  	[tilespmem:s25+$0x12000] =	vst v0  }
0x43: {  	[tilespmem:s25+$0x6010] =	vst v0  }
0x44: {  	[tilespmem:s25+$0x12010] =	vst v0  }
0x45: {  	[tilespmem:s25+$0x6020] =	vst v0  }
0x46: {  	[tilespmem:s25+$0x12020] =	vst v0  }
0x47: {  	[tilespmem:s25+$0x6030] =	vst v0  }
0x48: {  	[tilespmem:s25+$0x12030] =	vst v0  }
0x49: {  	[tilespmem:s25+$0x6040] =	vst v0  }
0x4a: {  	[tilespmem:s25+$0x12040] =	vst v0  }
0x4b: {  	[tilespmem:s25+$0x6050] =	vst v0  }
0x4c: {  	[tilespmem:s25+$0x12050] =	vst v0  }
0x4d: {  	[tilespmem:s25+$0x6060] =	vst v0  }
0x4e: {  	[tilespmem:s25+$0x12060] =	vst v0  }
0x4f: {  	s30 =	sadd.s32 $0x1000, s18;
	[tilespmem:s25+$0x6070] =	vst v0  }
0x50: {  	s26 =	sor.u32 s23, s30;
	[tilespmem:s25+$0x12070] =	vst v0  }
0x51: {  	[tilespmem:s26+$0x6000] =	vst v0  }
0x52: {  	[tilespmem:s26+$0x12000] =	vst v0  }
0x53: {  	[tilespmem:s26+$0x6010] =	vst v0  }
0x54: {  	[tilespmem:s26+$0x12010] =	vst v0  }
0x55: {  	[tilespmem:s26+$0x6020] =	vst v0  }
0x56: {  	[tilespmem:s26+$0x12020] =	vst v0  }
0x57: {  	[tilespmem:s26+$0x6030] =	vst v0  }
0x58: {  	[tilespmem:s26+$0x12030] =	vst v0  }
0x59: {  	[tilespmem:s26+$0x6040] =	vst v0  }
0x5a: {  	[tilespmem:s26+$0x12040] =	vst v0  }
0x5b: {  	[tilespmem:s26+$0x6050] =	vst v0  }
0x5c: {  	[tilespmem:s26+$0x12050] =	vst v0  }
0x5d: {  	[tilespmem:s26+$0x6060] =	vst v0  }
0x5e: {  	[tilespmem:s26+$0x12060] =	vst v0  }
0x5f: {  	s25 =	sadd.s32 $0x1400, s18;
	[tilespmem:s26+$0x6070] =	vst v0  }
0x60: {  	[tilespmem:s26+$0x12070] =	vst v0;
	s31 =	sor.u32 s23, s25  }
0x61: {  	[tilespmem:s31+$0x6000] =	vst v0  }
0x62: {  	[tilespmem:s31+$0x12000] =	vst v0  }
0x63: {  	[tilespmem:s31+$0x6010] =	vst v0  }
0x64: {  	[tilespmem:s31+$0x12010] =	vst v0  }
0x65: {  	[tilespmem:s31+$0x6020] =	vst v0  }
0x66: {  	[tilespmem:s31+$0x12020] =	vst v0  }
0x67: {  	[tilespmem:s31+$0x6030] =	vst v0  }
0x68: {  	[tilespmem:s31+$0x12030] =	vst v0  }
0x69: {  	[tilespmem:s31+$0x6040] =	vst v0  }
0x6a: {  	[tilespmem:s31+$0x12040] =	vst v0  }
0x6b: {  	[tilespmem:s31+$0x6050] =	vst v0  }
0x6c: {  	[tilespmem:s31+$0x12050] =	vst v0  }
0x6d: {  	[tilespmem:s31+$0x6060] =	vst v0  }
0x6e: {  	[tilespmem:s31+$0x12060] =	vst v0  }
0x6f: {  	s23 =	sor.u32 $0x80, s23;
	[tilespmem:s31+$0x6070] =	vst v0  }
0x70: {  	[tilespmem:s31+$0x12070] =	vst v0;
	s18 =	sor.u32 s18, s23  }
0x71: {  	[tilespmem:s18+$0x6000] =	vst v0  }
0x72: {  	[tilespmem:s18+$0x12000] =	vst v0  }
0x73: {  	[tilespmem:s18+$0x6010] =	vst v0  }
0x74: {  	[tilespmem:s18+$0x12010] =	vst v0  }
0x75: {  	[tilespmem:s18+$0x6020] =	vst v0  }
0x76: {  	[tilespmem:s18+$0x12020] =	vst v0  }
0x77: {  	[tilespmem:s18+$0x6030] =	vst v0  }
0x78: {  	[tilespmem:s18+$0x12030] =	vst v0  }
0x79: {  	[tilespmem:s18+$0x6040] =	vst v0  }
0x7a: {  	[tilespmem:s18+$0x12040] =	vst v0  }
0x7b: {  	[tilespmem:s18+$0x6050] =	vst v0  }
0x7c: {  	[tilespmem:s18+$0x12050] =	vst v0  }
0x7d: {  	[tilespmem:s18+$0x6060] =	vst v0  }
0x7e: {  	[tilespmem:s18+$0x12060] =	vst v0  }
0x7f: {  	[tilespmem:s18+$0x6070] =	vst v0  }
0x80: {  	[tilespmem:s18+$0x12070] =	vst v0  }
0x81: {  	[tilespmem:s18+$0x6400] =	vst v0  }
0x82: {  	[tilespmem:s18+$0x12400] =	vst v0  }
0x83: {  	[tilespmem:s18+$0x6410] =	vst v0  }
0x84: {  	[tilespmem:s18+$0x12410] =	vst v0  }
0x85: {  	[tilespmem:s18+$0x6420] =	vst v0  }
0x86: {  	[tilespmem:s18+$0x12420] =	vst v0  }
0x87: {  	[tilespmem:s18+$0x6430] =	vst v0  }
0x88: {  	[tilespmem:s18+$0x12430] =	vst v0  }
0x89: {  	[tilespmem:s18+$0x6440] =	vst v0  }
0x8a: {  	[tilespmem:s18+$0x12440] =	vst v0  }
0x8b: {  	[tilespmem:s18+$0x6450] =	vst v0  }
0x8c: {  	[tilespmem:s18+$0x12450] =	vst v0  }
0x8d: {  	[tilespmem:s18+$0x6460] =	vst v0  }
0x8e: {  	[tilespmem:s18+$0x12460] =	vst v0  }
0x8f: {  	[tilespmem:s18+$0x6470] =	vst v0  }
0x90: {  	s28 =	sor.u32 s23, s21;
	[tilespmem:s18+$0x12470] =	vst v0  }
0x91: {  	[tilespmem:s28+$0x6000] =	vst v0  }
0x92: {  	[tilespmem:s28+$0x12000] =	vst v0  }
0x93: {  	[tilespmem:s28+$0x6010] =	vst v0  }
0x94: {  	[tilespmem:s28+$0x12010] =	vst v0  }
0x95: {  	[tilespmem:s28+$0x6020] =	vst v0  }
0x96: {  	[tilespmem:s28+$0x12020] =	vst v0  }
0x97: {  	[tilespmem:s28+$0x6030] =	vst v0  }
0x98: {  	[tilespmem:s28+$0x12030] =	vst v0  }
0x99: {  	[tilespmem:s28+$0x6040] =	vst v0  }
0x9a: {  	[tilespmem:s28+$0x12040] =	vst v0  }
0x9b: {  	[tilespmem:s28+$0x6050] =	vst v0  }
0x9c: {  	[tilespmem:s28+$0x12050] =	vst v0  }
0x9d: {  	[tilespmem:s28+$0x6060] =	vst v0  }
0x9e: {  	[tilespmem:s28+$0x12060] =	vst v0  }
0x9f: {  	[tilespmem:s28+$0x6070] =	vst v0  }
0xa0: {  	s29 =	sor.u32 s23, s29;
	[tilespmem:s28+$0x12070] =	vst v0  }
0xa1: {  	[tilespmem:s29+$0x6000] =	vst v0  }
0xa2: {  	[tilespmem:s29+$0x12000] =	vst v0  }
0xa3: {  	[tilespmem:s29+$0x6010] =	vst v0  }
0xa4: {  	[tilespmem:s29+$0x12010] =	vst v0  }
0xa5: {  	[tilespmem:s29+$0x6020] =	vst v0  }
0xa6: {  	[tilespmem:s29+$0x12020] =	vst v0  }
0xa7: {  	[tilespmem:s29+$0x6030] =	vst v0  }
0xa8: {  	[tilespmem:s29+$0x12030] =	vst v0  }
0xa9: {  	[tilespmem:s29+$0x6040] =	vst v0  }
0xaa: {  	[tilespmem:s29+$0x12040] =	vst v0  }
0xab: {  	[tilespmem:s29+$0x6050] =	vst v0  }
0xac: {  	[tilespmem:s29+$0x12050] =	vst v0  }
0xad: {  	[tilespmem:s29+$0x6060] =	vst v0  }
0xae: {  	[tilespmem:s29+$0x12060] =	vst v0  }
0xaf: {  	[tilespmem:s29+$0x6070] =	vst v0  }
0xb0: {  	s30 =	sor.u32 s23, s30;
	[tilespmem:s29+$0x12070] =	vst v0  }
0xb1: {  	[tilespmem:s30+$0x6000] =	vst v0  }
0xb2: {  	[tilespmem:s30+$0x12000] =	vst v0  }
0xb3: {  	[tilespmem:s30+$0x6010] =	vst v0  }
0xb4: {  	[tilespmem:s30+$0x12010] =	vst v0  }
0xb5: {  	[tilespmem:s30+$0x6020] =	vst v0  }
0xb6: {  	[tilespmem:s30+$0x12020] =	vst v0  }
0xb7: {  	[tilespmem:s30+$0x6030] =	vst v0  }
0xb8: {  	[tilespmem:s30+$0x12030] =	vst v0  }
0xb9: {  	[tilespmem:s30+$0x6040] =	vst v0  }
0xba: {  	[tilespmem:s30+$0x12040] =	vst v0  }
0xbb: {  	[tilespmem:s30+$0x6050] =	vst v0  }
0xbc: {  	[tilespmem:s30+$0x12050] =	vst v0  }
0xbd: {  	[tilespmem:s30+$0x6060] =	vst v0  }
0xbe: {  	[tilespmem:s30+$0x12060] =	vst v0  }
0xbf: {  	[tilespmem:s30+$0x6070] =	vst v0  }
0xc0: {  	s31 =	sor.u32 s23, s25;
	[tilespmem:s30+$0x12070] =	vst v0  }
0xc1: {  	[tilespmem:s31+$0x6000] =	vst v0  }
0xc2: {  	[tilespmem:s31+$0x12000] =	vst v0  }
0xc3: {  	[tilespmem:s31+$0x6010] =	vst v0  }
0xc4: {  	[tilespmem:s31+$0x12010] =	vst v0  }
0xc5: {  	[tilespmem:s31+$0x6020] =	vst v0  }
0xc6: {  	[tilespmem:s31+$0x12020] =	vst v0  }
0xc7: {  	[tilespmem:s31+$0x6030] =	vst v0  }
0xc8: {  	[tilespmem:s31+$0x12030] =	vst v0  }
0xc9: {  	[tilespmem:s31+$0x6040] =	vst v0  }
0xca: {  	[tilespmem:s31+$0x12040] =	vst v0  }
0xcb: {  	p0 =	slt.u32 s19, $0x3E;
	[tilespmem:s31+$0x6050] =	vst v0  }
.Ltmp0:
0xcc: {  	[tilespmem:s31+$0x12050] =	vst v0;
	(pc) =	sbr.rel @p0 .LBB2_2-.Ltmp0, $4  }
0xcd: {  	[tilespmem:s31+$0x6060] =	vst v0  }
0xce: {  	[tilespmem:s31+$0x12060] =	vst v0  }
0xcf: {  	[tilespmem:s31+$0x6070] =	vst v0  }
0xd0: {  	s20 =	sadd.s32 $0x100, s20;
	s18 =	simm.s32 $0x0;
	[tilespmem:s31+$0x12070] =	vst v0  }
.LBB2_3:
0xd1: {  	p0 =	seq.s32 s18, $0x0  }
.Ltmp1:
0xd2: {  	_ = 	snop;
	(pc) =	sbr.rel @p0 .LBB2_9-.Ltmp1, $1  }
0xd3: {  	_ =	sdelay $0x3  }
0xd4: {  	_ =	swait.ge [sflag:s15], $0xC000  }
0xd5: {  	[sflag:s15] =	ssyncset.done $0x0  }
0xd6: {  	s20 =	simm.s32 $0x100;
	[sflag:s15] =	ssyncadd.s32 $0xFFFF4000  }
0xd7: {  	v2 =	vld [tilespmem:s20+$0x80];
	_ =	sdelay $0x2  }
0xd8: {  	v5 =	vimm.s32 $0x0  }
0xd9: {  	v1 =	vshrl.u32 v5, $0x3  }
0xda: {  	v16 =	vmul.u32 $0x1800, v1;
	v1 =	vshll.u32 v2, $0x3  }
0xdb: {  	v3 =	vshll.u32 v5, $0x7;
	v4 =	vand.u32 $0xFFFFFC00, v1  }
0xdc: {  	v2 =	vand.u32 $0x7F, v2;
	v1 =	vand.u32 $0x200, v3;
	v3 =	vadd.s32 v16, v4  }
0xdd: {  	v7 =	vor.u32 $0x180, v1;
	v2 =	vor.u32 v2, v3;
	v3 =	vld [tilespmem:s20+$0xFFFFFF00]  }
0xde: {  	v6 =	vld [tilespmem:s20+$0x0];
	v2 =	vor.u32 v7, v2;
	_ =	sdelay $0x1  }
0xdf: {  	v4 =	vld [tilespmem:s20+$0xFFFFFF80];
	_ =	sdelay $0x1  }
0xe0: {  	v8 =	vshll.u32 v3, $0x3  }
0xe1: {  	v10 =	vshll.u32 v6, $0x3;
	[tilespmem:v2+s13+$0x0] =	vst.idx.msk $0xffff, v0;
	v8 =	vand.u32 $0xFFFFFC00, v8  }
0xe2: {  	v6 =	vand.u32 $0x7F, v6;
	v3 =	vand.u32 $0x7F, v3;
	v9 =	vld [tilespmem:s20+$0x90];
	v8 =	vadd.s32 v16, v8  }
0xe3: {  	s19 =	simm.s32 $0x300;
	v10 =	vand.u32 $0xFFFFFC00, v10;
	v2 =	vshll.u32 v4, $0x3;
	v8 =	vor.u32 v3, v8  }
0xe4: {  	v14 =	vld [tilespmem:s19+$0xFFFFFF00];
	v10 =	vadd.s32 v16, v10;
	v2 =	vand.u32 $0xFFFFFC00, v2;
	v8 =	vor.u32 v1, v8  }
0xe5: {  	v11 =	vld [tilespmem:s19+$0x80];
	v10 =	vor.u32 v6, v10;
	v4 =	vand.u32 $0x7F, v4;
	v2 =	vadd.s32 v16, v2  }
0xe6: {  	v3 =	vor.u32 $0x80, v1;
	v2 =	vor.u32 v4, v2;
	v4 =	vor.u32 $0x100, v1  }
0xe7: {  	v13 =	vor.u32 v3, v2;
	v10 =	vor.u32 v4, v10;
	v6 =	vshll.u32 v9, $0x3  }
0xe8: {  	v9 =	vand.u32 $0x7F, v9;
	v2 =	vand.u32 $0xFFFFFC00, v6;
	v6 =	vadd.s32 $0x4, v5  }
0xe9: {  	v15 =	vld [tilespmem:s19+$0x0];
	v2 =	vadd.s32 v16, v2;
	v5 =	vshrl.u32 v6, $0x3;
	[tilespmem:v8+s13+$0x0] =	vst.idx.msk $0xffff, v0;
	v8 =	vshll.u32 v14, $0x3  }
0xea: {  	v12 =	vld [tilespmem:s19+$0xFFFFFF80];
	v9 =	vor.u32 v9, v2;
	v2 =	vmul.u32 $0x1800, v5;
	v5 =	vshll.u32 v11, $0x3  }
0xeb: {  	v18 =	vor.u32 v7, v9;
	v7 =	vshll.u32 v6, $0x7;
	v17 =	vand.u32 $0xFFFFFC00, v5  }
0xec: {  	v11 =	vand.u32 $0x7F, v11;
	v5 =	vand.u32 $0x200, v7;
	v17 =	vadd.s32 v2, v17  }
0xed: {  	v14 =	vand.u32 $0x7F, v14;
	v7 =	vor.u32 $0x180, v5;
	v11 =	vor.u32 v11, v17  }
0xee: {  	[tilespmem:v13+s13+$0x0] =	vst.idx.msk $0xffff, v0;
	v19 =	vld [tilespmem:s20+$0xFFFFFF10];
	v8 =	vand.u32 $0xFFFFFC00, v8;
	v13 =	vshll.u32 v15, $0x3;
	v11 =	vor.u32 v7, v11  }
0xef: {  	[tilespmem:v10+s13+$0x0] =	vst.idx.msk $0xffff, v0;
	v15 =	vand.u32 $0x7F, v15;
	v9 =	vshll.u32 v12, $0x3;
	v20 =	vld [tilespmem:s20+$0xFFFFFF90];
	v13 =	vand.u32 $0xFFFFFC00, v13  }
0xf0: {  	v10 =	vld [tilespmem:s20+$0x10];
	v12 =	vand.u32 $0x7F, v12;
	v8 =	vadd.s32 v2, v8;
	v9 =	vand.u32 $0xFFFFFC00, v9  }
0xf1: {  	v13 =	vadd.s32 v2, v13;
	v9 =	vadd.s32 v2, v9;
	v14 =	vor.u32 v14, v8  }
0xf2: {  	v8 =	vor.u32 $0x80, v5;
	v9 =	vor.u32 v12, v9;
	v12 =	vor.u32 v15, v13  }
0xf3: {  	v14 =	vor.u32 v5, v14;
	v13 =	vor.u32 v8, v9;
	v9 =	vor.u32 $0x100, v5;
	[tilespmem:v11+s13+$0x0] =	vst.idx.msk $0xffff, v0  }
0xf4: {  	v15 =	vshll.u32 v19, $0x3;
	v19 =	vand.u32 $0x7F, v19;
	v12 =	vor.u32 v9, v12;
	v11 =	vld [tilespmem:s19+$0x90]  }
0xf5: {  	v17 =	vshll.u32 v20, $0x3;
	v15 =	vand.u32 $0xFFFFFC00, v15;
	v22 =	vshll.u32 v10, $0x3  }
0xf6: {  	[tilespmem:v18+s13+$0x0] =	vst.idx.msk $0xffff, v0;
	v18 =	vand.u32 $0x7F, v20;
	v21 =	vand.u32 $0xFFFFFC00, v17;
	v63 =	vand.u32 $0xFFFFFC00, v22  }
0xf7: {  	s21 =	simm.s32 $0x500;
	s20 =	simm.s32 $0x4;
	v17 =	vadd.s32 v16, v15;
	v15 =	vadd.s32 v16, v21;
	v16 =	vadd.s32 v16, v63  }
.LBB2_5:
0xf8: {  	v20 =	vld [tilespmem:s21+$0x80];
	s20 =	sadd.s32 $0x4, s20;
	[tilespmem:v14+s13+$0x0] =	vst.idx.msk $0xffff, v0;
	v14 =	vor.u32 v19, v17;
	v15 =	vor.u32 v18, v15;
	v10 =	vand.u32 $0x7F, v10  }
0xf9: {  	v17 =	vld [tilespmem:s21+$0xFFFFFF80];
	p0 =	slt.u32 s20, $0x3C;
	[tilespmem:v13+s13+$0x0] =	vst.idx.msk $0xffff, v0;
	v13 =	vshll.u32 v11, $0x3;
	v14 =	vor.u32 v1, v14;
	v18 =	vor.u32 v10, v16  }
0xfa: {  	v16 =	vld [tilespmem:s21+$0x0];
	[tilespmem:v12+s13+$0x0] =	vst.idx.msk $0xffff, v0;
	v10 =	vand.u32 $0xFFFFFC00, v13;
	v12 =	vor.u32 v3, v15;
	v13 =	vor.u32 v4, v18  }
0xfb: {  	v6 =	vadd.s32 $0x4, v6;
	v11 =	vand.u32 $0x7F, v11;
	v1 =	vmovc v5;
	v3 =	vmovc v8;
	v15 =	vld [tilespmem:s21+$0xFFFFFF00];
	v10 =	vadd.s32 v2, v10  }
0xfc: {  	v5 =	vshrl.u32 v6, $0x3;
	v4 =	vmov v9;
	v18 =	vld [tilespmem:s19+$0xFFFFFF10];
	v8 =	vor.u32 v11, v10  }
0xfd: {  	v21 =	vmul.u32 $0x1800, v5;
	v5 =	vshll.u32 v20, $0x3;
	v22 =	vld [tilespmem:s19+$0xFFFFFF90];
	v8 =	vor.u32 v7, v8  }
0xfe: {  	v7 =	vshll.u32 v6, $0x7;
	v9 =	vshll.u32 v17, $0x3;
	v11 =	vand.u32 $0xFFFFFC00, v5;
	v10 =	vld [tilespmem:s19+$0x10];
	[tilespmem:v14+s13+$0x0] =	vst.idx.msk $0xffff, v0;
	s19 =	smov.u32 s21  }
0xff: {  	v5 =	vand.u32 $0x200, v7;
	v14 =	vand.u32 $0x7F, v20;
	v11 =	vadd.s32 v21, v11;
	[tilespmem:v12+s13+$0x0] =	vst.idx.msk $0xffff, v0  }
0x100: {  	v7 =	vor.u32 $0x180, v5;
	v12 =	vshll.u32 v15, $0x3;
	v11 =	vor.u32 v14, v11;
	[tilespmem:v13+s13+$0x0] =	vst.idx.msk $0xffff, v0  }
0x101: {  	v13 =	vshll.u32 v16, $0x3;
	v12 =	vand.u32 $0xFFFFFC00, v12;
	v11 =	vor.u32 v7, v11  }
0x102: {  	v9 =	vand.u32 $0xFFFFFC00, v9;
	v13 =	vand.u32 $0xFFFFFC00, v13;
	v12 =	vadd.s32 v21, v12;
	[tilespmem:v8+s13+$0x0] =	vst.idx.msk $0xffff, v0  }
0x103: {  	v9 =	vadd.s32 v21, v9;
	v8 =	vand.u32 $0x7F, v15;
	v13 =	vadd.s32 v21, v13  }
0x104: {  	v14 =	vand.u32 $0x7F, v17;
	v15 =	vand.u32 $0x7F, v16;
	v12 =	vor.u32 v8, v12  }
0x105: {  	v9 =	vor.u32 v14, v9;
	v8 =	vor.u32 $0x80, v5;
	v15 =	vor.u32 v15, v13  }
.Ltmp2:
0x106: {  	v14 =	vor.u32 v5, v12;
	v13 =	vor.u32 v8, v9;
	v9 =	vor.u32 $0x100, v5;
	[tilespmem:v11+s13+$0x0] =	vst.idx.msk $0xffff, v0;
	(pc) =	sbr.rel @p0 .LBB2_5-.Ltmp2, $4  }
0x107: {  	v16 =	vshll.u32 v22, $0x3;
	v12 =	vor.u32 v9, v15;
	v15 =	vshll.u32 v18, $0x3;
	v11 =	vld [tilespmem:s21+$0x90]  }
0x108: {  	v16 =	vand.u32 $0xFFFFFC00, v16;
	v19 =	vshll.u32 v10, $0x3;
	v15 =	vand.u32 $0xFFFFFC00, v15  }
0x109: {  	v17 =	vadd.s32 v2, v15;
	v15 =	vadd.s32 v2, v16;
	v16 =	vand.u32 $0xFFFFFC00, v19  }
0x10a: {  	s21 =	sadd.s32 $0x200, s21;
	v19 =	vand.u32 $0x7F, v18;
	v18 =	vand.u32 $0x7F, v22;
	v16 =	vadd.s32 v2, v16;
	v2 =	vmovc v21  }
0x10b: {  	_ =	sdelay $0x3  }
0x10c: {  	[tilespmem:v14+s13+$0x0] =	vst.idx.msk $0xffff, v0  }
0x10d: {  	[tilespmem:v13+s13+$0x0] =	vst.idx.msk $0xffff, v0;
	v6 =	vld [tilespmem:s19+$0xFFFFFF10]  }
0x10e: {  	[tilespmem:v12+s13+$0x0] =	vst.idx.msk $0xffff, v0;
	v12 =	vld [tilespmem:s19+$0xFFFFFF90]  }
0x10f: {  	v13 =	vor.u32 v19, v17;
	v14 =	vor.u32 v18, v15;
	v15 =	vshll.u32 v11, $0x3;
	v17 =	vld [tilespmem:s19+$0x10]  }
0x110: {  	v10 =	vand.u32 $0x7F, v10;
	v1 =	vor.u32 v1, v13;
	v13 =	vand.u32 $0xFFFFFC00, v15  }
0x111: {  	v10 =	vor.u32 v10, v16;
	v11 =	vand.u32 $0x7F, v11;
	v13 =	vadd.s32 v2, v13  }
0x112: {  	v4 =	vor.u32 v4, v10;
	v10 =	vor.u32 v11, v13  }
0x113: {  	v3 =	vor.u32 v3, v14;
	v7 =	vor.u32 v7, v10  }
0x114: {  	v11 =	vshll.u32 v6, $0x3;
	v10 =	vshll.u32 v12, $0x3;
	v13 =	vshll.u32 v17, $0x3  }
0x115: {  	v6 =	vand.u32 $0x7F, v6;
	v12 =	vand.u32 $0x7F, v12;
	v11 =	vand.u32 $0xFFFFFC00, v11  }
0x116: {  	v10 =	vand.u32 $0xFFFFFC00, v10;
	v13 =	vand.u32 $0xFFFFFC00, v13;
	v11 =	vadd.s32 v2, v11  }
0x117: {  	v10 =	vadd.s32 v2, v10;
	v2 =	vadd.s32 v2, v13;
	v6 =	vor.u32 v6, v11  }
0x118: {  	v10 =	vor.u32 v12, v10;
	v11 =	vand.u32 $0x7F, v17;
	v5 =	vor.u32 v5, v6  }
0x119: {  	[tilespmem:v1+s13+$0x0] =	vst.idx.msk $0xffff, v0;
	v1 =	vor.u32 v11, v2;
	v2 =	vor.u32 v8, v10  }
0x11a: {  	[tilespmem:v3+s13+$0x0] =	vst.idx.msk $0xffff, v0;
	v1 =	vor.u32 v9, v1  }
0x11b: {  	[tilespmem:v4+s13+$0x0] =	vst.idx.msk $0xffff, v0  }
0x11c: {  	[tilespmem:v7+s13+$0x0] =	vst.idx.msk $0xffff, v0  }
0x11d: {  	[tilespmem:v5+s13+$0x0] =	vst.idx.msk $0xffff, v0  }
0x11e: {  	[tilespmem:v2+s13+$0x0] =	vst.idx.msk $0xffff, v0  }
0x11f: {  	[tilespmem:v1+s13+$0x0] =	vst.idx.msk $0xffff, v0  }
0x120: {  	_ =	swait.ge [sflag:s16], $0xC000  }
0x121: {  	[sflag:s16] =	ssyncset.done $0x0  }
0x122: {  	s20 =	simm.s32 $0x2100;
	[sflag:s16] =	ssyncadd.s32 $0xFFFF4000  }
0x123: {  	v2 =	vld [tilespmem:s20+$0x80];
	_ =	sdelay $0x2  }
0x124: {  	v5 =	vimm.s32 $0x0  }
0x125: {  	v1 =	vshrl.u32 v5, $0x3  }
0x126: {  	v16 =	vmul.u32 $0x1800, v1;
	v1 =	vshll.u32 v2, $0x3  }
0x127: {  	v3 =	vshll.u32 v5, $0x7;
	v4 =	vand.u32 $0xFFFFFC00, v1  }
0x128: {  	v2 =	vand.u32 $0x7F, v2;
	v1 =	vand.u32 $0x200, v3;
	v3 =	vadd.s32 v16, v4  }
0x129: {  	v7 =	vor.u32 $0x180, v1;
	v2 =	vor.u32 v2, v3;
	v3 =	vld [tilespmem:s20+$0xFFFFFF00]  }
0x12a: {  	v6 =	vld [tilespmem:s20+$0x0];
	v2 =	vor.u32 v7, v2;
	_ =	sdelay $0x1  }
0x12b: {  	v4 =	vld [tilespmem:s20+$0xFFFFFF80];
	_ =	sdelay $0x1  }
0x12c: {  	v8 =	vshll.u32 v3, $0x3  }
0x12d: {  	v10 =	vshll.u32 v6, $0x3;
	[tilespmem:v2+s14+$0x0] =	vst.idx.msk $0xffff, v0;
	v8 =	vand.u32 $0xFFFFFC00, v8  }
0x12e: {  	v6 =	vand.u32 $0x7F, v6;
	v3 =	vand.u32 $0x7F, v3;
	v9 =	vld [tilespmem:s20+$0x90];
	v8 =	vadd.s32 v16, v8  }
0x12f: {  	s19 =	simm.s32 $0x2300;
	v10 =	vand.u32 $0xFFFFFC00, v10;
	v2 =	vshll.u32 v4, $0x3;
	v8 =	vor.u32 v3, v8  }
0x130: {  	v14 =	vld [tilespmem:s19+$0xFFFFFF00];
	v10 =	vadd.s32 v16, v10;
	v2 =	vand.u32 $0xFFFFFC00, v2;
	v8 =	vor.u32 v1, v8  }
0x131: {  	v11 =	vld [tilespmem:s19+$0x80];
	v10 =	vor.u32 v6, v10;
	v4 =	vand.u32 $0x7F, v4;
	v2 =	vadd.s32 v16, v2  }
0x132: {  	v3 =	vor.u32 $0x80, v1;
	v2 =	vor.u32 v4, v2;
	v4 =	vor.u32 $0x100, v1  }
0x133: {  	v13 =	vor.u32 v3, v2;
	v10 =	vor.u32 v4, v10;
	v6 =	vshll.u32 v9, $0x3  }
0x134: {  	v9 =	vand.u32 $0x7F, v9;
	v2 =	vand.u32 $0xFFFFFC00, v6;
	v6 =	vadd.s32 $0x4, v5  }
0x135: {  	v15 =	vld [tilespmem:s19+$0x0];
	v2 =	vadd.s32 v16, v2;
	v5 =	vshrl.u32 v6, $0x3;
	[tilespmem:v8+s14+$0x0] =	vst.idx.msk $0xffff, v0;
	v8 =	vshll.u32 v14, $0x3  }
0x136: {  	v12 =	vld [tilespmem:s19+$0xFFFFFF80];
	v9 =	vor.u32 v9, v2;
	v2 =	vmul.u32 $0x1800, v5;
	v5 =	vshll.u32 v11, $0x3  }
0x137: {  	v18 =	vor.u32 v7, v9;
	v7 =	vshll.u32 v6, $0x7;
	v17 =	vand.u32 $0xFFFFFC00, v5  }
0x138: {  	v11 =	vand.u32 $0x7F, v11;
	v5 =	vand.u32 $0x200, v7;
	v17 =	vadd.s32 v2, v17  }
0x139: {  	v14 =	vand.u32 $0x7F, v14;
	v7 =	vor.u32 $0x180, v5;
	v11 =	vor.u32 v11, v17  }
0x13a: {  	[tilespmem:v13+s14+$0x0] =	vst.idx.msk $0xffff, v0;
	v19 =	vld [tilespmem:s20+$0xFFFFFF10];
	v8 =	vand.u32 $0xFFFFFC00, v8;
	v13 =	vshll.u32 v15, $0x3;
	v11 =	vor.u32 v7, v11  }
0x13b: {  	[tilespmem:v10+s14+$0x0] =	vst.idx.msk $0xffff, v0;
	v15 =	vand.u32 $0x7F, v15;
	v9 =	vshll.u32 v12, $0x3;
	v20 =	vld [tilespmem:s20+$0xFFFFFF90];
	v13 =	vand.u32 $0xFFFFFC00, v13  }
0x13c: {  	v10 =	vld [tilespmem:s20+$0x10];
	v12 =	vand.u32 $0x7F, v12;
	v8 =	vadd.s32 v2, v8;
	v9 =	vand.u32 $0xFFFFFC00, v9  }
0x13d: {  	v13 =	vadd.s32 v2, v13;
	v9 =	vadd.s32 v2, v9;
	v14 =	vor.u32 v14, v8  }
0x13e: {  	v8 =	vor.u32 $0x80, v5;
	v9 =	vor.u32 v12, v9;
	v12 =	vor.u32 v15, v13  }
0x13f: {  	v14 =	vor.u32 v5, v14;
	v13 =	vor.u32 v8, v9;
	v9 =	vor.u32 $0x100, v5;
	[tilespmem:v11+s14+$0x0] =	vst.idx.msk $0xffff, v0  }
0x140: {  	v15 =	vshll.u32 v19, $0x3;
	v19 =	vand.u32 $0x7F, v19;
	v12 =	vor.u32 v9, v12;
	v11 =	vld [tilespmem:s19+$0x90]  }
0x141: {  	v17 =	vshll.u32 v20, $0x3;
	v15 =	vand.u32 $0xFFFFFC00, v15;
	v22 =	vshll.u32 v10, $0x3  }
0x142: {  	[tilespmem:v18+s14+$0x0] =	vst.idx.msk $0xffff, v0;
	v18 =	vand.u32 $0x7F, v20;
	v21 =	vand.u32 $0xFFFFFC00, v17;
	v63 =	vand.u32 $0xFFFFFC00, v22  }
0x143: {  	s21 =	simm.s32 $0x2500;
	s20 =	simm.s32 $0x4;
	v17 =	vadd.s32 v16, v15;
	v15 =	vadd.s32 v16, v21;
	v16 =	vadd.s32 v16, v63  }
.LBB2_7:
0x144: {  	v20 =	vld [tilespmem:s21+$0x80];
	s20 =	sadd.s32 $0x4, s20;
	[tilespmem:v14+s14+$0x0] =	vst.idx.msk $0xffff, v0;
	v14 =	vor.u32 v19, v17;
	v15 =	vor.u32 v18, v15;
	v10 =	vand.u32 $0x7F, v10  }
0x145: {  	v17 =	vld [tilespmem:s21+$0xFFFFFF80];
	p0 =	slt.u32 s20, $0x3C;
	[tilespmem:v13+s14+$0x0] =	vst.idx.msk $0xffff, v0;
	v13 =	vshll.u32 v11, $0x3;
	v14 =	vor.u32 v1, v14;
	v18 =	vor.u32 v10, v16  }
0x146: {  	v16 =	vld [tilespmem:s21+$0x0];
	[tilespmem:v12+s14+$0x0] =	vst.idx.msk $0xffff, v0;
	v10 =	vand.u32 $0xFFFFFC00, v13;
	v12 =	vor.u32 v3, v15;
	v13 =	vor.u32 v4, v18  }
0x147: {  	v6 =	vadd.s32 $0x4, v6;
	v11 =	vand.u32 $0x7F, v11;
	v1 =	vmovc v5;
	v3 =	vmovc v8;
	v15 =	vld [tilespmem:s21+$0xFFFFFF00];
	v10 =	vadd.s32 v2, v10  }
0x148: {  	v5 =	vshrl.u32 v6, $0x3;
	v4 =	vmov v9;
	v18 =	vld [tilespmem:s19+$0xFFFFFF10];
	v8 =	vor.u32 v11, v10  }
0x149: {  	v21 =	vmul.u32 $0x1800, v5;
	v5 =	vshll.u32 v20, $0x3;
	v22 =	vld [tilespmem:s19+$0xFFFFFF90];
	v8 =	vor.u32 v7, v8  }
0x14a: {  	v7 =	vshll.u32 v6, $0x7;
	v9 =	vshll.u32 v17, $0x3;
	v11 =	vand.u32 $0xFFFFFC00, v5;
	v10 =	vld [tilespmem:s19+$0x10];
	[tilespmem:v14+s14+$0x0] =	vst.idx.msk $0xffff, v0;
	s19 =	smov.u32 s21  }
0x14b: {  	v5 =	vand.u32 $0x200, v7;
	v14 =	vand.u32 $0x7F, v20;
	v11 =	vadd.s32 v21, v11;
	[tilespmem:v12+s14+$0x0] =	vst.idx.msk $0xffff, v0  }
0x14c: {  	v7 =	vor.u32 $0x180, v5;
	v12 =	vshll.u32 v15, $0x3;
	v11 =	vor.u32 v14, v11;
	[tilespmem:v13+s14+$0x0] =	vst.idx.msk $0xffff, v0  }
0x14d: {  	v13 =	vshll.u32 v16, $0x3;
	v12 =	vand.u32 $0xFFFFFC00, v12;
	v11 =	vor.u32 v7, v11  }
0x14e: {  	v9 =	vand.u32 $0xFFFFFC00, v9;
	v13 =	vand.u32 $0xFFFFFC00, v13;
	v12 =	vadd.s32 v21, v12;
	[tilespmem:v8+s14+$0x0] =	vst.idx.msk $0xffff, v0  }
0x14f: {  	v9 =	vadd.s32 v21, v9;
	v8 =	vand.u32 $0x7F, v15;
	v13 =	vadd.s32 v21, v13  }
0x150: {  	v14 =	vand.u32 $0x7F, v17;
	v15 =	vand.u32 $0x7F, v16;
	v12 =	vor.u32 v8, v12  }
0x151: {  	v9 =	vor.u32 v14, v9;
	v8 =	vor.u32 $0x80, v5;
	v15 =	vor.u32 v15, v13  }
.Ltmp3:
0x152: {  	v14 =	vor.u32 v5, v12;
	v13 =	vor.u32 v8, v9;
	v9 =	vor.u32 $0x100, v5;
	[tilespmem:v11+s14+$0x0] =	vst.idx.msk $0xffff, v0;
	(pc) =	sbr.rel @p0 .LBB2_7-.Ltmp3, $4  }
0x153: {  	v16 =	vshll.u32 v22, $0x3;
	v12 =	vor.u32 v9, v15;
	v15 =	vshll.u32 v18, $0x3;
	v11 =	vld [tilespmem:s21+$0x90]  }
0x154: {  	v16 =	vand.u32 $0xFFFFFC00, v16;
	v19 =	vshll.u32 v10, $0x3;
	v15 =	vand.u32 $0xFFFFFC00, v15  }
0x155: {  	v17 =	vadd.s32 v2, v15;
	v15 =	vadd.s32 v2, v16;
	v16 =	vand.u32 $0xFFFFFC00, v19  }
0x156: {  	s21 =	sadd.s32 $0x200, s21;
	v19 =	vand.u32 $0x7F, v18;
	v18 =	vand.u32 $0x7F, v22;
	v16 =	vadd.s32 v2, v16;
	v2 =	vmovc v21  }
0x157: {  	_ =	sdelay $0x3  }
0x158: {  	[tilespmem:v14+s14+$0x0] =	vst.idx.msk $0xffff, v0  }
0x159: {  	[tilespmem:v13+s14+$0x0] =	vst.idx.msk $0xffff, v0;
	v6 =	vld [tilespmem:s19+$0xFFFFFF10]  }
0x15a: {  	[tilespmem:v12+s14+$0x0] =	vst.idx.msk $0xffff, v0;
	v53 =	vld [tilespmem:s19+$0xFFFFFF90]  }
0x15b: {  	v55 =	vshll.u32 v11, $0x3;
	v56 =	vld [tilespmem:s19+$0x10]  }
0x15c: {  	v52 =	vor.u32 v19, v17;
	v54 =	vor.u32 v18, v15;
	v57 =	vand.u32 $0xFFFFFC00, v55  }
0x15d: {  	v10 =	vand.u32 $0x7F, v10;
	v58 =	vand.u32 $0x7F, v11;
	v13 =	vadd.s32 v2, v57  }
0x15e: {  	v1 =	vor.u32 v1, v52;
	v10 =	vor.u32 v10, v16;
	v59 =	vor.u32 v58, v13  }
0x15f: {  	v3 =	vor.u32 v3, v54;
	v4 =	vor.u32 v4, v10;
	v7 =	vor.u32 v7, v59  }
0x160: {  	v60 =	vshll.u32 v6, $0x3;
	v61 =	vshll.u32 v53, $0x3;
	v62 =	vshll.u32 v56, $0x3  }
0x161: {  	v6 =	vand.u32 $0x7F, v6;
	v12 =	vand.u32 $0x7F, v53;
	v11 =	vand.u32 $0xFFFFFC00, v60  }
0x162: {  	v63 =	vand.u32 $0x7F, v56;
	v10 =	vand.u32 $0xFFFFFC00, v61;
	v11 =	vadd.s32 v2, v11  }
0x163: {  	v13 =	vand.u32 $0xFFFFFC00, v62;
	v10 =	vadd.s32 v2, v10;
	v6 =	vor.u32 v6, v11  }
0x164: {  	v2 =	vadd.s32 v2, v13;
	v10 =	vor.u32 v12, v10;
	v5 =	vor.u32 v5, v6  }
0x165: {  	[tilespmem:v1+s14+$0x0] =	vst.idx.msk $0xffff, v0;
	v1 =	vor.u32 v63, v2;
	v2 =	vor.u32 v8, v10  }
0x166: {  	[tilespmem:v3+s14+$0x0] =	vst.idx.msk $0xffff, v0;
	v1 =	vor.u32 v9, v1  }
0x167: {  	[tilespmem:v4+s14+$0x0] =	vst.idx.msk $0xffff, v0  }
0x168: {  	[tilespmem:v7+s14+$0x0] =	vst.idx.msk $0xffff, v0  }
0x169: {  	[tilespmem:v5+s14+$0x0] =	vst.idx.msk $0xffff, v0  }
0x16a: {  	[tilespmem:v2+s14+$0x0] =	vst.idx.msk $0xffff, v0  }
0x16b: {  	[tilespmem:v1+s14+$0x0] =	vst.idx.msk $0xffff, v0  }
.LBB2_9:
0x16c: {  	s19 =	sshll.u32 s18, $0x6  }
0x16d: {  	s19 =	sadd.s32 s7, s19  }
0x16e: {  	s20 =	sshll.u32 s19, $0x4  }
0x16f: {  	s21 =	sadd.s32 s2, s20  }
0x170: {  	[tilespmem:s1], [sflag:$0x3] =	stream.linear.gather [hbm4b:s21+s1], $0x2000, $0x38;
	[tilespmem:$0x1E000] =	vst v63  }
0x171: {  	s30 =	sadd.s32 s4, s20  }
0x172: {  	[tilespmem:s10], [sflag:$0x3] =	stream.linear.gather [hbm4b:s30+s1], $0x2000, $0x38;
	[tilespmem:$0x1E000] =	vst v63  }
0x173: {  	s20 =	sadd.s32 s5, s20  }
0x174: {  	[tilespmem:s11], [sflag:$0x3] =	stream.linear.gather [hbm4b:s20+s1], $0x2000, $0x38;
	[tilespmem:$0x1E000] =	vst v63  }
0x175: {  	_ =	swait.ge [sflag:s12], $0x2000  }
0x176: {  	[sflag:s12] =	ssyncset.done $0x0  }
0x177: {  	[sflag:s12] =	ssyncadd.s32 $0xFFFFE000  }
0x178: {  	_ =	swait.ge [sflag:s12], $0x2000  }
0x179: {  	[sflag:s12] =	ssyncset.done $0x0  }
0x17a: {  	[sflag:s12] =	ssyncadd.s32 $0xFFFFE000  }
0x17b: {  	_ =	swait.ge [sflag:s12], $0x2000  }
0x17c: {  	[sflag:s12] =	ssyncset.done $0x0  }
0x17d: {  	s31 =	simm.s32 $0x100;
	[sflag:s12] =	ssyncadd.s32 $0xFFFFE000  }
0x17e: {  	v3 =	vld [tilespmem:s31+$0xFFFFFF80]  }
0x17f: {  	v5 =	vld [tilespmem:s31+$0xFFFFFF00];
	_ =	sdelay $0x1  }
0x180: {  	v6 =	vimm.s32 $0x0  }
0x181: {  	v1 =	vshrl.u32 v6, $0x3;
	v7 =	vld [tilespmem:s31+$0x0]  }
0x182: {  	v4 =	vshll.u32 v6, $0x7;
	v1 =	vmul.u32 $0x1800, v1;
	v9 =	vld [tilespmem:s31+$0x80];
	v2 =	vshll.u32 v3, $0x3  }
0x183: {  	s20 =	simm.s32 $0x4100;
	v3 =	vand.u32 $0x7F, v3;
	v10 =	vshll.u32 v5, $0x3;
	v8 =	vand.u32 $0xFFFFFC00, v2  }
0x184: {  	v11 =	vld [tilespmem:s20+$0x0];
	v5 =	vand.u32 $0x7F, v5;
	v2 =	vand.u32 $0x200, v4;
	v8 =	vadd.s32 v1, v8  }
0x185: {  	v13 =	vld [tilespmem:s20+$0x80];
	v4 =	vor.u32 $0x80, v2;
	v3 =	vor.u32 v3, v8;
	v8 =	vand.u32 $0xFFFFFC00, v10  }
0x186: {  	v12 =	vshll.u32 v7, $0x3;
	v10 =	vld [tilespmem:s20+$0xFFFFFF80];
	v3 =	vor.u32 v4, v3;
	v8 =	vadd.s32 v1, v8  }
0x187: {  	s22 =	simm.s32 $0x300;
	v14 =	vld [tilespmem:s20+$0xFFFFFF00];
	v7 =	vand.u32 $0x7F, v7;
	v5 =	vor.u32 v5, v8;
	v8 =	vshll.u32 v9, $0x3  }
0x188: {  	v20 =	vld [tilespmem:s22+$0xFFFFFF00];
	v12 =	vand.u32 $0xFFFFFC00, v12;
	v15 =	vor.u32 v2, v5;
	v5 =	vand.u32 $0xFFFFFC00, v8  }
0x189: {  	v19 =	vld [tilespmem:s22+$0x80];
	v12 =	vadd.s32 v1, v12;
	v9 =	vand.u32 $0x7F, v9;
	v5 =	vadd.s32 v1, v5  }
0x18a: {  	v7 =	vor.u32 v7, v12;
	v12 =	vld [tilespmem:s22+$0x0];
	v9 =	vor.u32 v9, v5;
	v5 =	vor.u32 $0x180, v2  }
0x18b: {  	[tilespmem:v3+s13+$0x0] =	vst.idx.add.f32.msk $0xffff, v10;
	v3 =	vor.u32 $0x100, v2;
	v17 =	vor.u32 v5, v9  }
0x18c: {  	v16 =	vld [tilespmem:s31+$0xFFFFFF90];
	v7 =	vor.u32 v3, v7  }
0x18d: {  	v8 =	vld [tilespmem:s22+$0xFFFFFF80]  }
0x18e: {  	[tilespmem:v15+s13+$0x0] =	vst.idx.add.f32.msk $0xffff, v14  }
0x18f: {  	v9 =	vadd.s32 $0x4, v6;
	v10 =	vld [tilespmem:s31+$0xFFFFFF10]  }
0x190: {  	v18 =	vand.u32 $0x7F, v20;
	v22 =	vshll.u32 v12, $0x3;
	[tilespmem:v17+s13+$0x0] =	vst.idx.add.f32.msk $0xffff, v13;
	v13 =	vshrl.u32 v9, $0x3  }
0x191: {  	v14 =	vshll.u32 v16, $0x3;
	v16 =	vand.u32 $0x7F, v16;
	[tilespmem:v7+s13+$0x0] =	vst.idx.add.f32.msk $0xffff, v11;
	v7 =	vshll.u32 v20, $0x3  }
0x192: {  	v20 =	vshll.u32 v19, $0x3;
	v15 =	vld [tilespmem:s31+$0x90];
	v6 =	vand.u32 $0xFFFFFC00, v14;
	v14 =	vshll.u32 v9, $0x7  }
0x193: {  	v21 =	vand.u32 $0xFFFFFC00, v7;
	v7 =	vmul.u32 $0x1800, v13;
	v20 =	vand.u32 $0xFFFFFC00, v20;
	v13 =	vld [tilespmem:s20+$0xFFFFFF90]  }
0x194: {  	s24 =	simm.s32 $0x4;
	s23 =	simm.s32 $0x4100;
	s21 =	simm.s32 $0x300;
	v17 =	vadd.s32 v1, v6;
	v6 =	vand.u32 $0x200, v14;
	v14 =	vld [tilespmem:s31+$0x10];
	v11 =	vand.u32 $0x7F, v10  }
.LBB2_10:
0x195: {  	s24 =	sadd.s32 $0x4, s24;
	v23 =	vshll.u32 v8, $0x3;
	v22 =	vand.u32 $0xFFFFFC00, v22;
	v19 =	vand.u32 $0x7F, v19;
	v24 =	vld [tilespmem:s20+$0xFFFFFF10];
	s23 =	sadd.s32 $0x200, s23  }
0x196: {  	v26 =	vor.u32 $0x100, v6;
	p0 =	slt.u32 s24, $0x3C;
	v23 =	vand.u32 $0xFFFFFC00, v23;
	v25 =	vld [tilespmem:s23+$0x0];
	v22 =	vadd.s32 v7, v22  }
0x197: {  	v27 =	vor.u32 $0x80, v6;
	v21 =	vadd.s32 v7, v21;
	v23 =	vadd.s32 v7, v23;
	v28 =	vld [tilespmem:s23+$0x80]  }
0x198: {  	v8 =	vand.u32 $0x7F, v8;
	v12 =	vand.u32 $0x7F, v12;
	v16 =	vor.u32 v16, v17;
	v29 =	vld [tilespmem:s23+$0xFFFFFF00]  }
0x199: {  	s22 =	sadd.s32 $0x200, s22;
	v20 =	vadd.s32 v7, v20;
	v16 =	vor.u32 v4, v16;
	v4 =	vmovc v27;
	v23 =	vor.u32 v8, v23;
	v17 =	vld [tilespmem:s23+$0xFFFFFF80]  }
0x19a: {  	v12 =	vor.u32 v12, v22;
	v22 =	vand.u32 $0x7F, v14;
	v23 =	vor.u32 v4, v23;
	v8 =	vld [tilespmem:s22+$0xFFFFFF80]  }
0x19b: {  	v27 =	vor.u32 v26, v12;
	v12 =	vor.u32 v19, v20;
	v19 =	vshll.u32 v15, $0x3;
	v20 =	vld [tilespmem:s20+$0x10]  }
0x19c: {  	v10 =	vshll.u32 v10, $0x3;
	v18 =	vor.u32 v18, v21;
	v21 =	vor.u32 $0x180, v6;
	v30 =	vld [tilespmem:s20+$0x90];
	s20 =	smov.u32 s23  }
0x19d: {  	v14 =	vshll.u32 v14, $0x3;
	v18 =	vor.u32 v6, v18;
	v15 =	vand.u32 $0x7F, v15;
	v31 =	vld [tilespmem:s22+$0xFFFFFF00]  }
0x19e: {  	v32 =	vor.u32 v21, v12;
	v12 =	vand.u32 $0xFFFFFC00, v14;
	[tilespmem:v16+s13+$0x0] =	vst.idx.add.f32.msk $0xffff, v13;
	v13 =	vand.u32 $0xFFFFFC00, v19  }
0x19f: {  	v10 =	vand.u32 $0xFFFFFC00, v10;
	v14 =	vadd.s32 v1, v12;
	[tilespmem:v23+s13+$0x0] =	vst.idx.add.f32.msk $0xffff, v17;
	v13 =	vadd.s32 v1, v13  }
0x1a0: {  	v10 =	vadd.s32 v1, v10;
	v14 =	vor.u32 v22, v14;
	v1 =	vmovc v7;
	v12 =	vld [tilespmem:s22+$0x0];
	v13 =	vor.u32 v15, v13  }
0x1a1: {  	v10 =	vor.u32 v11, v10;
	v11 =	vor.u32 v3, v14;
	v3 =	vmovc v26;
	v7 =	vld [tilespmem:s21+$0xFFFFFF90];
	v13 =	vor.u32 v5, v13  }
0x1a2: {  	v14 =	vor.u32 v2, v10;
	v2 =	vmov v6;
	v5 =	vmov v21;
	[tilespmem:v18+s13+$0x0] =	vst.idx.add.f32.msk $0xffff, v29  }
0x1a3: {  	[tilespmem:v32+s13+$0x0] =	vst.idx.add.f32.msk $0xffff, v28  }
0x1a4: {  	v19 =	vld [tilespmem:s22+$0x80]  }
0x1a5: {  	v10 =	vld [tilespmem:s21+$0xFFFFFF10]  }
0x1a6: {  	[tilespmem:v13+s13+$0x0] =	vst.idx.add.f32.msk $0xffff, v30  }
0x1a7: {  	v9 =	vadd.s32 $0x4, v9;
	v6 =	vshll.u32 v7, $0x3;
	[tilespmem:v14+s13+$0x0] =	vst.idx.add.f32.msk $0xffff, v24  }
.Ltmp4:
0x1a8: {  	v13 =	vshrl.u32 v9, $0x3;
	v6 =	vand.u32 $0xFFFFFC00, v6;
	[tilespmem:v11+s13+$0x0] =	vst.idx.add.f32.msk $0xffff, v20;
	(pc) =	sbr.rel @p0 .LBB2_10-.Ltmp4, $4  }
0x1a9: {  	v16 =	vand.u32 $0x7F, v7;
	v11 =	vshll.u32 v9, $0x7;
	v17 =	vadd.s32 v1, v6;
	[tilespmem:v27+s13+$0x0] =	vst.idx.add.f32.msk $0xffff, v25  }
0x1aa: {  	v18 =	vand.u32 $0x7F, v31;
	v7 =	vshll.u32 v31, $0x3;
	v6 =	vand.u32 $0x200, v11;
	v14 =	vld [tilespmem:s21+$0x10]  }
0x1ab: {  	v21 =	vand.u32 $0xFFFFFC00, v7;
	v20 =	vshll.u32 v19, $0x3;
	v11 =	vand.u32 $0x7F, v10;
	v15 =	vld [tilespmem:s21+$0x90];
	s21 =	smov.u32 s22  }
0x1ac: {  	v22 =	vshll.u32 v12, $0x3;
	v7 =	vmul.u32 $0x1800, v13;
	v20 =	vand.u32 $0xFFFFFC00, v20;
	v13 =	vld [tilespmem:s23+$0xFFFFFF90]  }
0x1ad: {  	v9 =	vshll.u32 v8, $0x3;
	v8 =	vand.u32 $0x7F, v8;
	v23 =	vor.u32 $0x80, v6  }
0x1ae: {  	v19 =	vand.u32 $0x7F, v19;
	v9 =	vand.u32 $0xFFFFFC00, v9;
	v21 =	vadd.s32 v7, v21  }
0x1af: {  	s22 =	sadd.s32 $0x200, s23;
	v20 =	vadd.s32 v7, v20;
	v9 =	vadd.s32 v7, v9;
	v18 =	vor.u32 v18, v21  }
0x1b0: {  	v21 =	vld [tilespmem:s22+$0xFFFFFF00];
	v19 =	vor.u32 v19, v20;
	v20 =	vor.u32 $0x180, v6;
	v18 =	vor.u32 v6, v18  }
0x1b1: {  	v10 =	vshll.u32 v10, $0x3;
	v24 =	vld [tilespmem:s22+$0x80];
	v8 =	vor.u32 v8, v9;
	v19 =	vor.u32 v20, v19  }
0x1b2: {  	v10 =	vand.u32 $0xFFFFFC00, v10;
	v9 =	vand.u32 $0xFFFFFC00, v22;
	v22 =	vld [tilespmem:s22+$0xFFFFFF80];
	v8 =	vor.u32 v23, v8  }
0x1b3: {  	v12 =	vand.u32 $0x7F, v12;
	v25 =	vld [tilespmem:s22+$0x0];
	v10 =	vadd.s32 v1, v10;
	v9 =	vadd.s32 v7, v9  }
0x1b4: {  	v26 =	vor.u32 $0x100, v6;
	v10 =	vor.u32 v11, v10;
	v11 =	vld [tilespmem:s20+$0xFFFFFF10];
	v9 =	vor.u32 v12, v9  }
0x1b5: {  	v9 =	vor.u32 v26, v9;
	[tilespmem:v18+s13+$0x0] =	vst.idx.add.f32.msk $0xffff, v21  }
0x1b6: {  	[tilespmem:v19+s13+$0x0] =	vst.idx.add.f32.msk $0xffff, v24  }
0x1b7: {  	[tilespmem:v8+s13+$0x0] =	vst.idx.add.f32.msk $0xffff, v22  }
0x1b8: {  	v12 =	vor.u32 v16, v17;
	v17 =	vld [tilespmem:s21+$0xFFFFFF10]  }
0x1b9: {  	v16 =	vshll.u32 v15, $0x3;
	v8 =	vld [tilespmem:s21+$0xFFFFFF90]  }
0x1ba: {  	v4 =	vor.u32 v4, v12;
	v12 =	vand.u32 $0x7F, v14;
	v16 =	vand.u32 $0xFFFFFC00, v16;
	[tilespmem:v9+s13+$0x0] =	vst.idx.add.f32.msk $0xffff, v25  }
0x1bb: {  	v14 =	vshll.u32 v14, $0x3;
	v9 =	vand.u32 $0x7F, v15;
	v15 =	vadd.s32 v1, v16;
	v16 =	vld [tilespmem:s21+$0x10]  }
0x1bc: {  	v2 =	vor.u32 v2, v10;
	v14 =	vand.u32 $0xFFFFFC00, v14;
	v9 =	vor.u32 v9, v15;
	v15 =	vld [tilespmem:s21+$0x90]  }
0x1bd: {  	v18 =	vld [tilespmem:s20+$0x90];
	v1 =	vadd.s32 v1, v14;
	v5 =	vor.u32 v5, v9  }
0x1be: {  	v1 =	vor.u32 v12, v1;
	v9 =	vshll.u32 v8, $0x3  }
0x1bf: {  	v1 =	vor.u32 v3, v1;
	v3 =	vand.u32 $0x7F, v17;
	v9 =	vand.u32 $0xFFFFFC00, v9  }
0x1c0: {  	v10 =	vld [tilespmem:s20+$0x10];
	v8 =	vand.u32 $0x7F, v8;
	v9 =	vadd.s32 v7, v9;
	v12 =	vshll.u32 v16, $0x3  }
0x1c1: {  	[tilespmem:v2+s13+$0x0] =	vst.idx.add.f32.msk $0xffff, v11;
	v2 =	vand.u32 $0x7F, v15;
	v8 =	vor.u32 v8, v9;
	v9 =	vshll.u32 v15, $0x3  }
0x1c2: {  	[tilespmem:v5+s13+$0x0] =	vst.idx.add.f32.msk $0xffff, v18;
	v5 =	vshll.u32 v17, $0x3;
	v12 =	vand.u32 $0xFFFFFC00, v12;
	v9 =	vand.u32 $0xFFFFFC00, v9  }
0x1c3: {  	[tilespmem:v4+s13+$0x0] =	vst.idx.add.f32.msk $0xffff, v13;
	v4 =	vor.u32 v23, v8;
	v5 =	vand.u32 $0xFFFFFC00, v5;
	v9 =	vadd.s32 v7, v9  }
0x1c4: {  	v11 =	vld [tilespmem:s22+$0xFFFFFF90];
	v8 =	vand.u32 $0x7F, v16;
	v5 =	vadd.s32 v7, v5;
	v2 =	vor.u32 v2, v9  }
0x1c5: {  	v7 =	vadd.s32 v7, v12;
	v9 =	vld [tilespmem:s22+$0x90];
	v3 =	vor.u32 v3, v5;
	v2 =	vor.u32 v20, v2  }
0x1c6: {  	v5 =	vld [tilespmem:s22+$0xFFFFFF10];
	v7 =	vor.u32 v8, v7;
	v3 =	vor.u32 v6, v3  }
0x1c7: {  	v6 =	vld [tilespmem:s22+$0x10];
	v7 =	vor.u32 v26, v7  }
0x1c8: {  	[tilespmem:v1+s13+$0x0] =	vst.idx.add.f32.msk $0xffff, v10  }
0x1c9: {  	s19 =	sshrl.u32 s19, $0x3;
	[tilespmem:v4+s13+$0x0] =	vst.idx.add.f32.msk $0xffff, v11  }
0x1ca: {  	s19 =	smul.u32 $0x300, s19;
	[tilespmem:v2+s13+$0x0] =	vst.idx.add.f32.msk $0xffff, v9  }
0x1cb: {  	[tilespmem:v3+s13+$0x0] =	vst.idx.add.f32.msk $0xffff, v5  }
0x1cc: {  	s31 =	simm.s32 $0x2100;
	s30 =	sadd.s32 s6, s19;
	[tilespmem:v7+s13+$0x0] =	vst.idx.add.f32.msk $0xffff, v6  }
0x1cd: {  	[hbm4b:s30+s1] =	stream.linear.scatter [tilespmem:s13], [sflag:$0x1], $0xC000, $0x38;
	[tilespmem:$0x1E000] =	vst v63  }
0x1ce: {  	v3 =	vld [tilespmem:s31+$0xFFFFFF80]  }
0x1cf: {  	v5 =	vld [tilespmem:s31+$0xFFFFFF00];
	_ =	sdelay $0x1  }
0x1d0: {  	v6 =	vimm.s32 $0x0  }
0x1d1: {  	v1 =	vshrl.u32 v6, $0x3;
	v7 =	vld [tilespmem:s31+$0x0]  }
0x1d2: {  	v4 =	vshll.u32 v6, $0x7;
	v1 =	vmul.u32 $0x1800, v1;
	v9 =	vld [tilespmem:s31+$0x80];
	v2 =	vshll.u32 v3, $0x3  }
0x1d3: {  	s20 =	simm.s32 $0x4100;
	v3 =	vand.u32 $0x7F, v3;
	v10 =	vshll.u32 v5, $0x3;
	v8 =	vand.u32 $0xFFFFFC00, v2  }
0x1d4: {  	v11 =	vld [tilespmem:s20+$0x0];
	v5 =	vand.u32 $0x7F, v5;
	v2 =	vand.u32 $0x200, v4;
	v8 =	vadd.s32 v1, v8  }
0x1d5: {  	v13 =	vld [tilespmem:s20+$0x80];
	v4 =	vor.u32 $0x80, v2;
	v3 =	vor.u32 v3, v8;
	v8 =	vand.u32 $0xFFFFFC00, v10  }
0x1d6: {  	v12 =	vshll.u32 v7, $0x3;
	v10 =	vld [tilespmem:s20+$0xFFFFFF80];
	v3 =	vor.u32 v4, v3;
	v8 =	vadd.s32 v1, v8  }
0x1d7: {  	s22 =	simm.s32 $0x2300;
	v14 =	vld [tilespmem:s20+$0xFFFFFF00];
	v7 =	vand.u32 $0x7F, v7;
	v5 =	vor.u32 v5, v8;
	v8 =	vshll.u32 v9, $0x3  }
0x1d8: {  	v20 =	vld [tilespmem:s22+$0xFFFFFF00];
	v12 =	vand.u32 $0xFFFFFC00, v12;
	v15 =	vor.u32 v2, v5;
	v5 =	vand.u32 $0xFFFFFC00, v8  }
0x1d9: {  	v19 =	vld [tilespmem:s22+$0x80];
	v12 =	vadd.s32 v1, v12;
	v9 =	vand.u32 $0x7F, v9;
	v5 =	vadd.s32 v1, v5  }
0x1da: {  	v7 =	vor.u32 v7, v12;
	v12 =	vld [tilespmem:s22+$0x0];
	v9 =	vor.u32 v9, v5;
	v5 =	vor.u32 $0x180, v2  }
0x1db: {  	[tilespmem:v3+s14+$0x0] =	vst.idx.add.f32.msk $0xffff, v10;
	v3 =	vor.u32 $0x100, v2;
	v17 =	vor.u32 v5, v9  }
0x1dc: {  	v16 =	vld [tilespmem:s31+$0xFFFFFF90];
	v7 =	vor.u32 v3, v7  }
0x1dd: {  	v8 =	vld [tilespmem:s22+$0xFFFFFF80]  }
0x1de: {  	[tilespmem:v15+s14+$0x0] =	vst.idx.add.f32.msk $0xffff, v14  }
0x1df: {  	v9 =	vadd.s32 $0x4, v6;
	v10 =	vld [tilespmem:s31+$0xFFFFFF10]  }
0x1e0: {  	v18 =	vand.u32 $0x7F, v20;
	v22 =	vshll.u32 v12, $0x3;
	[tilespmem:v17+s14+$0x0] =	vst.idx.add.f32.msk $0xffff, v13;
	v13 =	vshrl.u32 v9, $0x3  }
0x1e1: {  	v14 =	vshll.u32 v16, $0x3;
	v16 =	vand.u32 $0x7F, v16;
	[tilespmem:v7+s14+$0x0] =	vst.idx.add.f32.msk $0xffff, v11;
	v7 =	vshll.u32 v20, $0x3  }
0x1e2: {  	v20 =	vshll.u32 v19, $0x3;
	v15 =	vld [tilespmem:s31+$0x90];
	v6 =	vand.u32 $0xFFFFFC00, v14;
	v14 =	vshll.u32 v9, $0x7  }
0x1e3: {  	v21 =	vand.u32 $0xFFFFFC00, v7;
	v7 =	vmul.u32 $0x1800, v13;
	v20 =	vand.u32 $0xFFFFFC00, v20;
	v13 =	vld [tilespmem:s20+$0xFFFFFF90]  }
0x1e4: {  	s24 =	simm.s32 $0x4;
	s23 =	simm.s32 $0x4100;
	s21 =	simm.s32 $0x2300;
	v17 =	vadd.s32 v1, v6;
	v6 =	vand.u32 $0x200, v14;
	v14 =	vld [tilespmem:s31+$0x10];
	v11 =	vand.u32 $0x7F, v10  }
.LBB2_12:
0x1e5: {  	s24 =	sadd.s32 $0x4, s24;
	v23 =	vshll.u32 v8, $0x3;
	v22 =	vand.u32 $0xFFFFFC00, v22;
	v19 =	vand.u32 $0x7F, v19;
	v24 =	vld [tilespmem:s20+$0xFFFFFF10];
	s23 =	sadd.s32 $0x200, s23  }
0x1e6: {  	v26 =	vor.u32 $0x100, v6;
	p0 =	slt.u32 s24, $0x3C;
	v23 =	vand.u32 $0xFFFFFC00, v23;
	v25 =	vld [tilespmem:s23+$0x0];
	v22 =	vadd.s32 v7, v22  }
0x1e7: {  	v27 =	vor.u32 $0x80, v6;
	v21 =	vadd.s32 v7, v21;
	v23 =	vadd.s32 v7, v23;
	v28 =	vld [tilespmem:s23+$0x80]  }
0x1e8: {  	v8 =	vand.u32 $0x7F, v8;
	v12 =	vand.u32 $0x7F, v12;
	v16 =	vor.u32 v16, v17;
	v29 =	vld [tilespmem:s23+$0xFFFFFF00]  }
0x1e9: {  	s22 =	sadd.s32 $0x200, s22;
	v20 =	vadd.s32 v7, v20;
	v16 =	vor.u32 v4, v16;
	v4 =	vmovc v27;
	v23 =	vor.u32 v8, v23;
	v17 =	vld [tilespmem:s23+$0xFFFFFF80]  }
0x1ea: {  	v12 =	vor.u32 v12, v22;
	v22 =	vand.u32 $0x7F, v14;
	v23 =	vor.u32 v4, v23;
	v8 =	vld [tilespmem:s22+$0xFFFFFF80]  }
0x1eb: {  	v27 =	vor.u32 v26, v12;
	v12 =	vor.u32 v19, v20;
	v19 =	vshll.u32 v15, $0x3;
	v20 =	vld [tilespmem:s20+$0x10]  }
0x1ec: {  	v10 =	vshll.u32 v10, $0x3;
	v18 =	vor.u32 v18, v21;
	v21 =	vor.u32 $0x180, v6;
	v30 =	vld [tilespmem:s20+$0x90];
	s20 =	smov.u32 s23  }
0x1ed: {  	v14 =	vshll.u32 v14, $0x3;
	v18 =	vor.u32 v6, v18;
	v15 =	vand.u32 $0x7F, v15;
	v31 =	vld [tilespmem:s22+$0xFFFFFF00]  }
0x1ee: {  	v32 =	vor.u32 v21, v12;
	v12 =	vand.u32 $0xFFFFFC00, v14;
	[tilespmem:v16+s14+$0x0] =	vst.idx.add.f32.msk $0xffff, v13;
	v13 =	vand.u32 $0xFFFFFC00, v19  }
0x1ef: {  	v10 =	vand.u32 $0xFFFFFC00, v10;
	v14 =	vadd.s32 v1, v12;
	[tilespmem:v23+s14+$0x0] =	vst.idx.add.f32.msk $0xffff, v17;
	v13 =	vadd.s32 v1, v13  }
0x1f0: {  	v10 =	vadd.s32 v1, v10;
	v14 =	vor.u32 v22, v14;
	v1 =	vmovc v7;
	v12 =	vld [tilespmem:s22+$0x0];
	v13 =	vor.u32 v15, v13  }
0x1f1: {  	v10 =	vor.u32 v11, v10;
	v11 =	vor.u32 v3, v14;
	v3 =	vmovc v26;
	v7 =	vld [tilespmem:s21+$0xFFFFFF90];
	v13 =	vor.u32 v5, v13  }
0x1f2: {  	v14 =	vor.u32 v2, v10;
	v2 =	vmov v6;
	v5 =	vmov v21;
	[tilespmem:v18+s14+$0x0] =	vst.idx.add.f32.msk $0xffff, v29  }
0x1f3: {  	[tilespmem:v32+s14+$0x0] =	vst.idx.add.f32.msk $0xffff, v28  }
0x1f4: {  	v19 =	vld [tilespmem:s22+$0x80]  }
0x1f5: {  	v10 =	vld [tilespmem:s21+$0xFFFFFF10]  }
0x1f6: {  	[tilespmem:v13+s14+$0x0] =	vst.idx.add.f32.msk $0xffff, v30  }
0x1f7: {  	v9 =	vadd.s32 $0x4, v9;
	v6 =	vshll.u32 v7, $0x3;
	[tilespmem:v14+s14+$0x0] =	vst.idx.add.f32.msk $0xffff, v24  }
.Ltmp5:
0x1f8: {  	v13 =	vshrl.u32 v9, $0x3;
	v6 =	vand.u32 $0xFFFFFC00, v6;
	[tilespmem:v11+s14+$0x0] =	vst.idx.add.f32.msk $0xffff, v20;
	(pc) =	sbr.rel @p0 .LBB2_12-.Ltmp5, $4  }
0x1f9: {  	v16 =	vand.u32 $0x7F, v7;
	v11 =	vshll.u32 v9, $0x7;
	v17 =	vadd.s32 v1, v6;
	[tilespmem:v27+s14+$0x0] =	vst.idx.add.f32.msk $0xffff, v25  }
0x1fa: {  	v18 =	vand.u32 $0x7F, v31;
	v7 =	vshll.u32 v31, $0x3;
	v6 =	vand.u32 $0x200, v11;
	v14 =	vld [tilespmem:s21+$0x10]  }
0x1fb: {  	v21 =	vand.u32 $0xFFFFFC00, v7;
	v20 =	vshll.u32 v19, $0x3;
	v11 =	vand.u32 $0x7F, v10;
	v15 =	vld [tilespmem:s21+$0x90];
	s21 =	smov.u32 s22  }
0x1fc: {  	v22 =	vshll.u32 v12, $0x3;
	v7 =	vmul.u32 $0x1800, v13;
	v20 =	vand.u32 $0xFFFFFC00, v20;
	v13 =	vld [tilespmem:s23+$0xFFFFFF90]  }
0x1fd: {  	v9 =	vshll.u32 v8, $0x3;
	v36 =	vand.u32 $0x7F, v8  }
0x1fe: {  	v19 =	vand.u32 $0x7F, v19;
	v40 =	vor.u32 $0x180, v6;
	v21 =	vadd.s32 v7, v21  }
0x1ff: {  	s22 =	sadd.s32 $0x200, s23;
	v9 =	vand.u32 $0xFFFFFC00, v9;
	v20 =	vadd.s32 v7, v20;
	v18 =	vor.u32 v18, v21  }
0x200: {  	v39 =	vld [tilespmem:s22+$0xFFFFFF00];
	v9 =	vadd.s32 v7, v9;
	v19 =	vor.u32 v19, v20;
	v18 =	vor.u32 v6, v18  }
0x201: {  	v23 =	vor.u32 $0x80, v6;
	v24 =	vld [tilespmem:s22+$0x80];
	v8 =	vor.u32 v36, v9;
	v19 =	vor.u32 v40, v19  }
0x202: {  	v38 =	vld [tilespmem:s22+$0xFFFFFF80];
	v8 =	vor.u32 v23, v8  }
0x203: {  	v37 =	vand.u32 $0xFFFFFC00, v22;
	v52 =	vld [tilespmem:s20+$0xFFFFFF10]  }
0x204: {  	v12 =	vand.u32 $0x7F, v12;
	v25 =	vld [tilespmem:s22+$0x0];
	v9 =	vadd.s32 v7, v37  }
0x205: {  	v26 =	vor.u32 $0x100, v6;
	v9 =	vor.u32 v12, v9;
	[tilespmem:v18+s14+$0x0] =	vst.idx.add.f32.msk $0xffff, v39  }
0x206: {  	v9 =	vor.u32 v26, v9;
	[tilespmem:v19+s14+$0x0] =	vst.idx.add.f32.msk $0xffff, v24  }
0x207: {  	v10 =	vshll.u32 v10, $0x3;
	[tilespmem:v8+s14+$0x0] =	vst.idx.add.f32.msk $0xffff, v38  }
0x208: {  	v41 =	vor.u32 v16, v17;
	v10 =	vand.u32 $0xFFFFFC00, v10;
	v42 =	vand.u32 $0x7F, v14;
	v44 =	vld [tilespmem:s21+$0xFFFFFF10]  }
0x209: {  	v45 =	vshll.u32 v14, $0x3;
	v10 =	vadd.s32 v1, v10;
	v43 =	vshll.u32 v15, $0x3;
	v49 =	vld [tilespmem:s21+$0x90]  }
0x20a: {  	v46 =	vand.u32 $0x7F, v15;
	v10 =	vor.u32 v11, v10;
	v16 =	vand.u32 $0xFFFFFC00, v43;
	v8 =	vld [tilespmem:s21+$0xFFFFFF90]  }
0x20b: {  	v14 =	vand.u32 $0xFFFFFC00, v45;
	v2 =	vor.u32 v2, v10;
	v47 =	vadd.s32 v1, v16;
	[tilespmem:v9+s14+$0x0] =	vst.idx.add.f32.msk $0xffff, v25  }
0x20c: {  	v1 =	vadd.s32 v1, v14;
	v9 =	vor.u32 v46, v47;
	v48 =	vld [tilespmem:s21+$0x10]  }
0x20d: {  	v50 =	vld [tilespmem:s20+$0x90];
	v1 =	vor.u32 v42, v1;
	v5 =	vor.u32 v5, v9  }
0x20e: {  	v4 =	vor.u32 v4, v41;
	v1 =	vor.u32 v3, v1  }
0x20f: {  	v3 =	vand.u32 $0x7F, v44;
	v56 =	vshll.u32 v49, $0x3;
	v57 =	vshll.u32 v44, $0x3  }
0x210: {  	[tilespmem:v2+s14+$0x0] =	vst.idx.add.f32.msk $0xffff, v52;
	v2 =	vand.u32 $0x7F, v49;
	v51 =	vshll.u32 v8, $0x3;
	v8 =	vand.u32 $0x7F, v8  }
0x211: {  	v53 =	vld [tilespmem:s20+$0x10];
	v9 =	vand.u32 $0xFFFFFC00, v51;
	v55 =	vand.u32 $0x7F, v48;
	v58 =	vshll.u32 v48, $0x3  }
0x212: {  	[tilespmem:v5+s14+$0x0] =	vst.idx.add.f32.msk $0xffff, v50;
	v5 =	vand.u32 $0xFFFFFC00, v57;
	v9 =	vadd.s32 v7, v9;
	v12 =	vand.u32 $0xFFFFFC00, v58  }
0x213: {  	[tilespmem:v4+s14+$0x0] =	vst.idx.add.f32.msk $0xffff, v13;
	v5 =	vadd.s32 v7, v5;
	v8 =	vor.u32 v8, v9;
	v9 =	vand.u32 $0xFFFFFC00, v56  }
0x214: {  	v59 =	vld [tilespmem:s22+$0xFFFFFF90];
	v61 =	vadd.s32 v7, v12;
	v3 =	vor.u32 v3, v5;
	v54 =	vor.u32 v23, v8  }
0x215: {  	v62 =	vld [tilespmem:s22+$0xFFFFFF10];
	v9 =	vadd.s32 v7, v9;
	v7 =	vor.u32 v55, v61;
	v3 =	vor.u32 v6, v3  }
0x216: {  	v63 =	vld [tilespmem:s22+$0x10];
	v2 =	vor.u32 v2, v9;
	v7 =	vor.u32 v26, v7  }
0x217: {  	s18 =	sadd.s32 $0x1, s18;
	v60 =	vld [tilespmem:s22+$0x90];
	v2 =	vor.u32 v40, v2  }
0x218: {  	p0 =	sne.s32 s18, $0x4;
	[tilespmem:v1+s14+$0x0] =	vst.idx.add.f32.msk $0xffff, v53  }
.Ltmp6:
0x219: {  	[tilespmem:v54+s14+$0x0] =	vst.idx.add.f32.msk $0xffff, v59;
	(pc) =	sbr.rel @p0 .LBB2_3-.Ltmp6, $4  }
0x21a: {  	[tilespmem:v3+s14+$0x0] =	vst.idx.add.f32.msk $0xffff, v62  }
0x21b: {  	[tilespmem:v7+s14+$0x0] =	vst.idx.add.f32.msk $0xffff, v63  }
0x21c: {  	s19 =	sadd.s32 s19, s8;
	[tilespmem:v2+s14+$0x0] =	vst.idx.add.f32.msk $0xffff, v60  }
0x21d: {  	[hbm4b:s19+s1] =	stream.linear.scatter [tilespmem:s14], [sflag:$0x2], $0xC000, $0x38;
	[tilespmem:$0x1E000] =	vst v63  }
0x21e: {  	s17 =	sadd.s32 $0x1, s17  }
0x21f: {  	_ =	swait.ge [sflag:s15], $0xC000;
	p0 =	sne.s32 s17, s9  }
.Ltmp7:
0x220: {  	[sflag:s15] =	ssyncset.done $0x0;
	(pc) =	sbr.rel @p0 .LBB2_1-.Ltmp7, $4  }
0x221: {  	[sflag:s15] =	ssyncadd.s32 $0xFFFF4000  }
0x222: {  	_ =	swait.ge [sflag:s16], $0xC000  }
0x223: {  	[sflag:s16] =	ssyncset.done $0x0  }
0x224: {  	[sflag:s16] =	ssyncadd.s32 $0xFFFF4000  }
0x225: {  	_ =	sfence.sel $0x180000  }
0x226: {  	[bflag:$0x0] =	sbarrier.arrive $0xFFFF  }
0x227: {  	p0 =	sne.s32 s3, $0x0;
	_ =	strace $0x9000004A  }
0x228: {  	s0 =	sadd.s32 @!p0 $0x100000, s0;
	[bflag:$0x2] =	sbarrier.arrive $0xFFFF  }
0x229: {  	[sflag:s0] =	ssyncadd.tile.s32 @!p0 $0x1;
	_ =	shalt  }
.Lfunc_end2:
_tile_overlayer_lowered:
.L_overlay_start_2:
0x22a: {  	(tag) =	ssettag $0x2  }
0x22b: {  	s0 =	rddreg [dreg:$0x0];
	s2 =	stileid.u32  }
0x22c: {  	s1 =	rddreg [dreg:$0x1];
	p0 =	sne.s32 s2, $0x0  }
0x22d: {  	s3 =	rddreg [dreg:$0x2];
	[bflag:$0x3] =	sbarrier.arrive $0xFFFF;
	s2 =	simm.s32 @!p0 $0x1C04  }
0x22e: {  	[timem:s3], [sflag:s2] =	dma.local @!p0 [hbm:s0], s1  }
0x22f: {  	s0 =	simm.s32 @!p0 $0x4  }
0x230: {  	_ =	swait.ge @!p0 [sflag:s0], s1  }
0x231: {  	s1 =	ssub.s32 @!p0 $0x0, s1;
	[sflag:s0] =	ssyncset.done @!p0 $0x0  }
0x232: {  	[sflag:s0] =	ssyncadd.s32 @!p0 s1  }
0x233: {  	[bflag:$0x3] =	sbarrier.arrive $0xFFFF  }
0x234: {  	_ =	shalt  }

</sc_bundles>
